<compile_context>
chip_gen: v7x
topology: tpu7x:2x2x1
jax: 0.10.2.dev20260603
libtpu: 0.0.44.dev20260713+nightly
codegen_flags: <defaults>
</compile_context>

<pallas_src>
import functools

import jax
import jax.numpy as jnp
from jax import lax
from jax.experimental import pallas as pl
from jax.experimental.pallas import tpu as pltpu
from jax.experimental.pallas import tpu_sc as plsc

K = 16
B = 4
N = 4096

SC_N = 768
TC_N = N - SC_N
R = 1664
NSLICE = 32
S = N // NSLICE

NW = 32
WPB = NW // B
RPW = SC_N // WPB
L = 16
NCELL = 8
JCH = (N // L) // NCELL


def _knn_block(pts_all_ref, pts_rows_ref, out_ref):
    pts_all = pts_all_ref[0]
    pts_rows = pts_rows_ref[0]

    inf = jnp.float32(jnp.inf)

    sqx = jnp.sum(pts_rows * pts_rows, axis=1, keepdims=True)
    sqy = jnp.sum(pts_all * pts_all, axis=0, keepdims=True)
    gramn = jax.lax.dot_general(
        pts_rows * -2.0, pts_all, (((1,), (0,)), ((), ())),
        preferred_element_type=jnp.float32,
    )

    m1 = jnp.full((R, S), inf, dtype=jnp.float32)
    m2 = jnp.full((R, S), inf, dtype=jnp.float32)
    for j in range(NSLICE):
        sl = slice(j * S, (j + 1) * S)
        d2 = (sqx + sqy[:, sl]) + gramn[:, sl]
        m2 = jnp.minimum(m2, jnp.maximum(m1, d2))
        m1 = jnp.minimum(m1, d2)

    cand = jnp.concatenate([m1, m2], axis=1)

    acc = jnp.zeros((1, 1), dtype=jnp.float32)
    mprev = jnp.full((R, 1), -jnp.inf, dtype=jnp.float32)
    for t in range(K + 1):
        masked = jnp.where(cand > mprev, cand, inf)
        m = jnp.min(masked, axis=1, keepdims=True)
        if t > 0:
            mc = jnp.maximum(m, 0.0)
            acc = acc + jnp.sum(jnp.sqrt(mc + 1e-12)).reshape(1, 1)
        mprev = m

    out_ref[0, 0] = jnp.broadcast_to(acc, (8, 128))


def _gather16(x, idx):
    dnums = lax.GatherDimensionNumbers(
        offset_dims=(), collapsed_slice_dims=(0,), start_index_map=(0,))
    return lax.gather(x, idx[:, None], dnums, (1,),
                      mode=lax.GatherScatterMode.PROMISE_IN_BOUNDS)


def _sqrt16(x):
    bits = lax.bitcast_convert_type(x, jnp.int32)
    y = lax.bitcast_convert_type(jnp.int32(0x5F3759DF) - (bits >> 1),
                                 jnp.float32)
    for _ in range(3):
        y = y * (1.5 - 0.5 * x * y * y)
    return x * y


_sc_mesh = plsc.VectorSubcoreMesh(core_axis_name="c", subcore_axis_name="s")


@functools.partial(
    pl.kernel,
    mesh=_sc_mesh,
    out_type=jax.ShapeDtypeStruct((NW, L), jnp.float32),
    scratch_types=[
        pltpu.VMEM((3, N), jnp.float32),
        pltpu.VMEM((3, RPW, L), jnp.float32),
        pltpu.VMEM((L,), jnp.float32),
    ],
)
def _sc_knn(pts_hbm, rs_hbm, out_hbm, pts_v, rs_v, acc_v):
    wid = lax.axis_index("s") * 2 + lax.axis_index("c")
    b = wid // WPB
    kk = wid % WPB

    pltpu.sync_copy(pts_hbm.at[b], pts_v)
    pltpu.sync_copy(rs_hbm.at[b, kk], rs_v)

    inf = jnp.float32(jnp.inf)
    iota = lax.iota(jnp.int32, L)
    rot_idx = [(iota + sh) & (L - 1) for sh in (8, 4, 2, 1)]

    def row_body(i, vacc):
        xs = rs_v[0, i]
        ys = rs_v[1, i]
        zs = rs_v[2, i]

        def fold_body(jo, carry):
            ms = list(carry)
            for ks in range(NCELL):
                j = jo * NCELL + ks
                px = pts_v[0, pl.ds(j * L, L)]
                py = pts_v[1, pl.ds(j * L, L)]
                pz = pts_v[2, pl.ds(j * L, L)]
                dx = xs - px
                dy = ys - py
                dz = zs - pz
                d2 = dx * dx + dy * dy + dz * dz
                ms[NCELL + ks] = jnp.minimum(
                    ms[NCELL + ks], jnp.maximum(ms[ks], d2))
                ms[ks] = jnp.minimum(ms[ks], d2)
            return tuple(ms)

        init = tuple(jnp.full((L,), inf, jnp.float32) for _ in range(2 * NCELL))
        cands = lax.fori_loop(0, JCH, fold_body, init)

        sel = jnp.zeros((L,), jnp.float32)
        mprev = jnp.full((L,), -jnp.inf, jnp.float32)
        for t in range(K + 1):
            mv = jnp.full((L,), inf, jnp.float32)
            for v in cands:
                mv = jnp.minimum(mv, jnp.where(v > mprev, v, inf))
            for ridx in rot_idx:
                mv = jnp.minimum(mv, _gather16(mv, ridx))
            if t > 0:
                sel = jnp.where(iota == (t - 1), mv, sel)
            mprev = mv

        return vacc + _sqrt16(sel + 1e-12)

    vacc = lax.fori_loop(0, RPW, row_body, jnp.zeros((L,), jnp.float32))
    acc_v[...] = vacc
    pltpu.sync_copy(acc_v, out_hbm.at[wid])


@jax.jit
def kernel(pcs):
    pcs_t = jnp.swapaxes(pcs, 1, 2)

    tc_parts = pl.pallas_call(
        _knn_block,
        grid=(B, TC_N // R),
        in_specs=[
            pl.BlockSpec((1, 3, N), lambda b, r: (b, 0, 0)),
            pl.BlockSpec((1, R, 3), lambda b, r: (b, r, 0)),
        ],
        out_specs=pl.BlockSpec((1, 1, 8, 128), lambda b, r: (b, r, 0, 0)),
        out_shape=jax.ShapeDtypeStruct((B, TC_N // R, 8, 128), jnp.float32),
        compiler_params=pltpu.CompilerParams(
            dimension_semantics=("parallel", "parallel"),
        ),
    )(pcs_t, pcs)

    rs = jnp.broadcast_to(
        pcs_t[:, :, TC_N:].reshape(B, 3, WPB, RPW, 1),
        (B, 3, WPB, RPW, L),
    ).transpose(0, 2, 1, 3, 4)
    sc_parts = _sc_knn(pcs_t, rs)

    total = jnp.sum(tc_parts[:, :, 0, 0]) + jnp.sum(sc_parts)
    return total / jnp.float32(B * N * K)

# --- scband reference (transcript-rebuilt; emitter-appended) ---
"""Pipeline reference for scband-distance-kmean-loss-46557445488919 (READ-ONLY COPY).

The authoritative reference and input builder live on the scoring server;
editing this copy changes nothing except your own understanding.
"""

import jax, jax.numpy as jnp
import numpy as np

K = 16

def setup_inputs(seed: int = 0) -> dict:
    key = jax.random.key(seed)
    pcs = jax.random.normal(key, (4, 4096, 3), dtype=jnp.float32)
    return {"pcs": pcs}

def knn_mean_distance(pcs, k):
    # squared pairwise distances via ||x||^2 + ||y||^2 - 2 x.y
    sq = jnp.sum(pcs * pcs, axis=-1)                      # [B, N]
    gram = jnp.matmul(pcs, jnp.swapaxes(pcs, -1, -2))     # [B, N, N]
    d2 = sq[:, :, None] + sq[:, None, :] - 2.0 * gram
    d2 = jnp.maximum(d2, 0.0)
    # k nearest neighbors (smallest distances) -> top_k on negative
    neg_top, _ = jax.lax.top_k(-d2, k + 1)                # [B, N, k+1]
    knn_d2 = -neg_top[..., 1:]                            # drop self-distance (0)
    d = jnp.sqrt(knn_d2 + 1e-12)
    return jnp.mean(d)

def reference(pcs):
    return knn_mean_distance(pcs, K)

if __name__ == "__main__":
    import jax
    _d = setup_inputs()
    print(jax.jit(kernel)(*tuple(_d.values())))

</pallas_src>

<mosaic_0001>
#map = affine_map<(d0, d1) -> (0, 0, 0)>
#map1 = affine_map<(d0, d1) -> (0, 0, 0, 0, 0)>
#map2 = affine_map<(d0, d1) -> (0, 0)>
module attributes {stable_mosaic.version = 14 : i64} {
  func.func @_sc_knn(%arg0: i32, %arg1: i32, %arg2: memref<4x3x4096xf32, #tpu.memory_space<hbm>>, %arg3: memref<4x8x3x96x16xf32, #tpu.memory_space<hbm>>, %arg4: memref<32x16xf32, #tpu.memory_space<hbm>>, %arg5: memref<3x4096xf32, #tpu.memory_space<vmem>>, %arg6: memref<3x96x16xf32, #tpu.memory_space<vmem>>, %arg7: memref<16xf32, #tpu.memory_space<vmem>>) attributes {dimension_semantics = [#tpu.dimension_semantics<core_parallel>, #tpu.dimension_semantics<subcore_parallel>], iteration_bounds = array<i64: 2, 16>, scalar_prefetch = 0 : i64, scratch_operands = 3 : i64, tpu.core_type = #tpu.core_type<sc_vector_subcore>, window_params = [{transform_indices = #map}, {transform_indices = #map1}, {transform_indices = #map2}]} {
    %mul3A = arith.constant 2 : i32
    %mul3A_0 = arith.muli %arg1, %mul3A : i32
    %add3A = arith.addi %mul3A_0, %arg0 : i32
    %jit3A = arith.constant 8 : i32
    %div3A = arith.divsi %add3A, %jit3A : i32
    %sign3A = arith.constant 0 : i32
    %sign3A_1 = arith.cmpi sgt, %add3A, %sign3A : i32
    %sign3A_2 = arith.extui %sign3A_1 : i1 to i32
    %sign3A_3 = arith.constant 0 : i32
    %sign3A_4 = arith.cmpi slt, %add3A, %sign3A_3 : i32
    %sign3A_5 = arith.extui %sign3A_4 : i1 to i32
    %sign3A_6 = arith.subi %sign3A_2, %sign3A_5 : i32
    %sign3A_7 = arith.constant 0 : i32
    %sign3A_8 = arith.cmpi sgt, %jit3A, %sign3A_7 : i32
    %sign3A_9 = arith.extui %sign3A_8 : i1 to i32
    %sign3A_10 = arith.constant 0 : i32
    %sign3A_11 = arith.cmpi slt, %jit3A, %sign3A_10 : i32
    %sign3A_12 = arith.extui %sign3A_11 : i1 to i32
    %sign3A_13 = arith.subi %sign3A_9, %sign3A_12 : i32
    %ne3A = arith.cmpi ne, %sign3A_6, %sign3A_13 : i32
    %rem3A = arith.remsi %add3A, %jit3A : i32
    %ne3A_14 = arith.constant 0 : i32
    %ne3A_15 = arith.cmpi ne, %rem3A, %ne3A_14 : i32
    %and3A = arith.andi %ne3A, %ne3A_15 : i1
    %sub3A = arith.constant 1 : i32
    %sub3A_16 = arith.subi %div3A, %sub3A : i32
    %select_n3A = arith.select %and3A, %sub3A_16, %div3A : i32
    %jit3A_17 = arith.constant 8 : i32
    %eq3A = arith.constant 0 : i32
    %eq3A_18 = arith.cmpi eq, %jit3A_17, %eq3A : i32
    %jit3A_19 = arith.constant 1 : i32
    %select_n3A_20 = arith.select %eq3A_18, %jit3A_19, %jit3A_17 : i32
    %rem3A_21 = arith.remsi %add3A, %select_n3A_20 : i32
    %ne3A_22 = arith.constant 0 : i32
    %ne3A_23 = arith.cmpi ne, %rem3A_21, %ne3A_22 : i32
    %lt3A = arith.constant 0 : i32
    %lt3A_24 = arith.cmpi slt, %rem3A_21, %lt3A : i32
    %lt3A_25 = arith.constant 0 : i32
    %lt3A_26 = arith.cmpi slt, %select_n3A_20, %lt3A_25 : i32
    %ne3A_27 = arith.xori %lt3A_24, %lt3A_26 : i1
    %and3A_28 = arith.andi %ne3A_27, %ne3A_23 : i1
    %add3A_29 = arith.addi %rem3A_21, %select_n3A_20 : i32
    %select_n3A_30 = arith.select %and3A_28, %add3A_29, %rem3A_21 : i32
    "tpu.region"() ({
      %run_scoped3A = tpu.sem_alloc : memref<!tpu.dma_semaphore, #tpu.memory_space<semaphore_mem>>
      %dma_start3A = arith.constant 0 : i32
      %dma_start3A_65 = arith.constant 0 : i32
      %dma_start3A_66 = tpu.memref_slice %arg2[%select_n3A, %dma_start3A, %dma_start3A_65] : memref<4x3x4096xf32, #tpu.memory_space<hbm>> -> memref<1x3x4096xf32, #tpu.memory_space<hbm>>
      %dma_start3A_67 = tpu.memref_squeeze %dma_start3A_66 : memref<1x3x4096xf32, #tpu.memory_space<hbm>> -> memref<3x4096xf32, #tpu.memory_space<hbm>>
      %dma_start3A_68 = arith.constant 0 : i32
      %dma_start3A_69 = arith.constant 0 : i32
      %dma_start3A_70 = tpu.memref_slice %arg2[%select_n3A, %dma_start3A_68, %dma_start3A_69] : memref<4x3x4096xf32, #tpu.memory_space<hbm>> -> memref<1x3x4096xf32, #tpu.memory_space<hbm>>
      %dma_start3A_71 = tpu.memref_squeeze %dma_start3A_70 : memref<1x3x4096xf32, #tpu.memory_space<hbm>> -> memref<3x4096xf32, #tpu.memory_space<hbm>>
      tpu.enqueue_dma source(%dma_start3A_71 : memref<3x4096xf32, #tpu.memory_space<hbm>>) target(%arg5 : memref<3x4096xf32, #tpu.memory_space<vmem>>) target_semaphore(%run_scoped3A : memref<!tpu.dma_semaphore, #tpu.memory_space<semaphore_mem>>)
      %dma_wait3A = arith.constant 0 : i32
      %dma_wait3A_72 = arith.constant 0 : i32
      %dma_wait3A_73 = tpu.memref_slice %arg2[%select_n3A, %dma_wait3A, %dma_wait3A_72] : memref<4x3x4096xf32, #tpu.memory_space<hbm>> -> memref<1x3x4096xf32, #tpu.memory_space<hbm>>
      %dma_wait3A_74 = tpu.memref_squeeze %dma_wait3A_73 : memref<1x3x4096xf32, #tpu.memory_space<hbm>> -> memref<3x4096xf32, #tpu.memory_space<hbm>>
      %dma_wait3A_75 = arith.constant 0 : i32
      %dma_wait3A_76 = arith.constant 0 : i32
      %dma_wait3A_77 = tpu.memref_slice %arg2[%select_n3A, %dma_wait3A_75, %dma_wait3A_76] : memref<4x3x4096xf32, #tpu.memory_space<hbm>> -> memref<1x3x4096xf32, #tpu.memory_space<hbm>>
      %dma_wait3A_78 = tpu.memref_squeeze %dma_wait3A_77 : memref<1x3x4096xf32, #tpu.memory_space<hbm>> -> memref<3x4096xf32, #tpu.memory_space<hbm>>
      tpu.wait_dma2 semaphore(%run_scoped3A : memref<!tpu.dma_semaphore, #tpu.memory_space<semaphore_mem>>) src(%dma_wait3A_78 : memref<3x4096xf32, #tpu.memory_space<hbm>>) dst(%arg5 : memref<3x4096xf32, #tpu.memory_space<vmem>>)
      tpu.yield
    }) : () -> ()
    "tpu.region"() ({
      %run_scoped3A = tpu.sem_alloc : memref<!tpu.dma_semaphore, #tpu.memory_space<semaphore_mem>>
      %dma_start3A = arith.constant 0 : i32
      %dma_start3A_65 = arith.constant 0 : i32
      %dma_start3A_66 = arith.constant 0 : i32
      %dma_start3A_67 = tpu.memref_slice %arg3[%select_n3A, %select_n3A_30, %dma_start3A, %dma_start3A_65, %dma_start3A_66] : memref<4x8x3x96x16xf32, #tpu.memory_space<hbm>> -> memref<1x1x3x96x16xf32, #tpu.memory_space<hbm>>
      %dma_start3A_68 = tpu.memref_squeeze %dma_start3A_67 : memref<1x1x3x96x16xf32, #tpu.memory_space<hbm>> -> memref<3x96x16xf32, #tpu.memory_space<hbm>>
      %dma_start3A_69 = arith.constant 0 : i32
      %dma_start3A_70 = arith.constant 0 : i32
      %dma_start3A_71 = arith.constant 0 : i32
      %dma_start3A_72 = tpu.memref_slice %arg3[%select_n3A, %select_n3A_30, %dma_start3A_69, %dma_start3A_70, %dma_start3A_71] : memref<4x8x3x96x16xf32, #tpu.memory_space<hbm>> -> memref<1x1x3x96x16xf32, #tpu.memory_space<hbm>>
      %dma_start3A_73 = tpu.memref_squeeze %dma_start3A_72 : memref<1x1x3x96x16xf32, #tpu.memory_space<hbm>> -> memref<3x96x16xf32, #tpu.memory_space<hbm>>
      tpu.enqueue_dma source(%dma_start3A_73 : memref<3x96x16xf32, #tpu.memory_space<hbm>>) target(%arg6 : memref<3x96x16xf32, #tpu.memory_space<vmem>>) target_semaphore(%run_scoped3A : memref<!tpu.dma_semaphore, #tpu.memory_space<semaphore_mem>>)
      %dma_wait3A = arith.constant 0 : i32
      %dma_wait3A_74 = arith.constant 0 : i32
      %dma_wait3A_75 = arith.constant 0 : i32
      %dma_wait3A_76 = tpu.memref_slice %arg3[%select_n3A, %select_n3A_30, %dma_wait3A, %dma_wait3A_74, %dma_wait3A_75] : memref<4x8x3x96x16xf32, #tpu.memory_space<hbm>> -> memref<1x1x3x96x16xf32, #tpu.memory_space<hbm>>
      %dma_wait3A_77 = tpu.memref_squeeze %dma_wait3A_76 : memref<1x1x3x96x16xf32, #tpu.memory_space<hbm>> -> memref<3x96x16xf32, #tpu.memory_space<hbm>>
      %dma_wait3A_78 = arith.constant 0 : i32
      %dma_wait3A_79 = arith.constant 0 : i32
      %dma_wait3A_80 = arith.constant 0 : i32
      %dma_wait3A_81 = tpu.memref_slice %arg3[%select_n3A, %select_n3A_30, %dma_wait3A_78, %dma_wait3A_79, %dma_wait3A_80] : memref<4x8x3x96x16xf32, #tpu.memory_space<hbm>> -> memref<1x1x3x96x16xf32, #tpu.memory_space<hbm>>
      %dma_wait3A_82 = tpu.memref_squeeze %dma_wait3A_81 : memref<1x1x3x96x16xf32, #tpu.memory_space<hbm>> -> memref<3x96x16xf32, #tpu.memory_space<hbm>>
      tpu.wait_dma2 semaphore(%run_scoped3A : memref<!tpu.dma_semaphore, #tpu.memory_space<semaphore_mem>>) src(%dma_wait3A_82 : memref<3x96x16xf32, #tpu.memory_space<hbm>>) dst(%arg6 : memref<3x96x16xf32, #tpu.memory_space<vmem>>)
      tpu.yield
    }) : () -> ()
    %iota3A = tpu.iota {dimensions = array<i32: 0>} : vector<16xi32>
    %add3A_31 = arith.constant 8 : i32
    %add3A_32 = vector.broadcast %add3A_31 : i32 to vector<16xi32>
    %add3A_33 = arith.addi %iota3A, %add3A_32 : vector<16xi32>
    %and3A_34 = arith.constant 15 : i32
    %and3A_35 = vector.broadcast %and3A_34 : i32 to vector<16xi32>
    %and3A_36 = arith.andi %add3A_33, %and3A_35 : vector<16xi32>
    %add3A_37 = arith.constant 4 : i32
    %add3A_38 = vector.broadcast %add3A_37 : i32 to vector<16xi32>
    %add3A_39 = arith.addi %iota3A, %add3A_38 : vector<16xi32>
    %and3A_40 = arith.constant 15 : i32
    %and3A_41 = vector.broadcast %and3A_40 : i32 to vector<16xi32>
    %and3A_42 = arith.andi %add3A_39, %and3A_41 : vector<16xi32>
    %add3A_43 = arith.constant 2 : i32
    %add3A_44 = vector.broadcast %add3A_43 : i32 to vector<16xi32>
    %add3A_45 = arith.addi %iota3A, %add3A_44 : vector<16xi32>
    %and3A_46 = arith.constant 15 : i32
    %and3A_47 = vector.broadcast %and3A_46 : i32 to vector<16xi32>
    %and3A_48 = arith.andi %add3A_45, %and3A_47 : vector<16xi32>
    %add3A_49 = arith.constant 1 : i32
    %add3A_50 = vector.broadcast %add3A_49 : i32 to vector<16xi32>
    %add3A_51 = arith.addi %iota3A, %add3A_50 : vector<16xi32>
    %and3A_52 = arith.constant 15 : i32
    %and3A_53 = vector.broadcast %and3A_52 : i32 to vector<16xi32>
    %and3A_54 = arith.andi %add3A_51, %and3A_53 : vector<16xi32>
    %broadcast_in_dim3A = arith.constant 0.000000e+00 : f32
    %broadcast_in_dim3A_55 = vector.broadcast %broadcast_in_dim3A : f32 to vector<16xf32>
    %scan3A = arith.constant 0x7F800000 : f32
    %scan3A_56 = arith.constant 0 : i32
    %scan3A_57 = arith.constant 96 : i32
    %scan3A_58 = arith.addi %scan3A_56, %scan3A_57 : i32
    %scan3A_59 = arith.constant 1 : i32
    %scan3A_60 = scf.for %scan3A_65 = %scan3A_56 to %scan3A_58 step %scan3A_59 iter_args(%scan3A_66 = %broadcast_in_dim3A_55) -> (vector<16xf32>)  : i32 {
      %get3A = arith.constant 0 : i32
      %get3A_67 = arith.index_cast %get3A : i32 to index
      %get3A_68 = arith.index_cast %scan3A_65 : i32 to index
      %get3A_69 = arith.constant 0 : index
      %get3A_70 = tpu.vector_load %arg6[%get3A_67, %get3A_68, %get3A_69] {strides = array<i32>} : memref<3x96x16xf32, #tpu.memory_space<vmem>>, vector<1x1x16xf32>,
      %get3A_71 = vector.shape_cast %get3A_70 : vector<1x1x16xf32> to vector<16xf32>
      %get3A_72 = arith.constant 1 : i32
      %get3A_73 = arith.index_cast %get3A_72 : i32 to index
      %get3A_74 = arith.index_cast %scan3A_65 : i32 to index
      %get3A_75 = arith.constant 0 : index
      %get3A_76 = tpu.vector_load %arg6[%get3A_73, %get3A_74, %get3A_75] {strides = array<i32>} : memref<3x96x16xf32, #tpu.memory_space<vmem>>, vector<1x1x16xf32>,
      %get3A_77 = vector.shape_cast %get3A_76 : vector<1x1x16xf32> to vector<16xf32>
      %get3A_78 = arith.constant 2 : i32
      %get3A_79 = arith.index_cast %get3A_78 : i32 to index
      %get3A_80 = arith.index_cast %scan3A_65 : i32 to index
      %get3A_81 = arith.constant 0 : index
      %get3A_82 = tpu.vector_load %arg6[%get3A_79, %get3A_80, %get3A_81] {strides = array<i32>} : memref<3x96x16xf32, #tpu.memory_space<vmem>>, vector<1x1x16xf32>,
      %get3A_83 = vector.shape_cast %get3A_82 : vector<1x1x16xf32> to vector<16xf32>
      %broadcast_in_dim3A_84 = vector.broadcast %scan3A : f32 to vector<16xf32>
      %broadcast_in_dim3A_85 = vector.broadcast %scan3A : f32 to vector<16xf32>
      %broadcast_in_dim3A_86 = vector.broadcast %scan3A : f32 to vector<16xf32>
      %broadcast_in_dim3A_87 = vector.broadcast %scan3A : f32 to vector<16xf32>
      %broadcast_in_dim3A_88 = vector.broadcast %scan3A : f32 to vector<16xf32>
      %broadcast_in_dim3A_89 = vector.broadcast %scan3A : f32 to vector<16xf32>
      %broadcast_in_dim3A_90 = vector.broadcast %scan3A : f32 to vector<16xf32>
      %broadcast_in_dim3A_91 = vector.broadcast %scan3A : f32 to vector<16xf32>
      %broadcast_in_dim3A_92 = vector.broadcast %scan3A : f32 to vector<16xf32>
      %broadcast_in_dim3A_93 = vector.broadcast %scan3A : f32 to vector<16xf32>
      %broadcast_in_dim3A_94 = vector.broadcast %scan3A : f32 to vector<16xf32>
      %broadcast_in_dim3A_95 = vector.broadcast %scan3A : f32 to vector<16xf32>
      %broadcast_in_dim3A_96 = vector.broadcast %scan3A : f32 to vector<16xf32>
      %broadcast_in_dim3A_97 = vector.broadcast %scan3A : f32 to vector<16xf32>
      %broadcast_in_dim3A_98 = vector.broadcast %scan3A : f32 to vector<16xf32>
      %broadcast_in_dim3A_99 = vector.broadcast %scan3A : f32 to vector<16xf32>
      %scan3A_100 = arith.constant 0 : i32
      %scan3A_101 = arith.constant 32 : i32
      %scan3A_102 = arith.addi %scan3A_100, %scan3A_101 : i32
      %scan3A_103 = arith.constant 1 : i32
      %scan3A_104:16 = scf.for %scan3A_1586 = %scan3A_100 to %scan3A_102 step %scan3A_103 iter_args(%scan3A_1587 = %broadcast_in_dim3A_84, %scan3A_1588 = %broadcast_in_dim3A_85, %scan3A_1589 = %broadcast_in_dim3A_86, %scan3A_1590 = %broadcast_in_dim3A_87, %scan3A_1591 = %broadcast_in_dim3A_88, %scan3A_1592 = %broadcast_in_dim3A_89, %scan3A_1593 = %broadcast_in_dim3A_90, %scan3A_1594 = %broadcast_in_dim3A_91, %scan3A_1595 = %broadcast_in_dim3A_92, %scan3A_1596 = %broadcast_in_dim3A_93, %scan3A_1597 = %broadcast_in_dim3A_94, %scan3A_1598 = %broadcast_in_dim3A_95, %scan3A_1599 = %broadcast_in_dim3A_96, %scan3A_1600 = %broadcast_in_dim3A_97, %scan3A_1601 = %broadcast_in_dim3A_98, %scan3A_1602 = %broadcast_in_dim3A_99) -> (vector<16xf32>, vector<16xf32>, vector<16xf32>, vector<16xf32>, vector<16xf32>, vector<16xf32>, vector<16xf32>, vector<16xf32>, vector<16xf32>, vector<16xf32>, vector<16xf32>, vector<16xf32>, vector<16xf32>, vector<16xf32>, vector<16xf32>, vector<16xf32>)  : i32 {
        %mul3A_1603 = arith.constant 8 : i32
        %mul3A_1604 = arith.muli %scan3A_1586, %mul3A_1603 : i32
        %add3A_1605 = arith.constant 0 : i32
        %add3A_1606 = arith.addi %mul3A_1604, %add3A_1605 : i32
        %mul3A_1607 = arith.constant 16 : i32
        %mul3A_1608 = arith.muli %add3A_1606, %mul3A_1607 : i32
        %get3A_1609 = arith.constant 0 : i32
        %get3A_1610 = arith.index_cast %get3A_1609 : i32 to index
        %get3A_1611 = arith.index_cast %mul3A_1608 : i32 to index
        %get3A_1612 = tpu.vector_load %arg5[%get3A_1610, %get3A_1611] {strides = array<i32>} : memref<3x4096xf32, #tpu.memory_space<vmem>>, vector<1x16xf32>,
        %get3A_1613 = vector.shape_cast %get3A_1612 : vector<1x16xf32> to vector<16xf32>
        %mul3A_1614 = arith.constant 16 : i32
        %mul3A_1615 = arith.muli %add3A_1606, %mul3A_1614 : i32
        %get3A_1616 = arith.constant 1 : i32
        %get3A_1617 = arith.index_cast %get3A_1616 : i32 to index
        %get3A_1618 = arith.index_cast %mul3A_1615 : i32 to index
        %get3A_1619 = tpu.vector_load %arg5[%get3A_1617, %get3A_1618] {strides = array<i32>} : memref<3x4096xf32, #tpu.memory_space<vmem>>, vector<1x16xf32>,
        %get3A_1620 = vector.shape_cast %get3A_1619 : vector<1x16xf32> to vector<16xf32>
        %mul3A_1621 = arith.constant 16 : i32
        %mul3A_1622 = arith.muli %add3A_1606, %mul3A_1621 : i32
        %get3A_1623 = arith.constant 2 : i32
        %get3A_1624 = arith.index_cast %get3A_1623 : i32 to index
        %get3A_1625 = arith.index_cast %mul3A_1622 : i32 to index
        %get3A_1626 = tpu.vector_load %arg5[%get3A_1624, %get3A_1625] {strides = array<i32>} : memref<3x4096xf32, #tpu.memory_space<vmem>>, vector<1x16xf32>,
        %get3A_1627 = vector.shape_cast %get3A_1626 : vector<1x16xf32> to vector<16xf32>
        %sub3A_1628 = arith.subf %get3A_71, %get3A_1613 : vector<16xf32>
        %sub3A_1629 = arith.subf %get3A_77, %get3A_1620 : vector<16xf32>
        %sub3A_1630 = arith.subf %get3A_83, %get3A_1627 : vector<16xf32>
        %mul3A_1631 = arith.mulf %sub3A_1628, %sub3A_1628 : vector<16xf32>
        %mul3A_1632 = arith.mulf %sub3A_1629, %sub3A_1629 : vector<16xf32>
        %add3A_1633 = arith.addf %mul3A_1631, %mul3A_1632 : vector<16xf32>
        %mul3A_1634 = arith.mulf %sub3A_1630, %sub3A_1630 : vector<16xf32>
        %add3A_1635 = arith.addf %add3A_1633, %mul3A_1634 : vector<16xf32>
        %max3A = arith.maximumf %scan3A_1587, %add3A_1635 : vector<16xf32>
        %min3A_1636 = arith.minimumf %scan3A_1595, %max3A : vector<16xf32>
        %min3A_1637 = arith.minimumf %scan3A_1587, %add3A_1635 : vector<16xf32>
        %mul3A_1638 = arith.constant 8 : i32
        %mul3A_1639 = arith.muli %scan3A_1586, %mul3A_1638 : i32
        %add3A_1640 = arith.constant 1 : i32
        %add3A_1641 = arith.addi %mul3A_1639, %add3A_1640 : i32
        %mul3A_1642 = arith.constant 16 : i32
        %mul3A_1643 = arith.muli %add3A_1641, %mul3A_1642 : i32
        %get3A_1644 = arith.constant 0 : i32
        %get3A_1645 = arith.index_cast %get3A_1644 : i32 to index
        %get3A_1646 = arith.index_cast %mul3A_1643 : i32 to index
        %get3A_1647 = tpu.vector_load %arg5[%get3A_1645, %get3A_1646] {strides = array<i32>} : memref<3x4096xf32, #tpu.memory_space<vmem>>, vector<1x16xf32>,
        %get3A_1648 = vector.shape_cast %get3A_1647 : vector<1x16xf32> to vector<16xf32>
        %mul3A_1649 = arith.constant 16 : i32
        %mul3A_1650 = arith.muli %add3A_1641, %mul3A_1649 : i32
        %get3A_1651 = arith.constant 1 : i32
        %get3A_1652 = arith.index_cast %get3A_1651 : i32 to index
        %get3A_1653 = arith.index_cast %mul3A_1650 : i32 to index
        %get3A_1654 = tpu.vector_load %arg5[%get3A_1652, %get3A_1653] {strides = array<i32>} : memref<3x4096xf32, #tpu.memory_space<vmem>>, vector<1x16xf32>,
        %get3A_1655 = vector.shape_cast %get3A_1654 : vector<1x16xf32> to vector<16xf32>
        %mul3A_1656 = arith.constant 16 : i32
        %mul3A_1657 = arith.muli %add3A_1641, %mul3A_1656 : i32
        %get3A_1658 = arith.constant 2 : i32
        %get3A_1659 = arith.index_cast %get3A_1658 : i32 to index
        %get3A_1660 = arith.index_cast %mul3A_1657 : i32 to index
        %get3A_1661 = tpu.vector_load %arg5[%get3A_1659, %get3A_1660] {strides = array<i32>} : memref<3x4096xf32, #tpu.memory_space<vmem>>, vector<1x16xf32>,
        %get3A_1662 = vector.shape_cast %get3A_1661 : vector<1x16xf32> to vector<16xf32>
        %sub3A_1663 = arith.subf %get3A_71, %get3A_1648 : vector<16xf32>
        %sub3A_1664 = arith.subf %get3A_77, %get3A_1655 : vector<16xf32>
        %sub3A_1665 = arith.subf %get3A_83, %get3A_1662 : vector<16xf32>
        %mul3A_1666 = arith.mulf %sub3A_1663, %sub3A_1663 : vector<16xf32>
        %mul3A_1667 = arith.mulf %sub3A_1664, %sub3A_1664 : vector<16xf32>
        %add3A_1668 = arith.addf %mul3A_1666, %mul3A_1667 : vector<16xf32>
        %mul3A_1669 = arith.mulf %sub3A_1665, %sub3A_1665 : vector<16xf32>
        %add3A_1670 = arith.addf %add3A_1668, %mul3A_1669 : vector<16xf32>
        %max3A_1671 = arith.maximumf %scan3A_1588, %add3A_1670 : vector<16xf32>
        %min3A_1672 = arith.minimumf %scan3A_1596, %max3A_1671 : vector<16xf32>
        %min3A_1673 = arith.minimumf %scan3A_1588, %add3A_1670 : vector<16xf32>
        %mul3A_1674 = arith.constant 8 : i32
        %mul3A_1675 = arith.muli %scan3A_1586, %mul3A_1674 : i32
        %add3A_1676 = arith.constant 2 : i32
        %add3A_1677 = arith.addi %mul3A_1675, %add3A_1676 : i32
        %mul3A_1678 = arith.constant 16 : i32
        %mul3A_1679 = arith.muli %add3A_1677, %mul3A_1678 : i32
        %get3A_1680 = arith.constant 0 : i32
        %get3A_1681 = arith.index_cast %get3A_1680 : i32 to index
        %get3A_1682 = arith.index_cast %mul3A_1679 : i32 to index
        %get3A_1683 = tpu.vector_load %arg5[%get3A_1681, %get3A_1682] {strides = array<i32>} : memref<3x4096xf32, #tpu.memory_space<vmem>>, vector<1x16xf32>,
        %get3A_1684 = vector.shape_cast %get3A_1683 : vector<1x16xf32> to vector<16xf32>
        %mul3A_1685 = arith.constant 16 : i32
        %mul3A_1686 = arith.muli %add3A_1677, %mul3A_1685 : i32
        %get3A_1687 = arith.constant 1 : i32
        %get3A_1688 = arith.index_cast %get3A_1687 : i32 to index
        %get3A_1689 = arith.index_cast %mul3A_1686 : i32 to index
        %get3A_1690 = tpu.vector_load %arg5[%get3A_1688, %get3A_1689] {strides = array<i32>} : memref<3x4096xf32, #tpu.memory_space<vmem>>, vector<1x16xf32>,
        %get3A_1691 = vector.shape_cast %get3A_1690 : vector<1x16xf32> to vector<16xf32>
        %mul3A_1692 = arith.constant 16 : i32
        %mul3A_1693 = arith.muli %add3A_1677, %mul3A_1692 : i32
        %get3A_1694 = arith.constant 2 : i32
        %get3A_1695 = arith.index_cast %get3A_1694 : i32 to index
        %get3A_1696 = arith.index_cast %mul3A_1693 : i32 to index
        %get3A_1697 = tpu.vector_load %arg5[%get3A_1695, %get3A_1696] {strides = array<i32>} : memref<3x4096xf32, #tpu.memory_space<vmem>>, vector<1x16xf32>,
        %get3A_1698 = vector.shape_cast %get3A_1697 : vector<1x16xf32> to vector<16xf32>
        %sub3A_1699 = arith.subf %get3A_71, %get3A_1684 : vector<16xf32>
        %sub3A_1700 = arith.subf %get3A_77, %get3A_1691 : vector<16xf32>
        %sub3A_1701 = arith.subf %get3A_83, %get3A_1698 : vector<16xf32>
        %mul3A_1702 = arith.mulf %sub3A_1699, %sub3A_1699 : vector<16xf32>
        %mul3A_1703 = arith.mulf %sub3A_1700, %sub3A_1700 : vector<16xf32>
        %add3A_1704 = arith.addf %mul3A_1702, %mul3A_1703 : vector<16xf32>
        %mul3A_1705 = arith.mulf %sub3A_1701, %sub3A_1701 : vector<16xf32>
        %add3A_1706 = arith.addf %add3A_1704, %mul3A_1705 : vector<16xf32>
        %max3A_1707 = arith.maximumf %scan3A_1589, %add3A_1706 : vector<16xf32>
        %min3A_1708 = arith.minimumf %scan3A_1597, %max3A_1707 : vector<16xf32>
        %min3A_1709 = arith.minimumf %scan3A_1589, %add3A_1706 : vector<16xf32>
        %mul3A_1710 = arith.constant 8 : i32
        %mul3A_1711 = arith.muli %scan3A_1586, %mul3A_1710 : i32
        %add3A_1712 = arith.constant 3 : i32
        %add3A_1713 = arith.addi %mul3A_1711, %add3A_1712 : i32
        %mul3A_1714 = arith.constant 16 : i32
        %mul3A_1715 = arith.muli %add3A_1713, %mul3A_1714 : i32
        %get3A_1716 = arith.constant 0 : i32
        %get3A_1717 = arith.index_cast %get3A_1716 : i32 to index
        %get3A_1718 = arith.index_cast %mul3A_1715 : i32 to index
        %get3A_1719 = tpu.vector_load %arg5[%get3A_1717, %get3A_1718] {strides = array<i32>} : memref<3x4096xf32, #tpu.memory_space<vmem>>, vector<1x16xf32>,
        %get3A_1720 = vector.shape_cast %get3A_1719 : vector<1x16xf32> to vector<16xf32>
        %mul3A_1721 = arith.constant 16 : i32
        %mul3A_1722 = arith.muli %add3A_1713, %mul3A_1721 : i32
        %get3A_1723 = arith.constant 1 : i32
        %get3A_1724 = arith.index_cast %get3A_1723 : i32 to index
        %get3A_1725 = arith.index_cast %mul3A_1722 : i32 to index
        %get3A_1726 = tpu.vector_load %arg5[%get3A_1724, %get3A_1725] {strides = array<i32>} : memref<3x4096xf32, #tpu.memory_space<vmem>>, vector<1x16xf32>,
        %get3A_1727 = vector.shape_cast %get3A_1726 : vector<1x16xf32> to vector<16xf32>
        %mul3A_1728 = arith.constant 16 : i32
        %mul3A_1729 = arith.muli %add3A_1713, %mul3A_1728 : i32
        %get3A_1730 = arith.constant 2 : i32
        %get3A_1731 = arith.index_cast %get3A_1730 : i32 to index
        %get3A_1732 = arith.index_cast %mul3A_1729 : i32 to index
        %get3A_1733 = tpu.vector_load %arg5[%get3A_1731, %get3A_1732] {strides = array<i32>} : memref<3x4096xf32, #tpu.memory_space<vmem>>, vector<1x16xf32>,
        %get3A_1734 = vector.shape_cast %get3A_1733 : vector<1x16xf32> to vector<16xf32>
        %sub3A_1735 = arith.subf %get3A_71, %get3A_1720 : vector<16xf32>
        %sub3A_1736 = arith.subf %get3A_77, %get3A_1727 : vector<16xf32>
        %sub3A_1737 = arith.subf %get3A_83, %get3A_1734 : vector<16xf32>
        %mul3A_1738 = arith.mulf %sub3A_1735, %sub3A_1735 : vector<16xf32>
        %mul3A_1739 = arith.mulf %sub3A_1736, %sub3A_1736 : vector<16xf32>
        %add3A_1740 = arith.addf %mul3A_1738, %mul3A_1739 : vector<16xf32>
        %mul3A_1741 = arith.mulf %sub3A_1737, %sub3A_1737 : vector<16xf32>
        %add3A_1742 = arith.addf %add3A_1740, %mul3A_1741 : vector<16xf32>
        %max3A_1743 = arith.maximumf %scan3A_1590, %add3A_1742 : vector<16xf32>
        %min3A_1744 = arith.minimumf %scan3A_1598, %max3A_1743 : vector<16xf32>
        %min3A_1745 = arith.minimumf %scan3A_1590, %add3A_1742 : vector<16xf32>
        %mul3A_1746 = arith.constant 8 : i32
        %mul3A_1747 = arith.muli %scan3A_1586, %mul3A_1746 : i32
        %add3A_1748 = arith.constant 4 : i32
        %add3A_1749 = arith.addi %mul3A_1747, %add3A_1748 : i32
        %mul3A_1750 = arith.constant 16 : i32
        %mul3A_1751 = arith.muli %add3A_1749, %mul3A_1750 : i32
        %get3A_1752 = arith.constant 0 : i32
        %get3A_1753 = arith.index_cast %get3A_1752 : i32 to index
        %get3A_1754 = arith.index_cast %mul3A_1751 : i32 to index
        %get3A_1755 = tpu.vector_load %arg5[%get3A_1753, %get3A_1754] {strides = array<i32>} : memref<3x4096xf32, #tpu.memory_space<vmem>>, vector<1x16xf32>,
        %get3A_1756 = vector.shape_cast %get3A_1755 : vector<1x16xf32> to vector<16xf32>
        %mul3A_1757 = arith.constant 16 : i32
        %mul3A_1758 = arith.muli %add3A_1749, %mul3A_1757 : i32
        %get3A_1759 = arith.constant 1 : i32
        %get3A_1760 = arith.index_cast %get3A_1759 : i32 to index
        %get3A_1761 = arith.index_cast %mul3A_1758 : i32 to index
        %get3A_1762 = tpu.vector_load %arg5[%get3A_1760, %get3A_1761] {strides = array<i32>} : memref<3x4096xf32, #tpu.memory_space<vmem>>, vector<1x16xf32>,
        %get3A_1763 = vector.shape_cast %get3A_1762 : vector<1x16xf32> to vector<16xf32>
        %mul3A_1764 = arith.constant 16 : i32
        %mul3A_1765 = arith.muli %add3A_1749, %mul3A_1764 : i32
        %get3A_1766 = arith.constant 2 : i32
        %get3A_1767 = arith.index_cast %get3A_1766 : i32 to index
        %get3A_1768 = arith.index_cast %mul3A_1765 : i32 to index
        %get3A_1769 = tpu.vector_load %arg5[%get3A_1767, %get3A_1768] {strides = array<i32>} : memref<3x4096xf32, #tpu.memory_space<vmem>>, vector<1x16xf32>,
        %get3A_1770 = vector.shape_cast %get3A_1769 : vector<1x16xf32> to vector<16xf32>
        %sub3A_1771 = arith.subf %get3A_71, %get3A_1756 : vector<16xf32>
        %sub3A_1772 = arith.subf %get3A_77, %get3A_1763 : vector<16xf32>
        %sub3A_1773 = arith.subf %get3A_83, %get3A_1770 : vector<16xf32>
        %mul3A_1774 = arith.mulf %sub3A_1771, %sub3A_1771 : vector<16xf32>
        %mul3A_1775 = arith.mulf %sub3A_1772, %sub3A_1772 : vector<16xf32>
        %add3A_1776 = arith.addf %mul3A_1774, %mul3A_1775 : vector<16xf32>
        %mul3A_1777 = arith.mulf %sub3A_1773, %sub3A_1773 : vector<16xf32>
        %add3A_1778 = arith.addf %add3A_1776, %mul3A_1777 : vector<16xf32>
        %max3A_1779 = arith.maximumf %scan3A_1591, %add3A_1778 : vector<16xf32>
        %min3A_1780 = arith.minimumf %scan3A_1599, %max3A_1779 : vector<16xf32>
        %min3A_1781 = arith.minimumf %scan3A_1591, %add3A_1778 : vector<16xf32>
        %mul3A_1782 = arith.constant 8 : i32
        %mul3A_1783 = arith.muli %scan3A_1586, %mul3A_1782 : i32
        %add3A_1784 = arith.constant 5 : i32
        %add3A_1785 = arith.addi %mul3A_1783, %add3A_1784 : i32
        %mul3A_1786 = arith.constant 16 : i32
        %mul3A_1787 = arith.muli %add3A_1785, %mul3A_1786 : i32
        %get3A_1788 = arith.constant 0 : i32
        %get3A_1789 = arith.index_cast %get3A_1788 : i32 to index
        %get3A_1790 = arith.index_cast %mul3A_1787 : i32 to index
        %get3A_1791 = tpu.vector_load %arg5[%get3A_1789, %get3A_1790] {strides = array<i32>} : memref<3x4096xf32, #tpu.memory_space<vmem>>, vector<1x16xf32>,
        %get3A_1792 = vector.shape_cast %get3A_1791 : vector<1x16xf32> to vector<16xf32>
        %mul3A_1793 = arith.constant 16 : i32
        %mul3A_1794 = arith.muli %add3A_1785, %mul3A_1793 : i32
        %get3A_1795 = arith.constant 1 : i32
        %get3A_1796 = arith.index_cast %get3A_1795 : i32 to index
        %get3A_1797 = arith.index_cast %mul3A_1794 : i32 to index
        %get3A_1798 = tpu.vector_load %arg5[%get3A_1796, %get3A_1797] {strides = array<i32>} : memref<3x4096xf32, #tpu.memory_space<vmem>>, vector<1x16xf32>,
        %get3A_1799 = vector.shape_cast %get3A_1798 : vector<1x16xf32> to vector<16xf32>
        %mul3A_1800 = arith.constant 16 : i32
        %mul3A_1801 = arith.muli %add3A_1785, %mul3A_1800 : i32
        %get3A_1802 = arith.constant 2 : i32
        %get3A_1803 = arith.index_cast %get3A_1802 : i32 to index
        %get3A_1804 = arith.index_cast %mul3A_1801 : i32 to index
        %get3A_1805 = tpu.vector_load %arg5[%get3A_1803, %get3A_1804] {strides = array<i32>} : memref<3x4096xf32, #tpu.memory_space<vmem>>, vector<1x16xf32>,
        %get3A_1806 = vector.shape_cast %get3A_1805 : vector<1x16xf32> to vector<16xf32>
        %sub3A_1807 = arith.subf %get3A_71, %get3A_1792 : vector<16xf32>
        %sub3A_1808 = arith.subf %get3A_77, %get3A_1799 : vector<16xf32>
        %sub3A_1809 = arith.subf %get3A_83, %get3A_1806 : vector<16xf32>
        %mul3A_1810 = arith.mulf %sub3A_1807, %sub3A_1807 : vector<16xf32>
        %mul3A_1811 = arith.mulf %sub3A_1808, %sub3A_1808 : vector<16xf32>
        %add3A_1812 = arith.addf %mul3A_1810, %mul3A_1811 : vector<16xf32>
        %mul3A_1813 = arith.mulf %sub3A_1809, %sub3A_1809 : vector<16xf32>
        %add3A_1814 = arith.addf %add3A_1812, %mul3A_1813 : vector<16xf32>
        %max3A_1815 = arith.maximumf %scan3A_1592, %add3A_1814 : vector<16xf32>
        %min3A_1816 = arith.minimumf %scan3A_1600, %max3A_1815 : vector<16xf32>
        %min3A_1817 = arith.minimumf %scan3A_1592, %add3A_1814 : vector<16xf32>
        %mul3A_1818 = arith.constant 8 : i32
        %mul3A_1819 = arith.muli %scan3A_1586, %mul3A_1818 : i32
        %add3A_1820 = arith.constant 6 : i32
        %add3A_1821 = arith.addi %mul3A_1819, %add3A_1820 : i32
        %mul3A_1822 = arith.constant 16 : i32
        %mul3A_1823 = arith.muli %add3A_1821, %mul3A_1822 : i32
        %get3A_1824 = arith.constant 0 : i32
        %get3A_1825 = arith.index_cast %get3A_1824 : i32 to index
        %get3A_1826 = arith.index_cast %mul3A_1823 : i32 to index
        %get3A_1827 = tpu.vector_load %arg5[%get3A_1825, %get3A_1826] {strides = array<i32>} : memref<3x4096xf32, #tpu.memory_space<vmem>>, vector<1x16xf32>,
        %get3A_1828 = vector.shape_cast %get3A_1827 : vector<1x16xf32> to vector<16xf32>
        %mul3A_1829 = arith.constant 16 : i32
        %mul3A_1830 = arith.muli %add3A_1821, %mul3A_1829 : i32
        %get3A_1831 = arith.constant 1 : i32
        %get3A_1832 = arith.index_cast %get3A_1831 : i32 to index
        %get3A_1833 = arith.index_cast %mul3A_1830 : i32 to index
        %get3A_1834 = tpu.vector_load %arg5[%get3A_1832, %get3A_1833] {strides = array<i32>} : memref<3x4096xf32, #tpu.memory_space<vmem>>, vector<1x16xf32>,
        %get3A_1835 = vector.shape_cast %get3A_1834 : vector<1x16xf32> to vector<16xf32>
        %mul3A_1836 = arith.constant 16 : i32
        %mul3A_1837 = arith.muli %add3A_1821, %mul3A_1836 : i32
        %get3A_1838 = arith.constant 2 : i32
        %get3A_1839 = arith.index_cast %get3A_1838 : i32 to index
        %get3A_1840 = arith.index_cast %mul3A_1837 : i32 to index
        %get3A_1841 = tpu.vector_load %arg5[%get3A_1839, %get3A_1840] {strides = array<i32>} : memref<3x4096xf32, #tpu.memory_space<vmem>>, vector<1x16xf32>,
        %get3A_1842 = vector.shape_cast %get3A_1841 : vector<1x16xf32> to vector<16xf32>
        %sub3A_1843 = arith.subf %get3A_71, %get3A_1828 : vector<16xf32>
        %sub3A_1844 = arith.subf %get3A_77, %get3A_1835 : vector<16xf32>
        %sub3A_1845 = arith.subf %get3A_83, %get3A_1842 : vector<16xf32>
        %mul3A_1846 = arith.mulf %sub3A_1843, %sub3A_1843 : vector<16xf32>
        %mul3A_1847 = arith.mulf %sub3A_1844, %sub3A_1844 : vector<16xf32>
        %add3A_1848 = arith.addf %mul3A_1846, %mul3A_1847 : vector<16xf32>
        %mul3A_1849 = arith.mulf %sub3A_1845, %sub3A_1845 : vector<16xf32>
        %add3A_1850 = arith.addf %add3A_1848, %mul3A_1849 : vector<16xf32>
        %max3A_1851 = arith.maximumf %scan3A_1593, %add3A_1850 : vector<16xf32>
        %min3A_1852 = arith.minimumf %scan3A_1601, %max3A_1851 : vector<16xf32>
        %min3A_1853 = arith.minimumf %scan3A_1593, %add3A_1850 : vector<16xf32>
        %mul3A_1854 = arith.constant 8 : i32
        %mul3A_1855 = arith.muli %scan3A_1586, %mul3A_1854 : i32
        %add3A_1856 = arith.constant 7 : i32
        %add3A_1857 = arith.addi %mul3A_1855, %add3A_1856 : i32
        %mul3A_1858 = arith.constant 16 : i32
        %mul3A_1859 = arith.muli %add3A_1857, %mul3A_1858 : i32
        %get3A_1860 = arith.constant 0 : i32
        %get3A_1861 = arith.index_cast %get3A_1860 : i32 to index
        %get3A_1862 = arith.index_cast %mul3A_1859 : i32 to index
        %get3A_1863 = tpu.vector_load %arg5[%get3A_1861, %get3A_1862] {strides = array<i32>} : memref<3x4096xf32, #tpu.memory_space<vmem>>, vector<1x16xf32>,
        %get3A_1864 = vector.shape_cast %get3A_1863 : vector<1x16xf32> to vector<16xf32>
        %mul3A_1865 = arith.constant 16 : i32
        %mul3A_1866 = arith.muli %add3A_1857, %mul3A_1865 : i32
        %get3A_1867 = arith.constant 1 : i32
        %get3A_1868 = arith.index_cast %get3A_1867 : i32 to index
        %get3A_1869 = arith.index_cast %mul3A_1866 : i32 to index
        %get3A_1870 = tpu.vector_load %arg5[%get3A_1868, %get3A_1869] {strides = array<i32>} : memref<3x4096xf32, #tpu.memory_space<vmem>>, vector<1x16xf32>,
        %get3A_1871 = vector.shape_cast %get3A_1870 : vector<1x16xf32> to vector<16xf32>
        %mul3A_1872 = arith.constant 16 : i32
        %mul3A_1873 = arith.muli %add3A_1857, %mul3A_1872 : i32
        %get3A_1874 = arith.constant 2 : i32
        %get3A_1875 = arith.index_cast %get3A_1874 : i32 to index
        %get3A_1876 = arith.index_cast %mul3A_1873 : i32 to index
        %get3A_1877 = tpu.vector_load %arg5[%get3A_1875, %get3A_1876] {strides = array<i32>} : memref<3x4096xf32, #tpu.memory_space<vmem>>, vector<1x16xf32>,
        %get3A_1878 = vector.shape_cast %get3A_1877 : vector<1x16xf32> to vector<16xf32>
        %sub3A_1879 = arith.subf %get3A_71, %get3A_1864 : vector<16xf32>
        %sub3A_1880 = arith.subf %get3A_77, %get3A_1871 : vector<16xf32>
        %sub3A_1881 = arith.subf %get3A_83, %get3A_1878 : vector<16xf32>
        %mul3A_1882 = arith.mulf %sub3A_1879, %sub3A_1879 : vector<16xf32>
        %mul3A_1883 = arith.mulf %sub3A_1880, %sub3A_1880 : vector<16xf32>
        %add3A_1884 = arith.addf %mul3A_1882, %mul3A_1883 : vector<16xf32>
        %mul3A_1885 = arith.mulf %sub3A_1881, %sub3A_1881 : vector<16xf32>
        %add3A_1886 = arith.addf %add3A_1884, %mul3A_1885 : vector<16xf32>
        %max3A_1887 = arith.maximumf %scan3A_1594, %add3A_1886 : vector<16xf32>
        %min3A_1888 = arith.minimumf %scan3A_1602, %max3A_1887 : vector<16xf32>
        %min3A_1889 = arith.minimumf %scan3A_1594, %add3A_1886 : vector<16xf32>
        scf.yield %min3A_1637, %min3A_1673, %min3A_1709, %min3A_1745, %min3A_1781, %min3A_1817, %min3A_1853, %min3A_1889, %min3A_1636, %min3A_1672, %min3A_1708, %min3A_1744, %min3A_1780, %min3A_1816, %min3A_1852, %min3A_1888 : vector<16xf32>, vector<16xf32>, vector<16xf32>, vector<16xf32>, vector<16xf32>, vector<16xf32>, vector<16xf32>, vector<16xf32>, vector<16xf32>, vector<16xf32>, vector<16xf32>, vector<16xf32>, vector<16xf32>, vector<16xf32>, vector<16xf32>, vector<16xf32>
      }
      %scan3A_105 = arith.constant 32 : i32
      %broadcast_in_dim3A_106 = arith.constant 0.000000e+00 : f32
      %broadcast_in_dim3A_107 = vector.broadcast %broadcast_in_dim3A_106 : f32 to vector<16xf32>
      %broadcast_in_dim3A_108 = arith.constant 0xFF800000 : f32
      %broadcast_in_dim3A_109 = vector.broadcast %broadcast_in_dim3A_108 : f32 to vector<16xf32>
      %broadcast_in_dim3A_110 = vector.broadcast %scan3A : f32 to vector<16xf32>
      %gt3A = arith.cmpf ogt, %scan3A_104#0, %broadcast_in_dim3A_109 : vector<16xf32>
      %broadcast_in_dim3A_111 = vector.broadcast %scan3A : f32 to vector<16xf32>
      %select_n3A_112 = arith.select %gt3A, %scan3A_104#0, %broadcast_in_dim3A_111 : vector<16xi1>, vector<16xf32>
      %min3A = arith.minimumf %broadcast_in_dim3A_110, %select_n3A_112 : vector<16xf32>
      %gt3A_113 = arith.cmpf ogt, %scan3A_104#1, %broadcast_in_dim3A_109 : vector<16xf32>
      %broadcast_in_dim3A_114 = vector.broadcast %scan3A : f32 to vector<16xf32>
      %select_n3A_115 = arith.select %gt3A_113, %scan3A_104#1, %broadcast_in_dim3A_114 : vector<16xi1>, vector<16xf32>
      %min3A_116 = arith.minimumf %min3A, %select_n3A_115 : vector<16xf32>
      %gt3A_117 = arith.cmpf ogt, %scan3A_104#2, %broadcast_in_dim3A_109 : vector<16xf32>
      %broadcast_in_dim3A_118 = vector.broadcast %scan3A : f32 to vector<16xf32>
      %select_n3A_119 = arith.select %gt3A_117, %scan3A_104#2, %broadcast_in_dim3A_118 : vector<16xi1>, vector<16xf32>
      %min3A_120 = arith.minimumf %min3A_116, %select_n3A_119 : vector<16xf32>
      %gt3A_121 = arith.cmpf ogt, %scan3A_104#3, %broadcast_in_dim3A_109 : vector<16xf32>
      %broadcast_in_dim3A_122 = vector.broadcast %scan3A : f32 to vector<16xf32>
      %select_n3A_123 = arith.select %gt3A_121, %scan3A_104#3, %broadcast_in_dim3A_122 : vector<16xi1>, vector<16xf32>
      %min3A_124 = arith.minimumf %min3A_120, %select_n3A_123 : vector<16xf32>
      %gt3A_125 = arith.cmpf ogt, %scan3A_104#4, %broadcast_in_dim3A_109 : vector<16xf32>
      %broadcast_in_dim3A_126 = vector.broadcast %scan3A : f32 to vector<16xf32>
      %select_n3A_127 = arith.select %gt3A_125, %scan3A_104#4, %broadcast_in_dim3A_126 : vector<16xi1>, vector<16xf32>
      %min3A_128 = arith.minimumf %min3A_124, %select_n3A_127 : vector<16xf32>
      %gt3A_129 = arith.cmpf ogt, %scan3A_104#5, %broadcast_in_dim3A_109 : vector<16xf32>
      %broadcast_in_dim3A_130 = vector.broadcast %scan3A : f32 to vector<16xf32>
      %select_n3A_131 = arith.select %gt3A_129, %scan3A_104#5, %broadcast_in_dim3A_130 : vector<16xi1>, vector<16xf32>
      %min3A_132 = arith.minimumf %min3A_128, %select_n3A_131 : vector<16xf32>
      %gt3A_133 = arith.cmpf ogt, %scan3A_104#6, %broadcast_in_dim3A_109 : vector<16xf32>
      %broadcast_in_dim3A_134 = vector.broadcast %scan3A : f32 to vector<16xf32>
      %select_n3A_135 = arith.select %gt3A_133, %scan3A_104#6, %broadcast_in_dim3A_134 : vector<16xi1>, vector<16xf32>
      %min3A_136 = arith.minimumf %min3A_132, %select_n3A_135 : vector<16xf32>
      %gt3A_137 = arith.cmpf ogt, %scan3A_104#7, %broadcast_in_dim3A_109 : vector<16xf32>
      %broadcast_in_dim3A_138 = vector.broadcast %scan3A : f32 to vector<16xf32>
      %select_n3A_139 = arith.select %gt3A_137, %scan3A_104#7, %broadcast_in_dim3A_138 : vector<16xi1>, vector<16xf32>
      %min3A_140 = arith.minimumf %min3A_136, %select_n3A_139 : vector<16xf32>
      %gt3A_141 = arith.cmpf ogt, %scan3A_104#8, %broadcast_in_dim3A_109 : vector<16xf32>
      %broadcast_in_dim3A_142 = vector.broadcast %scan3A : f32 to vector<16xf32>
      %select_n3A_143 = arith.select %gt3A_141, %scan3A_104#8, %broadcast_in_dim3A_142 : vector<16xi1>, vector<16xf32>
      %min3A_144 = arith.minimumf %min3A_140, %select_n3A_143 : vector<16xf32>
      %gt3A_145 = arith.cmpf ogt, %scan3A_104#9, %broadcast_in_dim3A_109 : vector<16xf32>
      %broadcast_in_dim3A_146 = vector.broadcast %scan3A : f32 to vector<16xf32>
      %select_n3A_147 = arith.select %gt3A_145, %scan3A_104#9, %broadcast_in_dim3A_146 : vector<16xi1>, vector<16xf32>
      %min3A_148 = arith.minimumf %min3A_144, %select_n3A_147 : vector<16xf32>
      %gt3A_149 = arith.cmpf ogt, %scan3A_104#10, %broadcast_in_dim3A_109 : vector<16xf32>
      %broadcast_in_dim3A_150 = vector.broadcast %scan3A : f32 to vector<16xf32>
      %select_n3A_151 = arith.select %gt3A_149, %scan3A_104#10, %broadcast_in_dim3A_150 : vector<16xi1>, vector<16xf32>
      %min3A_152 = arith.minimumf %min3A_148, %select_n3A_151 : vector<16xf32>
      %gt3A_153 = arith.cmpf ogt, %scan3A_104#11, %broadcast_in_dim3A_109 : vector<16xf32>
      %broadcast_in_dim3A_154 = vector.broadcast %scan3A : f32 to vector<16xf32>
      %select_n3A_155 = arith.select %gt3A_153, %scan3A_104#11, %broadcast_in_dim3A_154 : vector<16xi1>, vector<16xf32>
      %min3A_156 = arith.minimumf %min3A_152, %select_n3A_155 : vector<16xf32>
      %gt3A_157 = arith.cmpf ogt, %scan3A_104#12, %broadcast_in_dim3A_109 : vector<16xf32>
      %broadcast_in_dim3A_158 = vector.broadcast %scan3A : f32 to vector<16xf32>
      %select_n3A_159 = arith.select %gt3A_157, %scan3A_104#12, %broadcast_in_dim3A_158 : vector<16xi1>, vector<16xf32>
      %min3A_160 = arith.minimumf %min3A_156, %select_n3A_159 : vector<16xf32>
      %gt3A_161 = arith.cmpf ogt, %scan3A_104#13, %broadcast_in_dim3A_109 : vector<16xf32>
      %broadcast_in_dim3A_162 = vector.broadcast %scan3A : f32 to vector<16xf32>
      %select_n3A_163 = arith.select %gt3A_161, %scan3A_104#13, %broadcast_in_dim3A_162 : vector<16xi1>, vector<16xf32>
      %min3A_164 = arith.minimumf %min3A_160, %select_n3A_163 : vector<16xf32>
      %gt3A_165 = arith.cmpf ogt, %scan3A_104#14, %broadcast_in_dim3A_109 : vector<16xf32>
      %broadcast_in_dim3A_166 = vector.broadcast %scan3A : f32 to vector<16xf32>
      %select_n3A_167 = arith.select %gt3A_165, %scan3A_104#14, %broadcast_in_dim3A_166 : vector<16xi1>, vector<16xf32>
      %min3A_168 = arith.minimumf %min3A_164, %select_n3A_167 : vector<16xf32>
      %gt3A_169 = arith.cmpf ogt, %scan3A_104#15, %broadcast_in_dim3A_109 : vector<16xf32>
      %broadcast_in_dim3A_170 = vector.broadcast %scan3A : f32 to vector<16xf32>
      %select_n3A_171 = arith.select %gt3A_169, %scan3A_104#15, %broadcast_in_dim3A_170 : vector<16xi1>, vector<16xf32>
      %min3A_172 = arith.minimumf %min3A_168, %select_n3A_171 : vector<16xf32>
      %broadcast_in_dim3A_173 = vector.shape_cast %and3A_36 : vector<16xi32> to vector<16x1xi32>
      %gather3A = vector.shape_cast %broadcast_in_dim3A_173 : vector<16x1xi32> to vector<16xi32>
      %gather3A_174 = tpu.dynamic_gather %min3A_172[%gather3A] in [0] : vector<16xf32>, vector<16xi32> -> vector<16xf32>
      %min3A_175 = arith.minimumf %min3A_172, %gather3A_174 : vector<16xf32>
      %broadcast_in_dim3A_176 = vector.shape_cast %and3A_42 : vector<16xi32> to vector<16x1xi32>
      %gather3A_177 = vector.shape_cast %broadcast_in_dim3A_176 : vector<16x1xi32> to vector<16xi32>
      %gather3A_178 = tpu.dynamic_gather %min3A_175[%gather3A_177] in [0] : vector<16xf32>, vector<16xi32> -> vector<16xf32>
      %min3A_179 = arith.minimumf %min3A_175, %gather3A_178 : vector<16xf32>
      %broadcast_in_dim3A_180 = vector.shape_cast %and3A_48 : vector<16xi32> to vector<16x1xi32>
      %gather3A_181 = vector.shape_cast %broadcast_in_dim3A_180 : vector<16x1xi32> to vector<16xi32>
      %gather3A_182 = tpu.dynamic_gather %min3A_179[%gather3A_181] in [0] : vector<16xf32>, vector<16xi32> -> vector<16xf32>
      %min3A_183 = arith.minimumf %min3A_179, %gather3A_182 : vector<16xf32>
      %broadcast_in_dim3A_184 = vector.shape_cast %and3A_54 : vector<16xi32> to vector<16x1xi32>
      %gather3A_185 = vector.shape_cast %broadcast_in_dim3A_184 : vector<16x1xi32> to vector<16xi32>
      %gather3A_186 = tpu.dynamic_gather %min3A_183[%gather3A_185] in [0] : vector<16xf32>, vector<16xi32> -> vector<16xf32>
      %min3A_187 = arith.minimumf %min3A_183, %gather3A_186 : vector<16xf32>
      %broadcast_in_dim3A_188 = vector.broadcast %scan3A : f32 to vector<16xf32>
      %gt3A_189 = arith.cmpf ogt, %scan3A_104#0, %min3A_187 : vector<16xf32>
      %broadcast_in_dim3A_190 = vector.broadcast %scan3A : f32 to vector<16xf32>
      %select_n3A_191 = arith.select %gt3A_189, %scan3A_104#0, %broadcast_in_dim3A_190 : vector<16xi1>, vector<16xf32>
      %min3A_192 = arith.minimumf %broadcast_in_dim3A_188, %select_n3A_191 : vector<16xf32>
      %gt3A_193 = arith.cmpf ogt, %scan3A_104#1, %min3A_187 : vector<16xf32>
      %broadcast_in_dim3A_194 = vector.broadcast %scan3A : f32 to vector<16xf32>
      %select_n3A_195 = arith.select %gt3A_193, %scan3A_104#1, %broadcast_in_dim3A_194 : vector<16xi1>, vector<16xf32>
      %min3A_196 = arith.minimumf %min3A_192, %select_n3A_195 : vector<16xf32>
      %gt3A_197 = arith.cmpf ogt, %scan3A_104#2, %min3A_187 : vector<16xf32>
      %broadcast_in_dim3A_198 = vector.broadcast %scan3A : f32 to vector<16xf32>
      %select_n3A_199 = arith.select %gt3A_197, %scan3A_104#2, %broadcast_in_dim3A_198 : vector<16xi1>, vector<16xf32>
      %min3A_200 = arith.minimumf %min3A_196, %select_n3A_199 : vector<16xf32>
      %gt3A_201 = arith.cmpf ogt, %scan3A_104#3, %min3A_187 : vector<16xf32>
      %broadcast_in_dim3A_202 = vector.broadcast %scan3A : f32 to vector<16xf32>
      %select_n3A_203 = arith.select %gt3A_201, %scan3A_104#3, %broadcast_in_dim3A_202 : vector<16xi1>, vector<16xf32>
      %min3A_204 = arith.minimumf %min3A_200, %select_n3A_203 : vector<16xf32>
      %gt3A_205 = arith.cmpf ogt, %scan3A_104#4, %min3A_187 : vector<16xf32>
      %broadcast_in_dim3A_206 = vector.broadcast %scan3A : f32 to vector<16xf32>
      %select_n3A_207 = arith.select %gt3A_205, %scan3A_104#4, %broadcast_in_dim3A_206 : vector<16xi1>, vector<16xf32>
      %min3A_208 = arith.minimumf %min3A_204, %select_n3A_207 : vector<16xf32>
      %gt3A_209 = arith.cmpf ogt, %scan3A_104#5, %min3A_187 : vector<16xf32>
      %broadcast_in_dim3A_210 = vector.broadcast %scan3A : f32 to vector<16xf32>
      %select_n3A_211 = arith.select %gt3A_209, %scan3A_104#5, %broadcast_in_dim3A_210 : vector<16xi1>, vector<16xf32>
      %min3A_212 = arith.minimumf %min3A_208, %select_n3A_211 : vector<16xf32>
      %gt3A_213 = arith.cmpf ogt, %scan3A_104#6, %min3A_187 : vector<16xf32>
      %broadcast_in_dim3A_214 = vector.broadcast %scan3A : f32 to vector<16xf32>
      %select_n3A_215 = arith.select %gt3A_213, %scan3A_104#6, %broadcast_in_dim3A_214 : vector<16xi1>, vector<16xf32>
      %min3A_216 = arith.minimumf %min3A_212, %select_n3A_215 : vector<16xf32>
      %gt3A_217 = arith.cmpf ogt, %scan3A_104#7, %min3A_187 : vector<16xf32>
      %broadcast_in_dim3A_218 = vector.broadcast %scan3A : f32 to vector<16xf32>
      %select_n3A_219 = arith.select %gt3A_217, %scan3A_104#7, %broadcast_in_dim3A_218 : vector<16xi1>, vector<16xf32>
      %min3A_220 = arith.minimumf %min3A_216, %select_n3A_219 : vector<16xf32>
      %gt3A_221 = arith.cmpf ogt, %scan3A_104#8, %min3A_187 : vector<16xf32>
      %broadcast_in_dim3A_222 = vector.broadcast %scan3A : f32 to vector<16xf32>
      %select_n3A_223 = arith.select %gt3A_221, %scan3A_104#8, %broadcast_in_dim3A_222 : vector<16xi1>, vector<16xf32>
      %min3A_224 = arith.minimumf %min3A_220, %select_n3A_223 : vector<16xf32>
      %gt3A_225 = arith.cmpf ogt, %scan3A_104#9, %min3A_187 : vector<16xf32>
      %broadcast_in_dim3A_226 = vector.broadcast %scan3A : f32 to vector<16xf32>
      %select_n3A_227 = arith.select %gt3A_225, %scan3A_104#9, %broadcast_in_dim3A_226 : vector<16xi1>, vector<16xf32>
      %min3A_228 = arith.minimumf %min3A_224, %select_n3A_227 : vector<16xf32>
      %gt3A_229 = arith.cmpf ogt, %scan3A_104#10, %min3A_187 : vector<16xf32>
      %broadcast_in_dim3A_230 = vector.broadcast %scan3A : f32 to vector<16xf32>
      %select_n3A_231 = arith.select %gt3A_229, %scan3A_104#10, %broadcast_in_dim3A_230 : vector<16xi1>, vector<16xf32>
      %min3A_232 = arith.minimumf %min3A_228, %select_n3A_231 : vector<16xf32>
      %gt3A_233 = arith.cmpf ogt, %scan3A_104#11, %min3A_187 : vector<16xf32>
      %broadcast_in_dim3A_234 = vector.broadcast %scan3A : f32 to vector<16xf32>
      %select_n3A_235 = arith.select %gt3A_233, %scan3A_104#11, %broadcast_in_dim3A_234 : vector<16xi1>, vector<16xf32>
      %min3A_236 = arith.minimumf %min3A_232, %select_n3A_235 : vector<16xf32>
      %gt3A_237 = arith.cmpf ogt, %scan3A_104#12, %min3A_187 : vector<16xf32>
      %broadcast_in_dim3A_238 = vector.broadcast %scan3A : f32 to vector<16xf32>
      %select_n3A_239 = arith.select %gt3A_237, %scan3A_104#12, %broadcast_in_dim3A_238 : vector<16xi1>, vector<16xf32>
      %min3A_240 = arith.minimumf %min3A_236, %select_n3A_239 : vector<16xf32>
      %gt3A_241 = arith.cmpf ogt, %scan3A_104#13, %min3A_187 : vector<16xf32>
      %broadcast_in_dim3A_242 = vector.broadcast %scan3A : f32 to vector<16xf32>
      %select_n3A_243 = arith.select %gt3A_241, %scan3A_104#13, %broadcast_in_dim3A_242 : vector<16xi1>, vector<16xf32>
      %min3A_244 = arith.minimumf %min3A_240, %select_n3A_243 : vector<16xf32>
      %gt3A_245 = arith.cmpf ogt, %scan3A_104#14, %min3A_187 : vector<16xf32>
      %broadcast_in_dim3A_246 = vector.broadcast %scan3A : f32 to vector<16xf32>
      %select_n3A_247 = arith.select %gt3A_245, %scan3A_104#14, %broadcast_in_dim3A_246 : vector<16xi1>, vector<16xf32>
      %min3A_248 = arith.minimumf %min3A_244, %select_n3A_247 : vector<16xf32>
      %gt3A_249 = arith.cmpf ogt, %scan3A_104#15, %min3A_187 : vector<16xf32>
      %broadcast_in_dim3A_250 = vector.broadcast %scan3A : f32 to vector<16xf32>
      %select_n3A_251 = arith.select %gt3A_249, %scan3A_104#15, %broadcast_in_dim3A_250 : vector<16xi1>, vector<16xf32>
      %min3A_252 = arith.minimumf %min3A_248, %select_n3A_251 : vector<16xf32>
      %broadcast_in_dim3A_253 = vector.shape_cast %and3A_36 : vector<16xi32> to vector<16x1xi32>
      %gather3A_254 = vector.shape_cast %broadcast_in_dim3A_253 : vector<16x1xi32> to vector<16xi32>
      %gather3A_255 = tpu.dynamic_gather %min3A_252[%gather3A_254] in [0] : vector<16xf32>, vector<16xi32> -> vector<16xf32>
      %min3A_256 = arith.minimumf %min3A_252, %gather3A_255 : vector<16xf32>
      %broadcast_in_dim3A_257 = vector.shape_cast %and3A_42 : vector<16xi32> to vector<16x1xi32>
      %gather3A_258 = vector.shape_cast %broadcast_in_dim3A_257 : vector<16x1xi32> to vector<16xi32>
      %gather3A_259 = tpu.dynamic_gather %min3A_256[%gather3A_258] in [0] : vector<16xf32>, vector<16xi32> -> vector<16xf32>
      %min3A_260 = arith.minimumf %min3A_256, %gather3A_259 : vector<16xf32>
      %broadcast_in_dim3A_261 = vector.shape_cast %and3A_48 : vector<16xi32> to vector<16x1xi32>
      %gather3A_262 = vector.shape_cast %broadcast_in_dim3A_261 : vector<16x1xi32> to vector<16xi32>
      %gather3A_263 = tpu.dynamic_gather %min3A_260[%gather3A_262] in [0] : vector<16xf32>, vector<16xi32> -> vector<16xf32>
      %min3A_264 = arith.minimumf %min3A_260, %gather3A_263 : vector<16xf32>
      %broadcast_in_dim3A_265 = vector.shape_cast %and3A_54 : vector<16xi32> to vector<16x1xi32>
      %gather3A_266 = vector.shape_cast %broadcast_in_dim3A_265 : vector<16x1xi32> to vector<16xi32>
      %gather3A_267 = tpu.dynamic_gather %min3A_264[%gather3A_266] in [0] : vector<16xf32>, vector<16xi32> -> vector<16xf32>
      %min3A_268 = arith.minimumf %min3A_264, %gather3A_267 : vector<16xf32>
      %eq3A_269 = arith.constant 0 : i32
      %eq3A_270 = vector.broadcast %eq3A_269 : i32 to vector<16xi32>
      %eq3A_271 = arith.cmpi eq, %iota3A, %eq3A_270 : vector<16xi32>
      %select_n3A_272 = arith.select %eq3A_271, %min3A_268, %broadcast_in_dim3A_107 : vector<16xi1>, vector<16xf32>
      %broadcast_in_dim3A_273 = vector.broadcast %scan3A : f32 to vector<16xf32>
      %gt3A_274 = arith.cmpf ogt, %scan3A_104#0, %min3A_268 : vector<16xf32>
      %broadcast_in_dim3A_275 = vector.broadcast %scan3A : f32 to vector<16xf32>
      %select_n3A_276 = arith.select %gt3A_274, %scan3A_104#0, %broadcast_in_dim3A_275 : vector<16xi1>, vector<16xf32>
      %min3A_277 = arith.minimumf %broadcast_in_dim3A_273, %select_n3A_276 : vector<16xf32>
      %gt3A_278 = arith.cmpf ogt, %scan3A_104#1, %min3A_268 : vector<16xf32>
      %broadcast_in_dim3A_279 = vector.broadcast %scan3A : f32 to vector<16xf32>
      %select_n3A_280 = arith.select %gt3A_278, %scan3A_104#1, %broadcast_in_dim3A_279 : vector<16xi1>, vector<16xf32>
      %min3A_281 = arith.minimumf %min3A_277, %select_n3A_280 : vector<16xf32>
      %gt3A_282 = arith.cmpf ogt, %scan3A_104#2, %min3A_268 : vector<16xf32>
      %broadcast_in_dim3A_283 = vector.broadcast %scan3A : f32 to vector<16xf32>
      %select_n3A_284 = arith.select %gt3A_282, %scan3A_104#2, %broadcast_in_dim3A_283 : vector<16xi1>, vector<16xf32>
      %min3A_285 = arith.minimumf %min3A_281, %select_n3A_284 : vector<16xf32>
      %gt3A_286 = arith.cmpf ogt, %scan3A_104#3, %min3A_268 : vector<16xf32>
      %broadcast_in_dim3A_287 = vector.broadcast %scan3A : f32 to vector<16xf32>
      %select_n3A_288 = arith.select %gt3A_286, %scan3A_104#3, %broadcast_in_dim3A_287 : vector<16xi1>, vector<16xf32>
      %min3A_289 = arith.minimumf %min3A_285, %select_n3A_288 : vector<16xf32>
      %gt3A_290 = arith.cmpf ogt, %scan3A_104#4, %min3A_268 : vector<16xf32>
      %broadcast_in_dim3A_291 = vector.broadcast %scan3A : f32 to vector<16xf32>
      %select_n3A_292 = arith.select %gt3A_290, %scan3A_104#4, %broadcast_in_dim3A_291 : vector<16xi1>, vector<16xf32>
      %min3A_293 = arith.minimumf %min3A_289, %select_n3A_292 : vector<16xf32>
      %gt3A_294 = arith.cmpf ogt, %scan3A_104#5, %min3A_268 : vector<16xf32>
      %broadcast_in_dim3A_295 = vector.broadcast %scan3A : f32 to vector<16xf32>
      %select_n3A_296 = arith.select %gt3A_294, %scan3A_104#5, %broadcast_in_dim3A_295 : vector<16xi1>, vector<16xf32>
      %min3A_297 = arith.minimumf %min3A_293, %select_n3A_296 : vector<16xf32>
      %gt3A_298 = arith.cmpf ogt, %scan3A_104#6, %min3A_268 : vector<16xf32>
      %broadcast_in_dim3A_299 = vector.broadcast %scan3A : f32 to vector<16xf32>
      %select_n3A_300 = arith.select %gt3A_298, %scan3A_104#6, %broadcast_in_dim3A_299 : vector<16xi1>, vector<16xf32>
      %min3A_301 = arith.minimumf %min3A_297, %select_n3A_300 : vector<16xf32>
      %gt3A_302 = arith.cmpf ogt, %scan3A_104#7, %min3A_268 : vector<16xf32>
      %broadcast_in_dim3A_303 = vector.broadcast %scan3A : f32 to vector<16xf32>
      %select_n3A_304 = arith.select %gt3A_302, %scan3A_104#7, %broadcast_in_dim3A_303 : vector<16xi1>, vector<16xf32>
      %min3A_305 = arith.minimumf %min3A_301, %select_n3A_304 : vector<16xf32>
      %gt3A_306 = arith.cmpf ogt, %scan3A_104#8, %min3A_268 : vector<16xf32>
      %broadcast_in_dim3A_307 = vector.broadcast %scan3A : f32 to vector<16xf32>
      %select_n3A_308 = arith.select %gt3A_306, %scan3A_104#8, %broadcast_in_dim3A_307 : vector<16xi1>, vector<16xf32>
      %min3A_309 = arith.minimumf %min3A_305, %select_n3A_308 : vector<16xf32>
      %gt3A_310 = arith.cmpf ogt, %scan3A_104#9, %min3A_268 : vector<16xf32>
      %broadcast_in_dim3A_311 = vector.broadcast %scan3A : f32 to vector<16xf32>
      %select_n3A_312 = arith.select %gt3A_310, %scan3A_104#9, %broadcast_in_dim3A_311 : vector<16xi1>, vector<16xf32>
      %min3A_313 = arith.minimumf %min3A_309, %select_n3A_312 : vector<16xf32>
      %gt3A_314 = arith.cmpf ogt, %scan3A_104#10, %min3A_268 : vector<16xf32>
      %broadcast_in_dim3A_315 = vector.broadcast %scan3A : f32 to vector<16xf32>
      %select_n3A_316 = arith.select %gt3A_314, %scan3A_104#10, %broadcast_in_dim3A_315 : vector<16xi1>, vector<16xf32>
      %min3A_317 = arith.minimumf %min3A_313, %select_n3A_316 : vector<16xf32>
      %gt3A_318 = arith.cmpf ogt, %scan3A_104#11, %min3A_268 : vector<16xf32>
      %broadcast_in_dim3A_319 = vector.broadcast %scan3A : f32 to vector<16xf32>
      %select_n3A_320 = arith.select %gt3A_318, %scan3A_104#11, %broadcast_in_dim3A_319 : vector<16xi1>, vector<16xf32>
      %min3A_321 = arith.minimumf %min3A_317, %select_n3A_320 : vector<16xf32>
      %gt3A_322 = arith.cmpf ogt, %scan3A_104#12, %min3A_268 : vector<16xf32>
      %broadcast_in_dim3A_323 = vector.broadcast %scan3A : f32 to vector<16xf32>
      %select_n3A_324 = arith.select %gt3A_322, %scan3A_104#12, %broadcast_in_dim3A_323 : vector<16xi1>, vector<16xf32>
      %min3A_325 = arith.minimumf %min3A_321, %select_n3A_324 : vector<16xf32>
      %gt3A_326 = arith.cmpf ogt, %scan3A_104#13, %min3A_268 : vector<16xf32>
      %broadcast_in_dim3A_327 = vector.broadcast %scan3A : f32 to vector<16xf32>
      %select_n3A_328 = arith.select %gt3A_326, %scan3A_104#13, %broadcast_in_dim3A_327 : vector<16xi1>, vector<16xf32>
      %min3A_329 = arith.minimumf %min3A_325, %select_n3A_328 : vector<16xf32>
      %gt3A_330 = arith.cmpf ogt, %scan3A_104#14, %min3A_268 : vector<16xf32>
      %broadcast_in_dim3A_331 = vector.broadcast %scan3A : f32 to vector<16xf32>
      %select_n3A_332 = arith.select %gt3A_330, %scan3A_104#14, %broadcast_in_dim3A_331 : vector<16xi1>, vector<16xf32>
      %min3A_333 = arith.minimumf %min3A_329, %select_n3A_332 : vector<16xf32>
      %gt3A_334 = arith.cmpf ogt, %scan3A_104#15, %min3A_268 : vector<16xf32>
      %broadcast_in_dim3A_335 = vector.broadcast %scan3A : f32 to vector<16xf32>
      %select_n3A_336 = arith.select %gt3A_334, %scan3A_104#15, %broadcast_in_dim3A_335 : vector<16xi1>, vector<16xf32>
      %min3A_337 = arith.minimumf %min3A_333, %select_n3A_336 : vector<16xf32>
      %broadcast_in_dim3A_338 = vector.shape_cast %and3A_36 : vector<16xi32> to vector<16x1xi32>
      %gather3A_339 = vector.shape_cast %broadcast_in_dim3A_338 : vector<16x1xi32> to vector<16xi32>
      %gather3A_340 = tpu.dynamic_gather %min3A_337[%gather3A_339] in [0] : vector<16xf32>, vector<16xi32> -> vector<16xf32>
      %min3A_341 = arith.minimumf %min3A_337, %gather3A_340 : vector<16xf32>
      %broadcast_in_dim3A_342 = vector.shape_cast %and3A_42 : vector<16xi32> to vector<16x1xi32>
      %gather3A_343 = vector.shape_cast %broadcast_in_dim3A_342 : vector<16x1xi32> to vector<16xi32>
      %gather3A_344 = tpu.dynamic_gather %min3A_341[%gather3A_343] in [0] : vector<16xf32>, vector<16xi32> -> vector<16xf32>
      %min3A_345 = arith.minimumf %min3A_341, %gather3A_344 : vector<16xf32>
      %broadcast_in_dim3A_346 = vector.shape_cast %and3A_48 : vector<16xi32> to vector<16x1xi32>
      %gather3A_347 = vector.shape_cast %broadcast_in_dim3A_346 : vector<16x1xi32> to vector<16xi32>
      %gather3A_348 = tpu.dynamic_gather %min3A_345[%gather3A_347] in [0] : vector<16xf32>, vector<16xi32> -> vector<16xf32>
      %min3A_349 = arith.minimumf %min3A_345, %gather3A_348 : vector<16xf32>
      %broadcast_in_dim3A_350 = vector.shape_cast %and3A_54 : vector<16xi32> to vector<16x1xi32>
      %gather3A_351 = vector.shape_cast %broadcast_in_dim3A_350 : vector<16x1xi32> to vector<16xi32>
      %gather3A_352 = tpu.dynamic_gather %min3A_349[%gather3A_351] in [0] : vector<16xf32>, vector<16xi32> -> vector<16xf32>
      %min3A_353 = arith.minimumf %min3A_349, %gather3A_352 : vector<16xf32>
      %eq3A_354 = arith.constant 1 : i32
      %eq3A_355 = vector.broadcast %eq3A_354 : i32 to vector<16xi32>
      %eq3A_356 = arith.cmpi eq, %iota3A, %eq3A_355 : vector<16xi32>
      %select_n3A_357 = arith.select %eq3A_356, %min3A_353, %select_n3A_272 : vector<16xi1>, vector<16xf32>
      %broadcast_in_dim3A_358 = vector.broadcast %scan3A : f32 to vector<16xf32>
      %gt3A_359 = arith.cmpf ogt, %scan3A_104#0, %min3A_353 : vector<16xf32>
      %broadcast_in_dim3A_360 = vector.broadcast %scan3A : f32 to vector<16xf32>
      %select_n3A_361 = arith.select %gt3A_359, %scan3A_104#0, %broadcast_in_dim3A_360 : vector<16xi1>, vector<16xf32>
      %min3A_362 = arith.minimumf %broadcast_in_dim3A_358, %select_n3A_361 : vector<16xf32>
      %gt3A_363 = arith.cmpf ogt, %scan3A_104#1, %min3A_353 : vector<16xf32>
      %broadcast_in_dim3A_364 = vector.broadcast %scan3A : f32 to vector<16xf32>
      %select_n3A_365 = arith.select %gt3A_363, %scan3A_104#1, %broadcast_in_dim3A_364 : vector<16xi1>, vector<16xf32>
      %min3A_366 = arith.minimumf %min3A_362, %select_n3A_365 : vector<16xf32>
      %gt3A_367 = arith.cmpf ogt, %scan3A_104#2, %min3A_353 : vector<16xf32>
      %broadcast_in_dim3A_368 = vector.broadcast %scan3A : f32 to vector<16xf32>
      %select_n3A_369 = arith.select %gt3A_367, %scan3A_104#2, %broadcast_in_dim3A_368 : vector<16xi1>, vector<16xf32>
      %min3A_370 = arith.minimumf %min3A_366, %select_n3A_369 : vector<16xf32>
      %gt3A_371 = arith.cmpf ogt, %scan3A_104#3, %min3A_353 : vector<16xf32>
      %broadcast_in_dim3A_372 = vector.broadcast %scan3A : f32 to vector<16xf32>
      %select_n3A_373 = arith.select %gt3A_371, %scan3A_104#3, %broadcast_in_dim3A_372 : vector<16xi1>, vector<16xf32>
      %min3A_374 = arith.minimumf %min3A_370, %select_n3A_373 : vector<16xf32>
      %gt3A_375 = arith.cmpf ogt, %scan3A_104#4, %min3A_353 : vector<16xf32>
      %broadcast_in_dim3A_376 = vector.broadcast %scan3A : f32 to vector<16xf32>
      %select_n3A_377 = arith.select %gt3A_375, %scan3A_104#4, %broadcast_in_dim3A_376 : vector<16xi1>, vector<16xf32>
      %min3A_378 = arith.minimumf %min3A_374, %select_n3A_377 : vector<16xf32>
      %gt3A_379 = arith.cmpf ogt, %scan3A_104#5, %min3A_353 : vector<16xf32>
      %broadcast_in_dim3A_380 = vector.broadcast %scan3A : f32 to vector<16xf32>
      %select_n3A_381 = arith.select %gt3A_379, %scan3A_104#5, %broadcast_in_dim3A_380 : vector<16xi1>, vector<16xf32>
      %min3A_382 = arith.minimumf %min3A_378, %select_n3A_381 : vector<16xf32>
      %gt3A_383 = arith.cmpf ogt, %scan3A_104#6, %min3A_353 : vector<16xf32>
      %broadcast_in_dim3A_384 = vector.broadcast %scan3A : f32 to vector<16xf32>
      %select_n3A_385 = arith.select %gt3A_383, %scan3A_104#6, %broadcast_in_dim3A_384 : vector<16xi1>, vector<16xf32>
      %min3A_386 = arith.minimumf %min3A_382, %select_n3A_385 : vector<16xf32>
      %gt3A_387 = arith.cmpf ogt, %scan3A_104#7, %min3A_353 : vector<16xf32>
      %broadcast_in_dim3A_388 = vector.broadcast %scan3A : f32 to vector<16xf32>
      %select_n3A_389 = arith.select %gt3A_387, %scan3A_104#7, %broadcast_in_dim3A_388 : vector<16xi1>, vector<16xf32>
      %min3A_390 = arith.minimumf %min3A_386, %select_n3A_389 : vector<16xf32>
      %gt3A_391 = arith.cmpf ogt, %scan3A_104#8, %min3A_353 : vector<16xf32>
      %broadcast_in_dim3A_392 = vector.broadcast %scan3A : f32 to vector<16xf32>
      %select_n3A_393 = arith.select %gt3A_391, %scan3A_104#8, %broadcast_in_dim3A_392 : vector<16xi1>, vector<16xf32>
      %min3A_394 = arith.minimumf %min3A_390, %select_n3A_393 : vector<16xf32>
      %gt3A_395 = arith.cmpf ogt, %scan3A_104#9, %min3A_353 : vector<16xf32>
      %broadcast_in_dim3A_396 = vector.broadcast %scan3A : f32 to vector<16xf32>
      %select_n3A_397 = arith.select %gt3A_395, %scan3A_104#9, %broadcast_in_dim3A_396 : vector<16xi1>, vector<16xf32>
      %min3A_398 = arith.minimumf %min3A_394, %select_n3A_397 : vector<16xf32>
      %gt3A_399 = arith.cmpf ogt, %scan3A_104#10, %min3A_353 : vector<16xf32>
      %broadcast_in_dim3A_400 = vector.broadcast %scan3A : f32 to vector<16xf32>
      %select_n3A_401 = arith.select %gt3A_399, %scan3A_104#10, %broadcast_in_dim3A_400 : vector<16xi1>, vector<16xf32>
      %min3A_402 = arith.minimumf %min3A_398, %select_n3A_401 : vector<16xf32>
      %gt3A_403 = arith.cmpf ogt, %scan3A_104#11, %min3A_353 : vector<16xf32>
      %broadcast_in_dim3A_404 = vector.broadcast %scan3A : f32 to vector<16xf32>
      %select_n3A_405 = arith.select %gt3A_403, %scan3A_104#11, %broadcast_in_dim3A_404 : vector<16xi1>, vector<16xf32>
      %min3A_406 = arith.minimumf %min3A_402, %select_n3A_405 : vector<16xf32>
      %gt3A_407 = arith.cmpf ogt, %scan3A_104#12, %min3A_353 : vector<16xf32>
      %broadcast_in_dim3A_408 = vector.broadcast %scan3A : f32 to vector<16xf32>
      %select_n3A_409 = arith.select %gt3A_407, %scan3A_104#12, %broadcast_in_dim3A_408 : vector<16xi1>, vector<16xf32>
      %min3A_410 = arith.minimumf %min3A_406, %select_n3A_409 : vector<16xf32>
      %gt3A_411 = arith.cmpf ogt, %scan3A_104#13, %min3A_353 : vector<16xf32>
      %broadcast_in_dim3A_412 = vector.broadcast %scan3A : f32 to vector<16xf32>
      %select_n3A_413 = arith.select %gt3A_411, %scan3A_104#13, %broadcast_in_dim3A_412 : vector<16xi1>, vector<16xf32>
      %min3A_414 = arith.minimumf %min3A_410, %select_n3A_413 : vector<16xf32>
      %gt3A_415 = arith.cmpf ogt, %scan3A_104#14, %min3A_353 : vector<16xf32>
      %broadcast_in_dim3A_416 = vector.broadcast %scan3A : f32 to vector<16xf32>
      %select_n3A_417 = arith.select %gt3A_415, %scan3A_104#14, %broadcast_in_dim3A_416 : vector<16xi1>, vector<16xf32>
      %min3A_418 = arith.minimumf %min3A_414, %select_n3A_417 : vector<16xf32>
      %gt3A_419 = arith.cmpf ogt, %scan3A_104#15, %min3A_353 : vector<16xf32>
      %broadcast_in_dim3A_420 = vector.broadcast %scan3A : f32 to vector<16xf32>
      %select_n3A_421 = arith.select %gt3A_419, %scan3A_104#15, %broadcast_in_dim3A_420 : vector<16xi1>, vector<16xf32>
      %min3A_422 = arith.minimumf %min3A_418, %select_n3A_421 : vector<16xf32>
      %broadcast_in_dim3A_423 = vector.shape_cast %and3A_36 : vector<16xi32> to vector<16x1xi32>
      %gather3A_424 = vector.shape_cast %broadcast_in_dim3A_423 : vector<16x1xi32> to vector<16xi32>
      %gather3A_425 = tpu.dynamic_gather %min3A_422[%gather3A_424] in [0] : vector<16xf32>, vector<16xi32> -> vector<16xf32>
      %min3A_426 = arith.minimumf %min3A_422, %gather3A_425 : vector<16xf32>
      %broadcast_in_dim3A_427 = vector.shape_cast %and3A_42 : vector<16xi32> to vector<16x1xi32>
      %gather3A_428 = vector.shape_cast %broadcast_in_dim3A_427 : vector<16x1xi32> to vector<16xi32>
      %gather3A_429 = tpu.dynamic_gather %min3A_426[%gather3A_428] in [0] : vector<16xf32>, vector<16xi32> -> vector<16xf32>
      %min3A_430 = arith.minimumf %min3A_426, %gather3A_429 : vector<16xf32>
      %broadcast_in_dim3A_431 = vector.shape_cast %and3A_48 : vector<16xi32> to vector<16x1xi32>
      %gather3A_432 = vector.shape_cast %broadcast_in_dim3A_431 : vector<16x1xi32> to vector<16xi32>
      %gather3A_433 = tpu.dynamic_gather %min3A_430[%gather3A_432] in [0] : vector<16xf32>, vector<16xi32> -> vector<16xf32>
      %min3A_434 = arith.minimumf %min3A_430, %gather3A_433 : vector<16xf32>
      %broadcast_in_dim3A_435 = vector.shape_cast %and3A_54 : vector<16xi32> to vector<16x1xi32>
      %gather3A_436 = vector.shape_cast %broadcast_in_dim3A_435 : vector<16x1xi32> to vector<16xi32>
      %gather3A_437 = tpu.dynamic_gather %min3A_434[%gather3A_436] in [0] : vector<16xf32>, vector<16xi32> -> vector<16xf32>
      %min3A_438 = arith.minimumf %min3A_434, %gather3A_437 : vector<16xf32>
      %eq3A_439 = arith.constant 2 : i32
      %eq3A_440 = vector.broadcast %eq3A_439 : i32 to vector<16xi32>
      %eq3A_441 = arith.cmpi eq, %iota3A, %eq3A_440 : vector<16xi32>
      %select_n3A_442 = arith.select %eq3A_441, %min3A_438, %select_n3A_357 : vector<16xi1>, vector<16xf32>
      %broadcast_in_dim3A_443 = vector.broadcast %scan3A : f32 to vector<16xf32>
      %gt3A_444 = arith.cmpf ogt, %scan3A_104#0, %min3A_438 : vector<16xf32>
      %broadcast_in_dim3A_445 = vector.broadcast %scan3A : f32 to vector<16xf32>
      %select_n3A_446 = arith.select %gt3A_444, %scan3A_104#0, %broadcast_in_dim3A_445 : vector<16xi1>, vector<16xf32>
      %min3A_447 = arith.minimumf %broadcast_in_dim3A_443, %select_n3A_446 : vector<16xf32>
      %gt3A_448 = arith.cmpf ogt, %scan3A_104#1, %min3A_438 : vector<16xf32>
      %broadcast_in_dim3A_449 = vector.broadcast %scan3A : f32 to vector<16xf32>
      %select_n3A_450 = arith.select %gt3A_448, %scan3A_104#1, %broadcast_in_dim3A_449 : vector<16xi1>, vector<16xf32>
      %min3A_451 = arith.minimumf %min3A_447, %select_n3A_450 : vector<16xf32>
      %gt3A_452 = arith.cmpf ogt, %scan3A_104#2, %min3A_438 : vector<16xf32>
      %broadcast_in_dim3A_453 = vector.broadcast %scan3A : f32 to vector<16xf32>
      %select_n3A_454 = arith.select %gt3A_452, %scan3A_104#2, %broadcast_in_dim3A_453 : vector<16xi1>, vector<16xf32>
      %min3A_455 = arith.minimumf %min3A_451, %select_n3A_454 : vector<16xf32>
      %gt3A_456 = arith.cmpf ogt, %scan3A_104#3, %min3A_438 : vector<16xf32>
      %broadcast_in_dim3A_457 = vector.broadcast %scan3A : f32 to vector<16xf32>
      %select_n3A_458 = arith.select %gt3A_456, %scan3A_104#3, %broadcast_in_dim3A_457 : vector<16xi1>, vector<16xf32>
      %min3A_459 = arith.minimumf %min3A_455, %select_n3A_458 : vector<16xf32>
      %gt3A_460 = arith.cmpf ogt, %scan3A_104#4, %min3A_438 : vector<16xf32>
      %broadcast_in_dim3A_461 = vector.broadcast %scan3A : f32 to vector<16xf32>
      %select_n3A_462 = arith.select %gt3A_460, %scan3A_104#4, %broadcast_in_dim3A_461 : vector<16xi1>, vector<16xf32>
      %min3A_463 = arith.minimumf %min3A_459, %select_n3A_462 : vector<16xf32>
      %gt3A_464 = arith.cmpf ogt, %scan3A_104#5, %min3A_438 : vector<16xf32>
      %broadcast_in_dim3A_465 = vector.broadcast %scan3A : f32 to vector<16xf32>
      %select_n3A_466 = arith.select %gt3A_464, %scan3A_104#5, %broadcast_in_dim3A_465 : vector<16xi1>, vector<16xf32>
      %min3A_467 = arith.minimumf %min3A_463, %select_n3A_466 : vector<16xf32>
      %gt3A_468 = arith.cmpf ogt, %scan3A_104#6, %min3A_438 : vector<16xf32>
      %broadcast_in_dim3A_469 = vector.broadcast %scan3A : f32 to vector<16xf32>
      %select_n3A_470 = arith.select %gt3A_468, %scan3A_104#6, %broadcast_in_dim3A_469 : vector<16xi1>, vector<16xf32>
      %min3A_471 = arith.minimumf %min3A_467, %select_n3A_470 : vector<16xf32>
      %gt3A_472 = arith.cmpf ogt, %scan3A_104#7, %min3A_438 : vector<16xf32>
      %broadcast_in_dim3A_473 = vector.broadcast %scan3A : f32 to vector<16xf32>
      %select_n3A_474 = arith.select %gt3A_472, %scan3A_104#7, %broadcast_in_dim3A_473 : vector<16xi1>, vector<16xf32>
      %min3A_475 = arith.minimumf %min3A_471, %select_n3A_474 : vector<16xf32>
      %gt3A_476 = arith.cmpf ogt, %scan3A_104#8, %min3A_438 : vector<16xf32>
      %broadcast_in_dim3A_477 = vector.broadcast %scan3A : f32 to vector<16xf32>
      %select_n3A_478 = arith.select %gt3A_476, %scan3A_104#8, %broadcast_in_dim3A_477 : vector<16xi1>, vector<16xf32>
      %min3A_479 = arith.minimumf %min3A_475, %select_n3A_478 : vector<16xf32>
      %gt3A_480 = arith.cmpf ogt, %scan3A_104#9, %min3A_438 : vector<16xf32>
      %broadcast_in_dim3A_481 = vector.broadcast %scan3A : f32 to vector<16xf32>
      %select_n3A_482 = arith.select %gt3A_480, %scan3A_104#9, %broadcast_in_dim3A_481 : vector<16xi1>, vector<16xf32>
      %min3A_483 = arith.minimumf %min3A_479, %select_n3A_482 : vector<16xf32>
      %gt3A_484 = arith.cmpf ogt, %scan3A_104#10, %min3A_438 : vector<16xf32>
      %broadcast_in_dim3A_485 = vector.broadcast %scan3A : f32 to vector<16xf32>
      %select_n3A_486 = arith.select %gt3A_484, %scan3A_104#10, %broadcast_in_dim3A_485 : vector<16xi1>, vector<16xf32>
      %min3A_487 = arith.minimumf %min3A_483, %select_n3A_486 : vector<16xf32>
      %gt3A_488 = arith.cmpf ogt, %scan3A_104#11, %min3A_438 : vector<16xf32>
      %broadcast_in_dim3A_489 = vector.broadcast %scan3A : f32 to vector<16xf32>
      %select_n3A_490 = arith.select %gt3A_488, %scan3A_104#11, %broadcast_in_dim3A_489 : vector<16xi1>, vector<16xf32>
      %min3A_491 = arith.minimumf %min3A_487, %select_n3A_490 : vector<16xf32>
      %gt3A_492 = arith.cmpf ogt, %scan3A_104#12, %min3A_438 : vector<16xf32>
      %broadcast_in_dim3A_493 = vector.broadcast %scan3A : f32 to vector<16xf32>
      %select_n3A_494 = arith.select %gt3A_492, %scan3A_104#12, %broadcast_in_dim3A_493 : vector<16xi1>, vector<16xf32>
      %min3A_495 = arith.minimumf %min3A_491, %select_n3A_494 : vector<16xf32>
      %gt3A_496 = arith.cmpf ogt, %scan3A_104#13, %min3A_438 : vector<16xf32>
      %broadcast_in_dim3A_497 = vector.broadcast %scan3A : f32 to vector<16xf32>
      %select_n3A_498 = arith.select %gt3A_496, %scan3A_104#13, %broadcast_in_dim3A_497 : vector<16xi1>, vector<16xf32>
      %min3A_499 = arith.minimumf %min3A_495, %select_n3A_498 : vector<16xf32>
      %gt3A_500 = arith.cmpf ogt, %scan3A_104#14, %min3A_438 : vector<16xf32>
      %broadcast_in_dim3A_501 = vector.broadcast %scan3A : f32 to vector<16xf32>
      %select_n3A_502 = arith.select %gt3A_500, %scan3A_104#14, %broadcast_in_dim3A_501 : vector<16xi1>, vector<16xf32>
      %min3A_503 = arith.minimumf %min3A_499, %select_n3A_502 : vector<16xf32>
      %gt3A_504 = arith.cmpf ogt, %scan3A_104#15, %min3A_438 : vector<16xf32>
      %broadcast_in_dim3A_505 = vector.broadcast %scan3A : f32 to vector<16xf32>
      %select_n3A_506 = arith.select %gt3A_504, %scan3A_104#15, %broadcast_in_dim3A_505 : vector<16xi1>, vector<16xf32>
      %min3A_507 = arith.minimumf %min3A_503, %select_n3A_506 : vector<16xf32>
      %broadcast_in_dim3A_508 = vector.shape_cast %and3A_36 : vector<16xi32> to vector<16x1xi32>
      %gather3A_509 = vector.shape_cast %broadcast_in_dim3A_508 : vector<16x1xi32> to vector<16xi32>
      %gather3A_510 = tpu.dynamic_gather %min3A_507[%gather3A_509] in [0] : vector<16xf32>, vector<16xi32> -> vector<16xf32>
      %min3A_511 = arith.minimumf %min3A_507, %gather3A_510 : vector<16xf32>
      %broadcast_in_dim3A_512 = vector.shape_cast %and3A_42 : vector<16xi32> to vector<16x1xi32>
      %gather3A_513 = vector.shape_cast %broadcast_in_dim3A_512 : vector<16x1xi32> to vector<16xi32>
      %gather3A_514 = tpu.dynamic_gather %min3A_511[%gather3A_513] in [0] : vector<16xf32>, vector<16xi32> -> vector<16xf32>
      %min3A_515 = arith.minimumf %min3A_511, %gather3A_514 : vector<16xf32>
      %broadcast_in_dim3A_516 = vector.shape_cast %and3A_48 : vector<16xi32> to vector<16x1xi32>
      %gather3A_517 = vector.shape_cast %broadcast_in_dim3A_516 : vector<16x1xi32> to vector<16xi32>
      %gather3A_518 = tpu.dynamic_gather %min3A_515[%gather3A_517] in [0] : vector<16xf32>, vector<16xi32> -> vector<16xf32>
      %min3A_519 = arith.minimumf %min3A_515, %gather3A_518 : vector<16xf32>
      %broadcast_in_dim3A_520 = vector.shape_cast %and3A_54 : vector<16xi32> to vector<16x1xi32>
      %gather3A_521 = vector.shape_cast %broadcast_in_dim3A_520 : vector<16x1xi32> to vector<16xi32>
      %gather3A_522 = tpu.dynamic_gather %min3A_519[%gather3A_521] in [0] : vector<16xf32>, vector<16xi32> -> vector<16xf32>
      %min3A_523 = arith.minimumf %min3A_519, %gather3A_522 : vector<16xf32>
      %eq3A_524 = arith.constant 3 : i32
      %eq3A_525 = vector.broadcast %eq3A_524 : i32 to vector<16xi32>
      %eq3A_526 = arith.cmpi eq, %iota3A, %eq3A_525 : vector<16xi32>
      %select_n3A_527 = arith.select %eq3A_526, %min3A_523, %select_n3A_442 : vector<16xi1>, vector<16xf32>
      %broadcast_in_dim3A_528 = vector.broadcast %scan3A : f32 to vector<16xf32>
      %gt3A_529 = arith.cmpf ogt, %scan3A_104#0, %min3A_523 : vector<16xf32>
      %broadcast_in_dim3A_530 = vector.broadcast %scan3A : f32 to vector<16xf32>
      %select_n3A_531 = arith.select %gt3A_529, %scan3A_104#0, %broadcast_in_dim3A_530 : vector<16xi1>, vector<16xf32>
      %min3A_532 = arith.minimumf %broadcast_in_dim3A_528, %select_n3A_531 : vector<16xf32>
      %gt3A_533 = arith.cmpf ogt, %scan3A_104#1, %min3A_523 : vector<16xf32>
      %broadcast_in_dim3A_534 = vector.broadcast %scan3A : f32 to vector<16xf32>
      %select_n3A_535 = arith.select %gt3A_533, %scan3A_104#1, %broadcast_in_dim3A_534 : vector<16xi1>, vector<16xf32>
      %min3A_536 = arith.minimumf %min3A_532, %select_n3A_535 : vector<16xf32>
      %gt3A_537 = arith.cmpf ogt, %scan3A_104#2, %min3A_523 : vector<16xf32>
      %broadcast_in_dim3A_538 = vector.broadcast %scan3A : f32 to vector<16xf32>
      %select_n3A_539 = arith.select %gt3A_537, %scan3A_104#2, %broadcast_in_dim3A_538 : vector<16xi1>, vector<16xf32>
      %min3A_540 = arith.minimumf %min3A_536, %select_n3A_539 : vector<16xf32>
      %gt3A_541 = arith.cmpf ogt, %scan3A_104#3, %min3A_523 : vector<16xf32>
      %broadcast_in_dim3A_542 = vector.broadcast %scan3A : f32 to vector<16xf32>
      %select_n3A_543 = arith.select %gt3A_541, %scan3A_104#3, %broadcast_in_dim3A_542 : vector<16xi1>, vector<16xf32>
      %min3A_544 = arith.minimumf %min3A_540, %select_n3A_543 : vector<16xf32>
      %gt3A_545 = arith.cmpf ogt, %scan3A_104#4, %min3A_523 : vector<16xf32>
      %broadcast_in_dim3A_546 = vector.broadcast %scan3A : f32 to vector<16xf32>
      %select_n3A_547 = arith.select %gt3A_545, %scan3A_104#4, %broadcast_in_dim3A_546 : vector<16xi1>, vector<16xf32>
      %min3A_548 = arith.minimumf %min3A_544, %select_n3A_547 : vector<16xf32>
      %gt3A_549 = arith.cmpf ogt, %scan3A_104#5, %min3A_523 : vector<16xf32>
      %broadcast_in_dim3A_550 = vector.broadcast %scan3A : f32 to vector<16xf32>
      %select_n3A_551 = arith.select %gt3A_549, %scan3A_104#5, %broadcast_in_dim3A_550 : vector<16xi1>, vector<16xf32>
      %min3A_552 = arith.minimumf %min3A_548, %select_n3A_551 : vector<16xf32>
      %gt3A_553 = arith.cmpf ogt, %scan3A_104#6, %min3A_523 : vector<16xf32>
      %broadcast_in_dim3A_554 = vector.broadcast %scan3A : f32 to vector<16xf32>
      %select_n3A_555 = arith.select %gt3A_553, %scan3A_104#6, %broadcast_in_dim3A_554 : vector<16xi1>, vector<16xf32>
      %min3A_556 = arith.minimumf %min3A_552, %select_n3A_555 : vector<16xf32>
      %gt3A_557 = arith.cmpf ogt, %scan3A_104#7, %min3A_523 : vector<16xf32>
      %broadcast_in_dim3A_558 = vector.broadcast %scan3A : f32 to vector<16xf32>
      %select_n3A_559 = arith.select %gt3A_557, %scan3A_104#7, %broadcast_in_dim3A_558 : vector<16xi1>, vector<16xf32>
      %min3A_560 = arith.minimumf %min3A_556, %select_n3A_559 : vector<16xf32>
      %gt3A_561 = arith.cmpf ogt, %scan3A_104#8, %min3A_523 : vector<16xf32>
      %broadcast_in_dim3A_562 = vector.broadcast %scan3A : f32 to vector<16xf32>
      %select_n3A_563 = arith.select %gt3A_561, %scan3A_104#8, %broadcast_in_dim3A_562 : vector<16xi1>, vector<16xf32>
      %min3A_564 = arith.minimumf %min3A_560, %select_n3A_563 : vector<16xf32>
      %gt3A_565 = arith.cmpf ogt, %scan3A_104#9, %min3A_523 : vector<16xf32>
      %broadcast_in_dim3A_566 = vector.broadcast %scan3A : f32 to vector<16xf32>
      %select_n3A_567 = arith.select %gt3A_565, %scan3A_104#9, %broadcast_in_dim3A_566 : vector<16xi1>, vector<16xf32>
      %min3A_568 = arith.minimumf %min3A_564, %select_n3A_567 : vector<16xf32>
      %gt3A_569 = arith.cmpf ogt, %scan3A_104#10, %min3A_523 : vector<16xf32>
      %broadcast_in_dim3A_570 = vector.broadcast %scan3A : f32 to vector<16xf32>
      %select_n3A_571 = arith.select %gt3A_569, %scan3A_104#10, %broadcast_in_dim3A_570 : vector<16xi1>, vector<16xf32>
      %min3A_572 = arith.minimumf %min3A_568, %select_n3A_571 : vector<16xf32>
      %gt3A_573 = arith.cmpf ogt, %scan3A_104#11, %min3A_523 : vector<16xf32>
      %broadcast_in_dim3A_574 = vector.broadcast %scan3A : f32 to vector<16xf32>
      %select_n3A_575 = arith.select %gt3A_573, %scan3A_104#11, %broadcast_in_dim3A_574 : vector<16xi1>, vector<16xf32>
      %min3A_576 = arith.minimumf %min3A_572, %select_n3A_575 : vector<16xf32>
      %gt3A_577 = arith.cmpf ogt, %scan3A_104#12, %min3A_523 : vector<16xf32>
      %broadcast_in_dim3A_578 = vector.broadcast %scan3A : f32 to vector<16xf32>
      %select_n3A_579 = arith.select %gt3A_577, %scan3A_104#12, %broadcast_in_dim3A_578 : vector<16xi1>, vector<16xf32>
      %min3A_580 = arith.minimumf %min3A_576, %select_n3A_579 : vector<16xf32>
      %gt3A_581 = arith.cmpf ogt, %scan3A_104#13, %min3A_523 : vector<16xf32>
      %broadcast_in_dim3A_582 = vector.broadcast %scan3A : f32 to vector<16xf32>
      %select_n3A_583 = arith.select %gt3A_581, %scan3A_104#13, %broadcast_in_dim3A_582 : vector<16xi1>, vector<16xf32>
      %min3A_584 = arith.minimumf %min3A_580, %select_n3A_583 : vector<16xf32>
      %gt3A_585 = arith.cmpf ogt, %scan3A_104#14, %min3A_523 : vector<16xf32>
      %broadcast_in_dim3A_586 = vector.broadcast %scan3A : f32 to vector<16xf32>
      %select_n3A_587 = arith.select %gt3A_585, %scan3A_104#14, %broadcast_in_dim3A_586 : vector<16xi1>, vector<16xf32>
      %min3A_588 = arith.minimumf %min3A_584, %select_n3A_587 : vector<16xf32>
      %gt3A_589 = arith.cmpf ogt, %scan3A_104#15, %min3A_523 : vector<16xf32>
      %broadcast_in_dim3A_590 = vector.broadcast %scan3A : f32 to vector<16xf32>
      %select_n3A_591 = arith.select %gt3A_589, %scan3A_104#15, %broadcast_in_dim3A_590 : vector<16xi1>, vector<16xf32>
      %min3A_592 = arith.minimumf %min3A_588, %select_n3A_591 : vector<16xf32>
      %broadcast_in_dim3A_593 = vector.shape_cast %and3A_36 : vector<16xi32> to vector<16x1xi32>
      %gather3A_594 = vector.shape_cast %broadcast_in_dim3A_593 : vector<16x1xi32> to vector<16xi32>
      %gather3A_595 = tpu.dynamic_gather %min3A_592[%gather3A_594] in [0] : vector<16xf32>, vector<16xi32> -> vector<16xf32>
      %min3A_596 = arith.minimumf %min3A_592, %gather3A_595 : vector<16xf32>
      %broadcast_in_dim3A_597 = vector.shape_cast %and3A_42 : vector<16xi32> to vector<16x1xi32>
      %gather3A_598 = vector.shape_cast %broadcast_in_dim3A_597 : vector<16x1xi32> to vector<16xi32>
      %gather3A_599 = tpu.dynamic_gather %min3A_596[%gather3A_598] in [0] : vector<16xf32>, vector<16xi32> -> vector<16xf32>
      %min3A_600 = arith.minimumf %min3A_596, %gather3A_599 : vector<16xf32>
      %broadcast_in_dim3A_601 = vector.shape_cast %and3A_48 : vector<16xi32> to vector<16x1xi32>
      %gather3A_602 = vector.shape_cast %broadcast_in_dim3A_601 : vector<16x1xi32> to vector<16xi32>
      %gather3A_603 = tpu.dynamic_gather %min3A_600[%gather3A_602] in [0] : vector<16xf32>, vector<16xi32> -> vector<16xf32>
      %min3A_604 = arith.minimumf %min3A_600, %gather3A_603 : vector<16xf32>
      %broadcast_in_dim3A_605 = vector.shape_cast %and3A_54 : vector<16xi32> to vector<16x1xi32>
      %gather3A_606 = vector.shape_cast %broadcast_in_dim3A_605 : vector<16x1xi32> to vector<16xi32>
      %gather3A_607 = tpu.dynamic_gather %min3A_604[%gather3A_606] in [0] : vector<16xf32>, vector<16xi32> -> vector<16xf32>
      %min3A_608 = arith.minimumf %min3A_604, %gather3A_607 : vector<16xf32>
      %eq3A_609 = arith.constant 4 : i32
      %eq3A_610 = vector.broadcast %eq3A_609 : i32 to vector<16xi32>
      %eq3A_611 = arith.cmpi eq, %iota3A, %eq3A_610 : vector<16xi32>
      %select_n3A_612 = arith.select %eq3A_611, %min3A_608, %select_n3A_527 : vector<16xi1>, vector<16xf32>
      %broadcast_in_dim3A_613 = vector.broadcast %scan3A : f32 to vector<16xf32>
      %gt3A_614 = arith.cmpf ogt, %scan3A_104#0, %min3A_608 : vector<16xf32>
      %broadcast_in_dim3A_615 = vector.broadcast %scan3A : f32 to vector<16xf32>
      %select_n3A_616 = arith.select %gt3A_614, %scan3A_104#0, %broadcast_in_dim3A_615 : vector<16xi1>, vector<16xf32>
      %min3A_617 = arith.minimumf %broadcast_in_dim3A_613, %select_n3A_616 : vector<16xf32>
      %gt3A_618 = arith.cmpf ogt, %scan3A_104#1, %min3A_608 : vector<16xf32>
      %broadcast_in_dim3A_619 = vector.broadcast %scan3A : f32 to vector<16xf32>
      %select_n3A_620 = arith.select %gt3A_618, %scan3A_104#1, %broadcast_in_dim3A_619 : vector<16xi1>, vector<16xf32>
      %min3A_621 = arith.minimumf %min3A_617, %select_n3A_620 : vector<16xf32>
      %gt3A_622 = arith.cmpf ogt, %scan3A_104#2, %min3A_608 : vector<16xf32>
      %broadcast_in_dim3A_623 = vector.broadcast %scan3A : f32 to vector<16xf32>
      %select_n3A_624 = arith.select %gt3A_622, %scan3A_104#2, %broadcast_in_dim3A_623 : vector<16xi1>, vector<16xf32>
      %min3A_625 = arith.minimumf %min3A_621, %select_n3A_624 : vector<16xf32>
      %gt3A_626 = arith.cmpf ogt, %scan3A_104#3, %min3A_608 : vector<16xf32>
      %broadcast_in_dim3A_627 = vector.broadcast %scan3A : f32 to vector<16xf32>
      %select_n3A_628 = arith.select %gt3A_626, %scan3A_104#3, %broadcast_in_dim3A_627 : vector<16xi1>, vector<16xf32>
      %min3A_629 = arith.minimumf %min3A_625, %select_n3A_628 : vector<16xf32>
      %gt3A_630 = arith.cmpf ogt, %scan3A_104#4, %min3A_608 : vector<16xf32>
      %broadcast_in_dim3A_631 = vector.broadcast %scan3A : f32 to vector<16xf32>
      %select_n3A_632 = arith.select %gt3A_630, %scan3A_104#4, %broadcast_in_dim3A_631 : vector<16xi1>, vector<16xf32>
      %min3A_633 = arith.minimumf %min3A_629, %select_n3A_632 : vector<16xf32>
      %gt3A_634 = arith.cmpf ogt, %scan3A_104#5, %min3A_608 : vector<16xf32>
      %broadcast_in_dim3A_635 = vector.broadcast %scan3A : f32 to vector<16xf32>
      %select_n3A_636 = arith.select %gt3A_634, %scan3A_104#5, %broadcast_in_dim3A_635 : vector<16xi1>, vector<16xf32>
      %min3A_637 = arith.minimumf %min3A_633, %select_n3A_636 : vector<16xf32>
      %gt3A_638 = arith.cmpf ogt, %scan3A_104#6, %min3A_608 : vector<16xf32>
      %broadcast_in_dim3A_639 = vector.broadcast %scan3A : f32 to vector<16xf32>
      %select_n3A_640 = arith.select %gt3A_638, %scan3A_104#6, %broadcast_in_dim3A_639 : vector<16xi1>, vector<16xf32>
      %min3A_641 = arith.minimumf %min3A_637, %select_n3A_640 : vector<16xf32>
      %gt3A_642 = arith.cmpf ogt, %scan3A_104#7, %min3A_608 : vector<16xf32>
      %broadcast_in_dim3A_643 = vector.broadcast %scan3A : f32 to vector<16xf32>
      %select_n3A_644 = arith.select %gt3A_642, %scan3A_104#7, %broadcast_in_dim3A_643 : vector<16xi1>, vector<16xf32>
      %min3A_645 = arith.minimumf %min3A_641, %select_n3A_644 : vector<16xf32>
      %gt3A_646 = arith.cmpf ogt, %scan3A_104#8, %min3A_608 : vector<16xf32>
      %broadcast_in_dim3A_647 = vector.broadcast %scan3A : f32 to vector<16xf32>
      %select_n3A_648 = arith.select %gt3A_646, %scan3A_104#8, %broadcast_in_dim3A_647 : vector<16xi1>, vector<16xf32>
      %min3A_649 = arith.minimumf %min3A_645, %select_n3A_648 : vector<16xf32>
      %gt3A_650 = arith.cmpf ogt, %scan3A_104#9, %min3A_608 : vector<16xf32>
      %broadcast_in_dim3A_651 = vector.broadcast %scan3A : f32 to vector<16xf32>
      %select_n3A_652 = arith.select %gt3A_650, %scan3A_104#9, %broadcast_in_dim3A_651 : vector<16xi1>, vector<16xf32>
      %min3A_653 = arith.minimumf %min3A_649, %select_n3A_652 : vector<16xf32>
      %gt3A_654 = arith.cmpf ogt, %scan3A_104#10, %min3A_608 : vector<16xf32>
      %broadcast_in_dim3A_655 = vector.broadcast %scan3A : f32 to vector<16xf32>
      %select_n3A_656 = arith.select %gt3A_654, %scan3A_104#10, %broadcast_in_dim3A_655 : vector<16xi1>, vector<16xf32>
      %min3A_657 = arith.minimumf %min3A_653, %select_n3A_656 : vector<16xf32>
      %gt3A_658 = arith.cmpf ogt, %scan3A_104#11, %min3A_608 : vector<16xf32>
      %broadcast_in_dim3A_659 = vector.broadcast %scan3A : f32 to vector<16xf32>
      %select_n3A_660 = arith.select %gt3A_658, %scan3A_104#11, %broadcast_in_dim3A_659 : vector<16xi1>, vector<16xf32>
      %min3A_661 = arith.minimumf %min3A_657, %select_n3A_660 : vector<16xf32>
      %gt3A_662 = arith.cmpf ogt, %scan3A_104#12, %min3A_608 : vector<16xf32>
      %broadcast_in_dim3A_663 = vector.broadcast %scan3A : f32 to vector<16xf32>
      %select_n3A_664 = arith.select %gt3A_662, %scan3A_104#12, %broadcast_in_dim3A_663 : vector<16xi1>, vector<16xf32>
      %min3A_665 = arith.minimumf %min3A_661, %select_n3A_664 : vector<16xf32>
      %gt3A_666 = arith.cmpf ogt, %scan3A_104#13, %min3A_608 : vector<16xf32>
      %broadcast_in_dim3A_667 = vector.broadcast %scan3A : f32 to vector<16xf32>
      %select_n3A_668 = arith.select %gt3A_666, %scan3A_104#13, %broadcast_in_dim3A_667 : vector<16xi1>, vector<16xf32>
      %min3A_669 = arith.minimumf %min3A_665, %select_n3A_668 : vector<16xf32>
      %gt3A_670 = arith.cmpf ogt, %scan3A_104#14, %min3A_608 : vector<16xf32>
      %broadcast_in_dim3A_671 = vector.broadcast %scan3A : f32 to vector<16xf32>
      %select_n3A_672 = arith.select %gt3A_670, %scan3A_104#14, %broadcast_in_dim3A_671 : vector<16xi1>, vector<16xf32>
      %min3A_673 = arith.minimumf %min3A_669, %select_n3A_672 : vector<16xf32>
      %gt3A_674 = arith.cmpf ogt, %scan3A_104#15, %min3A_608 : vector<16xf32>
      %broadcast_in_dim3A_675 = vector.broadcast %scan3A : f32 to vector<16xf32>
      %select_n3A_676 = arith.select %gt3A_674, %scan3A_104#15, %broadcast_in_dim3A_675 : vector<16xi1>, vector<16xf32>
      %min3A_677 = arith.minimumf %min3A_673, %select_n3A_676 : vector<16xf32>
      %broadcast_in_dim3A_678 = vector.shape_cast %and3A_36 : vector<16xi32> to vector<16x1xi32>
      %gather3A_679 = vector.shape_cast %broadcast_in_dim3A_678 : vector<16x1xi32> to vector<16xi32>
      %gather3A_680 = tpu.dynamic_gather %min3A_677[%gather3A_679] in [0] : vector<16xf32>, vector<16xi32> -> vector<16xf32>
      %min3A_681 = arith.minimumf %min3A_677, %gather3A_680 : vector<16xf32>
      %broadcast_in_dim3A_682 = vector.shape_cast %and3A_42 : vector<16xi32> to vector<16x1xi32>
      %gather3A_683 = vector.shape_cast %broadcast_in_dim3A_682 : vector<16x1xi32> to vector<16xi32>
      %gather3A_684 = tpu.dynamic_gather %min3A_681[%gather3A_683] in [0] : vector<16xf32>, vector<16xi32> -> vector<16xf32>
      %min3A_685 = arith.minimumf %min3A_681, %gather3A_684 : vector<16xf32>
      %broadcast_in_dim3A_686 = vector.shape_cast %and3A_48 : vector<16xi32> to vector<16x1xi32>
      %gather3A_687 = vector.shape_cast %broadcast_in_dim3A_686 : vector<16x1xi32> to vector<16xi32>
      %gather3A_688 = tpu.dynamic_gather %min3A_685[%gather3A_687] in [0] : vector<16xf32>, vector<16xi32> -> vector<16xf32>
      %min3A_689 = arith.minimumf %min3A_685, %gather3A_688 : vector<16xf32>
      %broadcast_in_dim3A_690 = vector.shape_cast %and3A_54 : vector<16xi32> to vector<16x1xi32>
      %gather3A_691 = vector.shape_cast %broadcast_in_dim3A_690 : vector<16x1xi32> to vector<16xi32>
      %gather3A_692 = tpu.dynamic_gather %min3A_689[%gather3A_691] in [0] : vector<16xf32>, vector<16xi32> -> vector<16xf32>
      %min3A_693 = arith.minimumf %min3A_689, %gather3A_692 : vector<16xf32>
      %eq3A_694 = arith.constant 5 : i32
      %eq3A_695 = vector.broadcast %eq3A_694 : i32 to vector<16xi32>
      %eq3A_696 = arith.cmpi eq, %iota3A, %eq3A_695 : vector<16xi32>
      %select_n3A_697 = arith.select %eq3A_696, %min3A_693, %select_n3A_612 : vector<16xi1>, vector<16xf32>
      %broadcast_in_dim3A_698 = vector.broadcast %scan3A : f32 to vector<16xf32>
      %gt3A_699 = arith.cmpf ogt, %scan3A_104#0, %min3A_693 : vector<16xf32>
      %broadcast_in_dim3A_700 = vector.broadcast %scan3A : f32 to vector<16xf32>
      %select_n3A_701 = arith.select %gt3A_699, %scan3A_104#0, %broadcast_in_dim3A_700 : vector<16xi1>, vector<16xf32>
      %min3A_702 = arith.minimumf %broadcast_in_dim3A_698, %select_n3A_701 : vector<16xf32>
      %gt3A_703 = arith.cmpf ogt, %scan3A_104#1, %min3A_693 : vector<16xf32>
      %broadcast_in_dim3A_704 = vector.broadcast %scan3A : f32 to vector<16xf32>
      %select_n3A_705 = arith.select %gt3A_703, %scan3A_104#1, %broadcast_in_dim3A_704 : vector<16xi1>, vector<16xf32>
      %min3A_706 = arith.minimumf %min3A_702, %select_n3A_705 : vector<16xf32>
      %gt3A_707 = arith.cmpf ogt, %scan3A_104#2, %min3A_693 : vector<16xf32>
      %broadcast_in_dim3A_708 = vector.broadcast %scan3A : f32 to vector<16xf32>
      %select_n3A_709 = arith.select %gt3A_707, %scan3A_104#2, %broadcast_in_dim3A_708 : vector<16xi1>, vector<16xf32>
      %min3A_710 = arith.minimumf %min3A_706, %select_n3A_709 : vector<16xf32>
      %gt3A_711 = arith.cmpf ogt, %scan3A_104#3, %min3A_693 : vector<16xf32>
      %broadcast_in_dim3A_712 = vector.broadcast %scan3A : f32 to vector<16xf32>
      %select_n3A_713 = arith.select %gt3A_711, %scan3A_104#3, %broadcast_in_dim3A_712 : vector<16xi1>, vector<16xf32>
      %min3A_714 = arith.minimumf %min3A_710, %select_n3A_713 : vector<16xf32>
      %gt3A_715 = arith.cmpf ogt, %scan3A_104#4, %min3A_693 : vector<16xf32>
      %broadcast_in_dim3A_716 = vector.broadcast %scan3A : f32 to vector<16xf32>
      %select_n3A_717 = arith.select %gt3A_715, %scan3A_104#4, %broadcast_in_dim3A_716 : vector<16xi1>, vector<16xf32>
      %min3A_718 = arith.minimumf %min3A_714, %select_n3A_717 : vector<16xf32>
      %gt3A_719 = arith.cmpf ogt, %scan3A_104#5, %min3A_693 : vector<16xf32>
      %broadcast_in_dim3A_720 = vector.broadcast %scan3A : f32 to vector<16xf32>
      %select_n3A_721 = arith.select %gt3A_719, %scan3A_104#5, %broadcast_in_dim3A_720 : vector<16xi1>, vector<16xf32>
      %min3A_722 = arith.minimumf %min3A_718, %select_n3A_721 : vector<16xf32>
      %gt3A_723 = arith.cmpf ogt, %scan3A_104#6, %min3A_693 : vector<16xf32>
      %broadcast_in_dim3A_724 = vector.broadcast %scan3A : f32 to vector<16xf32>
      %select_n3A_725 = arith.select %gt3A_723, %scan3A_104#6, %broadcast_in_dim3A_724 : vector<16xi1>, vector<16xf32>
      %min3A_726 = arith.minimumf %min3A_722, %select_n3A_725 : vector<16xf32>
      %gt3A_727 = arith.cmpf ogt, %scan3A_104#7, %min3A_693 : vector<16xf32>
      %broadcast_in_dim3A_728 = vector.broadcast %scan3A : f32 to vector<16xf32>
      %select_n3A_729 = arith.select %gt3A_727, %scan3A_104#7, %broadcast_in_dim3A_728 : vector<16xi1>, vector<16xf32>
      %min3A_730 = arith.minimumf %min3A_726, %select_n3A_729 : vector<16xf32>
      %gt3A_731 = arith.cmpf ogt, %scan3A_104#8, %min3A_693 : vector<16xf32>
      %broadcast_in_dim3A_732 = vector.broadcast %scan3A : f32 to vector<16xf32>
      %select_n3A_733 = arith.select %gt3A_731, %scan3A_104#8, %broadcast_in_dim3A_732 : vector<16xi1>, vector<16xf32>
      %min3A_734 = arith.minimumf %min3A_730, %select_n3A_733 : vector<16xf32>
      %gt3A_735 = arith.cmpf ogt, %scan3A_104#9, %min3A_693 : vector<16xf32>
      %broadcast_in_dim3A_736 = vector.broadcast %scan3A : f32 to vector<16xf32>
      %select_n3A_737 = arith.select %gt3A_735, %scan3A_104#9, %broadcast_in_dim3A_736 : vector<16xi1>, vector<16xf32>
      %min3A_738 = arith.minimumf %min3A_734, %select_n3A_737 : vector<16xf32>
      %gt3A_739 = arith.cmpf ogt, %scan3A_104#10, %min3A_693 : vector<16xf32>
      %broadcast_in_dim3A_740 = vector.broadcast %scan3A : f32 to vector<16xf32>
      %select_n3A_741 = arith.select %gt3A_739, %scan3A_104#10, %broadcast_in_dim3A_740 : vector<16xi1>, vector<16xf32>
      %min3A_742 = arith.minimumf %min3A_738, %select_n3A_741 : vector<16xf32>
      %gt3A_743 = arith.cmpf ogt, %scan3A_104#11, %min3A_693 : vector<16xf32>
      %broadcast_in_dim3A_744 = vector.broadcast %scan3A : f32 to vector<16xf32>
      %select_n3A_745 = arith.select %gt3A_743, %scan3A_104#11, %broadcast_in_dim3A_744 : vector<16xi1>, vector<16xf32>
      %min3A_746 = arith.minimumf %min3A_742, %select_n3A_745 : vector<16xf32>
      %gt3A_747 = arith.cmpf ogt, %scan3A_104#12, %min3A_693 : vector<16xf32>
      %broadcast_in_dim3A_748 = vector.broadcast %scan3A : f32 to vector<16xf32>
      %select_n3A_749 = arith.select %gt3A_747, %scan3A_104#12, %broadcast_in_dim3A_748 : vector<16xi1>, vector<16xf32>
      %min3A_750 = arith.minimumf %min3A_746, %select_n3A_749 : vector<16xf32>
      %gt3A_751 = arith.cmpf ogt, %scan3A_104#13, %min3A_693 : vector<16xf32>
      %broadcast_in_dim3A_752 = vector.broadcast %scan3A : f32 to vector<16xf32>
      %select_n3A_753 = arith.select %gt3A_751, %scan3A_104#13, %broadcast_in_dim3A_752 : vector<16xi1>, vector<16xf32>
      %min3A_754 = arith.minimumf %min3A_750, %select_n3A_753 : vector<16xf32>
      %gt3A_755 = arith.cmpf ogt, %scan3A_104#14, %min3A_693 : vector<16xf32>
      %broadcast_in_dim3A_756 = vector.broadcast %scan3A : f32 to vector<16xf32>
      %select_n3A_757 = arith.select %gt3A_755, %scan3A_104#14, %broadcast_in_dim3A_756 : vector<16xi1>, vector<16xf32>
      %min3A_758 = arith.minimumf %min3A_754, %select_n3A_757 : vector<16xf32>
      %gt3A_759 = arith.cmpf ogt, %scan3A_104#15, %min3A_693 : vector<16xf32>
      %broadcast_in_dim3A_760 = vector.broadcast %scan3A : f32 to vector<16xf32>
      %select_n3A_761 = arith.select %gt3A_759, %scan3A_104#15, %broadcast_in_dim3A_760 : vector<16xi1>, vector<16xf32>
      %min3A_762 = arith.minimumf %min3A_758, %select_n3A_761 : vector<16xf32>
      %broadcast_in_dim3A_763 = vector.shape_cast %and3A_36 : vector<16xi32> to vector<16x1xi32>
      %gather3A_764 = vector.shape_cast %broadcast_in_dim3A_763 : vector<16x1xi32> to vector<16xi32>
      %gather3A_765 = tpu.dynamic_gather %min3A_762[%gather3A_764] in [0] : vector<16xf32>, vector<16xi32> -> vector<16xf32>
      %min3A_766 = arith.minimumf %min3A_762, %gather3A_765 : vector<16xf32>
      %broadcast_in_dim3A_767 = vector.shape_cast %and3A_42 : vector<16xi32> to vector<16x1xi32>
      %gather3A_768 = vector.shape_cast %broadcast_in_dim3A_767 : vector<16x1xi32> to vector<16xi32>
      %gather3A_769 = tpu.dynamic_gather %min3A_766[%gather3A_768] in [0] : vector<16xf32>, vector<16xi32> -> vector<16xf32>
      %min3A_770 = arith.minimumf %min3A_766, %gather3A_769 : vector<16xf32>
      %broadcast_in_dim3A_771 = vector.shape_cast %and3A_48 : vector<16xi32> to vector<16x1xi32>
      %gather3A_772 = vector.shape_cast %broadcast_in_dim3A_771 : vector<16x1xi32> to vector<16xi32>
      %gather3A_773 = tpu.dynamic_gather %min3A_770[%gather3A_772] in [0] : vector<16xf32>, vector<16xi32> -> vector<16xf32>
      %min3A_774 = arith.minimumf %min3A_770, %gather3A_773 : vector<16xf32>
      %broadcast_in_dim3A_775 = vector.shape_cast %and3A_54 : vector<16xi32> to vector<16x1xi32>
      %gather3A_776 = vector.shape_cast %broadcast_in_dim3A_775 : vector<16x1xi32> to vector<16xi32>
      %gather3A_777 = tpu.dynamic_gather %min3A_774[%gather3A_776] in [0] : vector<16xf32>, vector<16xi32> -> vector<16xf32>
      %min3A_778 = arith.minimumf %min3A_774, %gather3A_777 : vector<16xf32>
      %eq3A_779 = arith.constant 6 : i32
      %eq3A_780 = vector.broadcast %eq3A_779 : i32 to vector<16xi32>
      %eq3A_781 = arith.cmpi eq, %iota3A, %eq3A_780 : vector<16xi32>
      %select_n3A_782 = arith.select %eq3A_781, %min3A_778, %select_n3A_697 : vector<16xi1>, vector<16xf32>
      %broadcast_in_dim3A_783 = vector.broadcast %scan3A : f32 to vector<16xf32>
      %gt3A_784 = arith.cmpf ogt, %scan3A_104#0, %min3A_778 : vector<16xf32>
      %broadcast_in_dim3A_785 = vector.broadcast %scan3A : f32 to vector<16xf32>
      %select_n3A_786 = arith.select %gt3A_784, %scan3A_104#0, %broadcast_in_dim3A_785 : vector<16xi1>, vector<16xf32>
      %min3A_787 = arith.minimumf %broadcast_in_dim3A_783, %select_n3A_786 : vector<16xf32>
      %gt3A_788 = arith.cmpf ogt, %scan3A_104#1, %min3A_778 : vector<16xf32>
      %broadcast_in_dim3A_789 = vector.broadcast %scan3A : f32 to vector<16xf32>
      %select_n3A_790 = arith.select %gt3A_788, %scan3A_104#1, %broadcast_in_dim3A_789 : vector<16xi1>, vector<16xf32>
      %min3A_791 = arith.minimumf %min3A_787, %select_n3A_790 : vector<16xf32>
      %gt3A_792 = arith.cmpf ogt, %scan3A_104#2, %min3A_778 : vector<16xf32>
      %broadcast_in_dim3A_793 = vector.broadcast %scan3A : f32 to vector<16xf32>
      %select_n3A_794 = arith.select %gt3A_792, %scan3A_104#2, %broadcast_in_dim3A_793 : vector<16xi1>, vector<16xf32>
      %min3A_795 = arith.minimumf %min3A_791, %select_n3A_794 : vector<16xf32>
      %gt3A_796 = arith.cmpf ogt, %scan3A_104#3, %min3A_778 : vector<16xf32>
      %broadcast_in_dim3A_797 = vector.broadcast %scan3A : f32 to vector<16xf32>
      %select_n3A_798 = arith.select %gt3A_796, %scan3A_104#3, %broadcast_in_dim3A_797 : vector<16xi1>, vector<16xf32>
      %min3A_799 = arith.minimumf %min3A_795, %select_n3A_798 : vector<16xf32>
      %gt3A_800 = arith.cmpf ogt, %scan3A_104#4, %min3A_778 : vector<16xf32>
      %broadcast_in_dim3A_801 = vector.broadcast %scan3A : f32 to vector<16xf32>
      %select_n3A_802 = arith.select %gt3A_800, %scan3A_104#4, %broadcast_in_dim3A_801 : vector<16xi1>, vector<16xf32>
      %min3A_803 = arith.minimumf %min3A_799, %select_n3A_802 : vector<16xf32>
      %gt3A_804 = arith.cmpf ogt, %scan3A_104#5, %min3A_778 : vector<16xf32>
      %broadcast_in_dim3A_805 = vector.broadcast %scan3A : f32 to vector<16xf32>
      %select_n3A_806 = arith.select %gt3A_804, %scan3A_104#5, %broadcast_in_dim3A_805 : vector<16xi1>, vector<16xf32>
      %min3A_807 = arith.minimumf %min3A_803, %select_n3A_806 : vector<16xf32>
      %gt3A_808 = arith.cmpf ogt, %scan3A_104#6, %min3A_778 : vector<16xf32>
      %broadcast_in_dim3A_809 = vector.broadcast %scan3A : f32 to vector<16xf32>
      %select_n3A_810 = arith.select %gt3A_808, %scan3A_104#6, %broadcast_in_dim3A_809 : vector<16xi1>, vector<16xf32>
      %min3A_811 = arith.minimumf %min3A_807, %select_n3A_810 : vector<16xf32>
      %gt3A_812 = arith.cmpf ogt, %scan3A_104#7, %min3A_778 : vector<16xf32>
      %broadcast_in_dim3A_813 = vector.broadcast %scan3A : f32 to vector<16xf32>
      %select_n3A_814 = arith.select %gt3A_812, %scan3A_104#7, %broadcast_in_dim3A_813 : vector<16xi1>, vector<16xf32>
      %min3A_815 = arith.minimumf %min3A_811, %select_n3A_814 : vector<16xf32>
      %gt3A_816 = arith.cmpf ogt, %scan3A_104#8, %min3A_778 : vector<16xf32>
      %broadcast_in_dim3A_817 = vector.broadcast %scan3A : f32 to vector<16xf32>
      %select_n3A_818 = arith.select %gt3A_816, %scan3A_104#8, %broadcast_in_dim3A_817 : vector<16xi1>, vector<16xf32>
      %min3A_819 = arith.minimumf %min3A_815, %select_n3A_818 : vector<16xf32>
      %gt3A_820 = arith.cmpf ogt, %scan3A_104#9, %min3A_778 : vector<16xf32>
      %broadcast_in_dim3A_821 = vector.broadcast %scan3A : f32 to vector<16xf32>
      %select_n3A_822 = arith.select %gt3A_820, %scan3A_104#9, %broadcast_in_dim3A_821 : vector<16xi1>, vector<16xf32>
      %min3A_823 = arith.minimumf %min3A_819, %select_n3A_822 : vector<16xf32>
      %gt3A_824 = arith.cmpf ogt, %scan3A_104#10, %min3A_778 : vector<16xf32>
      %broadcast_in_dim3A_825 = vector.broadcast %scan3A : f32 to vector<16xf32>
      %select_n3A_826 = arith.select %gt3A_824, %scan3A_104#10, %broadcast_in_dim3A_825 : vector<16xi1>, vector<16xf32>
      %min3A_827 = arith.minimumf %min3A_823, %select_n3A_826 : vector<16xf32>
      %gt3A_828 = arith.cmpf ogt, %scan3A_104#11, %min3A_778 : vector<16xf32>
      %broadcast_in_dim3A_829 = vector.broadcast %scan3A : f32 to vector<16xf32>
      %select_n3A_830 = arith.select %gt3A_828, %scan3A_104#11, %broadcast_in_dim3A_829 : vector<16xi1>, vector<16xf32>
      %min3A_831 = arith.minimumf %min3A_827, %select_n3A_830 : vector<16xf32>
      %gt3A_832 = arith.cmpf ogt, %scan3A_104#12, %min3A_778 : vector<16xf32>
      %broadcast_in_dim3A_833 = vector.broadcast %scan3A : f32 to vector<16xf32>
      %select_n3A_834 = arith.select %gt3A_832, %scan3A_104#12, %broadcast_in_dim3A_833 : vector<16xi1>, vector<16xf32>
      %min3A_835 = arith.minimumf %min3A_831, %select_n3A_834 : vector<16xf32>
      %gt3A_836 = arith.cmpf ogt, %scan3A_104#13, %min3A_778 : vector<16xf32>
      %broadcast_in_dim3A_837 = vector.broadcast %scan3A : f32 to vector<16xf32>
      %select_n3A_838 = arith.select %gt3A_836, %scan3A_104#13, %broadcast_in_dim3A_837 : vector<16xi1>, vector<16xf32>
      %min3A_839 = arith.minimumf %min3A_835, %select_n3A_838 : vector<16xf32>
      %gt3A_840 = arith.cmpf ogt, %scan3A_104#14, %min3A_778 : vector<16xf32>
      %broadcast_in_dim3A_841 = vector.broadcast %scan3A : f32 to vector<16xf32>
      %select_n3A_842 = arith.select %gt3A_840, %scan3A_104#14, %broadcast_in_dim3A_841 : vector<16xi1>, vector<16xf32>
      %min3A_843 = arith.minimumf %min3A_839, %select_n3A_842 : vector<16xf32>
      %gt3A_844 = arith.cmpf ogt, %scan3A_104#15, %min3A_778 : vector<16xf32>
      %broadcast_in_dim3A_845 = vector.broadcast %scan3A : f32 to vector<16xf32>
      %select_n3A_846 = arith.select %gt3A_844, %scan3A_104#15, %broadcast_in_dim3A_845 : vector<16xi1>, vector<16xf32>
      %min3A_847 = arith.minimumf %min3A_843, %select_n3A_846 : vector<16xf32>
      %broadcast_in_dim3A_848 = vector.shape_cast %and3A_36 : vector<16xi32> to vector<16x1xi32>
      %gather3A_849 = vector.shape_cast %broadcast_in_dim3A_848 : vector<16x1xi32> to vector<16xi32>
      %gather3A_850 = tpu.dynamic_gather %min3A_847[%gather3A_849] in [0] : vector<16xf32>, vector<16xi32> -> vector<16xf32>
      %min3A_851 = arith.minimumf %min3A_847, %gather3A_850 : vector<16xf32>
      %broadcast_in_dim3A_852 = vector.shape_cast %and3A_42 : vector<16xi32> to vector<16x1xi32>
      %gather3A_853 = vector.shape_cast %broadcast_in_dim3A_852 : vector<16x1xi32> to vector<16xi32>
      %gather3A_854 = tpu.dynamic_gather %min3A_851[%gather3A_853] in [0] : vector<16xf32>, vector<16xi32> -> vector<16xf32>
      %min3A_855 = arith.minimumf %min3A_851, %gather3A_854 : vector<16xf32>
      %broadcast_in_dim3A_856 = vector.shape_cast %and3A_48 : vector<16xi32> to vector<16x1xi32>
      %gather3A_857 = vector.shape_cast %broadcast_in_dim3A_856 : vector<16x1xi32> to vector<16xi32>
      %gather3A_858 = tpu.dynamic_gather %min3A_855[%gather3A_857] in [0] : vector<16xf32>, vector<16xi32> -> vector<16xf32>
      %min3A_859 = arith.minimumf %min3A_855, %gather3A_858 : vector<16xf32>
      %broadcast_in_dim3A_860 = vector.shape_cast %and3A_54 : vector<16xi32> to vector<16x1xi32>
      %gather3A_861 = vector.shape_cast %broadcast_in_dim3A_860 : vector<16x1xi32> to vector<16xi32>
      %gather3A_862 = tpu.dynamic_gather %min3A_859[%gather3A_861] in [0] : vector<16xf32>, vector<16xi32> -> vector<16xf32>
      %min3A_863 = arith.minimumf %min3A_859, %gather3A_862 : vector<16xf32>
      %eq3A_864 = arith.constant 7 : i32
      %eq3A_865 = vector.broadcast %eq3A_864 : i32 to vector<16xi32>
      %eq3A_866 = arith.cmpi eq, %iota3A, %eq3A_865 : vector<16xi32>
      %select_n3A_867 = arith.select %eq3A_866, %min3A_863, %select_n3A_782 : vector<16xi1>, vector<16xf32>
      %broadcast_in_dim3A_868 = vector.broadcast %scan3A : f32 to vector<16xf32>
      %gt3A_869 = arith.cmpf ogt, %scan3A_104#0, %min3A_863 : vector<16xf32>
      %broadcast_in_dim3A_870 = vector.broadcast %scan3A : f32 to vector<16xf32>
      %select_n3A_871 = arith.select %gt3A_869, %scan3A_104#0, %broadcast_in_dim3A_870 : vector<16xi1>, vector<16xf32>
      %min3A_872 = arith.minimumf %broadcast_in_dim3A_868, %select_n3A_871 : vector<16xf32>
      %gt3A_873 = arith.cmpf ogt, %scan3A_104#1, %min3A_863 : vector<16xf32>
      %broadcast_in_dim3A_874 = vector.broadcast %scan3A : f32 to vector<16xf32>
      %select_n3A_875 = arith.select %gt3A_873, %scan3A_104#1, %broadcast_in_dim3A_874 : vector<16xi1>, vector<16xf32>
      %min3A_876 = arith.minimumf %min3A_872, %select_n3A_875 : vector<16xf32>
      %gt3A_877 = arith.cmpf ogt, %scan3A_104#2, %min3A_863 : vector<16xf32>
      %broadcast_in_dim3A_878 = vector.broadcast %scan3A : f32 to vector<16xf32>
      %select_n3A_879 = arith.select %gt3A_877, %scan3A_104#2, %broadcast_in_dim3A_878 : vector<16xi1>, vector<16xf32>
      %min3A_880 = arith.minimumf %min3A_876, %select_n3A_879 : vector<16xf32>
      %gt3A_881 = arith.cmpf ogt, %scan3A_104#3, %min3A_863 : vector<16xf32>
      %broadcast_in_dim3A_882 = vector.broadcast %scan3A : f32 to vector<16xf32>
      %select_n3A_883 = arith.select %gt3A_881, %scan3A_104#3, %broadcast_in_dim3A_882 : vector<16xi1>, vector<16xf32>
      %min3A_884 = arith.minimumf %min3A_880, %select_n3A_883 : vector<16xf32>
      %gt3A_885 = arith.cmpf ogt, %scan3A_104#4, %min3A_863 : vector<16xf32>
      %broadcast_in_dim3A_886 = vector.broadcast %scan3A : f32 to vector<16xf32>
      %select_n3A_887 = arith.select %gt3A_885, %scan3A_104#4, %broadcast_in_dim3A_886 : vector<16xi1>, vector<16xf32>
      %min3A_888 = arith.minimumf %min3A_884, %select_n3A_887 : vector<16xf32>
      %gt3A_889 = arith.cmpf ogt, %scan3A_104#5, %min3A_863 : vector<16xf32>
      %broadcast_in_dim3A_890 = vector.broadcast %scan3A : f32 to vector<16xf32>
      %select_n3A_891 = arith.select %gt3A_889, %scan3A_104#5, %broadcast_in_dim3A_890 : vector<16xi1>, vector<16xf32>
      %min3A_892 = arith.minimumf %min3A_888, %select_n3A_891 : vector<16xf32>
      %gt3A_893 = arith.cmpf ogt, %scan3A_104#6, %min3A_863 : vector<16xf32>
      %broadcast_in_dim3A_894 = vector.broadcast %scan3A : f32 to vector<16xf32>
      %select_n3A_895 = arith.select %gt3A_893, %scan3A_104#6, %broadcast_in_dim3A_894 : vector<16xi1>, vector<16xf32>
      %min3A_896 = arith.minimumf %min3A_892, %select_n3A_895 : vector<16xf32>
      %gt3A_897 = arith.cmpf ogt, %scan3A_104#7, %min3A_863 : vector<16xf32>
      %broadcast_in_dim3A_898 = vector.broadcast %scan3A : f32 to vector<16xf32>
      %select_n3A_899 = arith.select %gt3A_897, %scan3A_104#7, %broadcast_in_dim3A_898 : vector<16xi1>, vector<16xf32>
      %min3A_900 = arith.minimumf %min3A_896, %select_n3A_899 : vector<16xf32>
      %gt3A_901 = arith.cmpf ogt, %scan3A_104#8, %min3A_863 : vector<16xf32>
      %broadcast_in_dim3A_902 = vector.broadcast %scan3A : f32 to vector<16xf32>
      %select_n3A_903 = arith.select %gt3A_901, %scan3A_104#8, %broadcast_in_dim3A_902 : vector<16xi1>, vector<16xf32>
      %min3A_904 = arith.minimumf %min3A_900, %select_n3A_903 : vector<16xf32>
      %gt3A_905 = arith.cmpf ogt, %scan3A_104#9, %min3A_863 : vector<16xf32>
      %broadcast_in_dim3A_906 = vector.broadcast %scan3A : f32 to vector<16xf32>
      %select_n3A_907 = arith.select %gt3A_905, %scan3A_104#9, %broadcast_in_dim3A_906 : vector<16xi1>, vector<16xf32>
      %min3A_908 = arith.minimumf %min3A_904, %select_n3A_907 : vector<16xf32>
      %gt3A_909 = arith.cmpf ogt, %scan3A_104#10, %min3A_863 : vector<16xf32>
      %broadcast_in_dim3A_910 = vector.broadcast %scan3A : f32 to vector<16xf32>
      %select_n3A_911 = arith.select %gt3A_909, %scan3A_104#10, %broadcast_in_dim3A_910 : vector<16xi1>, vector<16xf32>
      %min3A_912 = arith.minimumf %min3A_908, %select_n3A_911 : vector<16xf32>
      %gt3A_913 = arith.cmpf ogt, %scan3A_104#11, %min3A_863 : vector<16xf32>
      %broadcast_in_dim3A_914 = vector.broadcast %scan3A : f32 to vector<16xf32>
      %select_n3A_915 = arith.select %gt3A_913, %scan3A_104#11, %broadcast_in_dim3A_914 : vector<16xi1>, vector<16xf32>
      %min3A_916 = arith.minimumf %min3A_912, %select_n3A_915 : vector<16xf32>
      %gt3A_917 = arith.cmpf ogt, %scan3A_104#12, %min3A_863 : vector<16xf32>
      %broadcast_in_dim3A_918 = vector.broadcast %scan3A : f32 to vector<16xf32>
      %select_n3A_919 = arith.select %gt3A_917, %scan3A_104#12, %broadcast_in_dim3A_918 : vector<16xi1>, vector<16xf32>
      %min3A_920 = arith.minimumf %min3A_916, %select_n3A_919 : vector<16xf32>
      %gt3A_921 = arith.cmpf ogt, %scan3A_104#13, %min3A_863 : vector<16xf32>
      %broadcast_in_dim3A_922 = vector.broadcast %scan3A : f32 to vector<16xf32>
      %select_n3A_923 = arith.select %gt3A_921, %scan3A_104#13, %broadcast_in_dim3A_922 : vector<16xi1>, vector<16xf32>
      %min3A_924 = arith.minimumf %min3A_920, %select_n3A_923 : vector<16xf32>
      %gt3A_925 = arith.cmpf ogt, %scan3A_104#14, %min3A_863 : vector<16xf32>
      %broadcast_in_dim3A_926 = vector.broadcast %scan3A : f32 to vector<16xf32>
      %select_n3A_927 = arith.select %gt3A_925, %scan3A_104#14, %broadcast_in_dim3A_926 : vector<16xi1>, vector<16xf32>
      %min3A_928 = arith.minimumf %min3A_924, %select_n3A_927 : vector<16xf32>
      %gt3A_929 = arith.cmpf ogt, %scan3A_104#15, %min3A_863 : vector<16xf32>
      %broadcast_in_dim3A_930 = vector.broadcast %scan3A : f32 to vector<16xf32>
      %select_n3A_931 = arith.select %gt3A_929, %scan3A_104#15, %broadcast_in_dim3A_930 : vector<16xi1>, vector<16xf32>
      %min3A_932 = arith.minimumf %min3A_928, %select_n3A_931 : vector<16xf32>
      %broadcast_in_dim3A_933 = vector.shape_cast %and3A_36 : vector<16xi32> to vector<16x1xi32>
      %gather3A_934 = vector.shape_cast %broadcast_in_dim3A_933 : vector<16x1xi32> to vector<16xi32>
      %gather3A_935 = tpu.dynamic_gather %min3A_932[%gather3A_934] in [0] : vector<16xf32>, vector<16xi32> -> vector<16xf32>
      %min3A_936 = arith.minimumf %min3A_932, %gather3A_935 : vector<16xf32>
      %broadcast_in_dim3A_937 = vector.shape_cast %and3A_42 : vector<16xi32> to vector<16x1xi32>
      %gather3A_938 = vector.shape_cast %broadcast_in_dim3A_937 : vector<16x1xi32> to vector<16xi32>
      %gather3A_939 = tpu.dynamic_gather %min3A_936[%gather3A_938] in [0] : vector<16xf32>, vector<16xi32> -> vector<16xf32>
      %min3A_940 = arith.minimumf %min3A_936, %gather3A_939 : vector<16xf32>
      %broadcast_in_dim3A_941 = vector.shape_cast %and3A_48 : vector<16xi32> to vector<16x1xi32>
      %gather3A_942 = vector.shape_cast %broadcast_in_dim3A_941 : vector<16x1xi32> to vector<16xi32>
      %gather3A_943 = tpu.dynamic_gather %min3A_940[%gather3A_942] in [0] : vector<16xf32>, vector<16xi32> -> vector<16xf32>
      %min3A_944 = arith.minimumf %min3A_940, %gather3A_943 : vector<16xf32>
      %broadcast_in_dim3A_945 = vector.shape_cast %and3A_54 : vector<16xi32> to vector<16x1xi32>
      %gather3A_946 = vector.shape_cast %broadcast_in_dim3A_945 : vector<16x1xi32> to vector<16xi32>
      %gather3A_947 = tpu.dynamic_gather %min3A_944[%gather3A_946] in [0] : vector<16xf32>, vector<16xi32> -> vector<16xf32>
      %min3A_948 = arith.minimumf %min3A_944, %gather3A_947 : vector<16xf32>
      %eq3A_949 = arith.constant 8 : i32
      %eq3A_950 = vector.broadcast %eq3A_949 : i32 to vector<16xi32>
      %eq3A_951 = arith.cmpi eq, %iota3A, %eq3A_950 : vector<16xi32>
      %select_n3A_952 = arith.select %eq3A_951, %min3A_948, %select_n3A_867 : vector<16xi1>, vector<16xf32>
      %broadcast_in_dim3A_953 = vector.broadcast %scan3A : f32 to vector<16xf32>
      %gt3A_954 = arith.cmpf ogt, %scan3A_104#0, %min3A_948 : vector<16xf32>
      %broadcast_in_dim3A_955 = vector.broadcast %scan3A : f32 to vector<16xf32>
      %select_n3A_956 = arith.select %gt3A_954, %scan3A_104#0, %broadcast_in_dim3A_955 : vector<16xi1>, vector<16xf32>
      %min3A_957 = arith.minimumf %broadcast_in_dim3A_953, %select_n3A_956 : vector<16xf32>
      %gt3A_958 = arith.cmpf ogt, %scan3A_104#1, %min3A_948 : vector<16xf32>
      %broadcast_in_dim3A_959 = vector.broadcast %scan3A : f32 to vector<16xf32>
      %select_n3A_960 = arith.select %gt3A_958, %scan3A_104#1, %broadcast_in_dim3A_959 : vector<16xi1>, vector<16xf32>
      %min3A_961 = arith.minimumf %min3A_957, %select_n3A_960 : vector<16xf32>
      %gt3A_962 = arith.cmpf ogt, %scan3A_104#2, %min3A_948 : vector<16xf32>
      %broadcast_in_dim3A_963 = vector.broadcast %scan3A : f32 to vector<16xf32>
      %select_n3A_964 = arith.select %gt3A_962, %scan3A_104#2, %broadcast_in_dim3A_963 : vector<16xi1>, vector<16xf32>
      %min3A_965 = arith.minimumf %min3A_961, %select_n3A_964 : vector<16xf32>
      %gt3A_966 = arith.cmpf ogt, %scan3A_104#3, %min3A_948 : vector<16xf32>
      %broadcast_in_dim3A_967 = vector.broadcast %scan3A : f32 to vector<16xf32>
      %select_n3A_968 = arith.select %gt3A_966, %scan3A_104#3, %broadcast_in_dim3A_967 : vector<16xi1>, vector<16xf32>
      %min3A_969 = arith.minimumf %min3A_965, %select_n3A_968 : vector<16xf32>
      %gt3A_970 = arith.cmpf ogt, %scan3A_104#4, %min3A_948 : vector<16xf32>
      %broadcast_in_dim3A_971 = vector.broadcast %scan3A : f32 to vector<16xf32>
      %select_n3A_972 = arith.select %gt3A_970, %scan3A_104#4, %broadcast_in_dim3A_971 : vector<16xi1>, vector<16xf32>
      %min3A_973 = arith.minimumf %min3A_969, %select_n3A_972 : vector<16xf32>
      %gt3A_974 = arith.cmpf ogt, %scan3A_104#5, %min3A_948 : vector<16xf32>
      %broadcast_in_dim3A_975 = vector.broadcast %scan3A : f32 to vector<16xf32>
      %select_n3A_976 = arith.select %gt3A_974, %scan3A_104#5, %broadcast_in_dim3A_975 : vector<16xi1>, vector<16xf32>
      %min3A_977 = arith.minimumf %min3A_973, %select_n3A_976 : vector<16xf32>
      %gt3A_978 = arith.cmpf ogt, %scan3A_104#6, %min3A_948 : vector<16xf32>
      %broadcast_in_dim3A_979 = vector.broadcast %scan3A : f32 to vector<16xf32>
      %select_n3A_980 = arith.select %gt3A_978, %scan3A_104#6, %broadcast_in_dim3A_979 : vector<16xi1>, vector<16xf32>
      %min3A_981 = arith.minimumf %min3A_977, %select_n3A_980 : vector<16xf32>
      %gt3A_982 = arith.cmpf ogt, %scan3A_104#7, %min3A_948 : vector<16xf32>
      %broadcast_in_dim3A_983 = vector.broadcast %scan3A : f32 to vector<16xf32>
      %select_n3A_984 = arith.select %gt3A_982, %scan3A_104#7, %broadcast_in_dim3A_983 : vector<16xi1>, vector<16xf32>
      %min3A_985 = arith.minimumf %min3A_981, %select_n3A_984 : vector<16xf32>
      %gt3A_986 = arith.cmpf ogt, %scan3A_104#8, %min3A_948 : vector<16xf32>
      %broadcast_in_dim3A_987 = vector.broadcast %scan3A : f32 to vector<16xf32>
      %select_n3A_988 = arith.select %gt3A_986, %scan3A_104#8, %broadcast_in_dim3A_987 : vector<16xi1>, vector<16xf32>
      %min3A_989 = arith.minimumf %min3A_985, %select_n3A_988 : vector<16xf32>
      %gt3A_990 = arith.cmpf ogt, %scan3A_104#9, %min3A_948 : vector<16xf32>
      %broadcast_in_dim3A_991 = vector.broadcast %scan3A : f32 to vector<16xf32>
      %select_n3A_992 = arith.select %gt3A_990, %scan3A_104#9, %broadcast_in_dim3A_991 : vector<16xi1>, vector<16xf32>
      %min3A_993 = arith.minimumf %min3A_989, %select_n3A_992 : vector<16xf32>
      %gt3A_994 = arith.cmpf ogt, %scan3A_104#10, %min3A_948 : vector<16xf32>
      %broadcast_in_dim3A_995 = vector.broadcast %scan3A : f32 to vector<16xf32>
      %select_n3A_996 = arith.select %gt3A_994, %scan3A_104#10, %broadcast_in_dim3A_995 : vector<16xi1>, vector<16xf32>
      %min3A_997 = arith.minimumf %min3A_993, %select_n3A_996 : vector<16xf32>
      %gt3A_998 = arith.cmpf ogt, %scan3A_104#11, %min3A_948 : vector<16xf32>
      %broadcast_in_dim3A_999 = vector.broadcast %scan3A : f32 to vector<16xf32>
      %select_n3A_1000 = arith.select %gt3A_998, %scan3A_104#11, %broadcast_in_dim3A_999 : vector<16xi1>, vector<16xf32>
      %min3A_1001 = arith.minimumf %min3A_997, %select_n3A_1000 : vector<16xf32>
      %gt3A_1002 = arith.cmpf ogt, %scan3A_104#12, %min3A_948 : vector<16xf32>
      %broadcast_in_dim3A_1003 = vector.broadcast %scan3A : f32 to vector<16xf32>
      %select_n3A_1004 = arith.select %gt3A_1002, %scan3A_104#12, %broadcast_in_dim3A_1003 : vector<16xi1>, vector<16xf32>
      %min3A_1005 = arith.minimumf %min3A_1001, %select_n3A_1004 : vector<16xf32>
      %gt3A_1006 = arith.cmpf ogt, %scan3A_104#13, %min3A_948 : vector<16xf32>
      %broadcast_in_dim3A_1007 = vector.broadcast %scan3A : f32 to vector<16xf32>
      %select_n3A_1008 = arith.select %gt3A_1006, %scan3A_104#13, %broadcast_in_dim3A_1007 : vector<16xi1>, vector<16xf32>
      %min3A_1009 = arith.minimumf %min3A_1005, %select_n3A_1008 : vector<16xf32>
      %gt3A_1010 = arith.cmpf ogt, %scan3A_104#14, %min3A_948 : vector<16xf32>
      %broadcast_in_dim3A_1011 = vector.broadcast %scan3A : f32 to vector<16xf32>
      %select_n3A_1012 = arith.select %gt3A_1010, %scan3A_104#14, %broadcast_in_dim3A_1011 : vector<16xi1>, vector<16xf32>
      %min3A_1013 = arith.minimumf %min3A_1009, %select_n3A_1012 : vector<16xf32>
      %gt3A_1014 = arith.cmpf ogt, %scan3A_104#15, %min3A_948 : vector<16xf32>
      %broadcast_in_dim3A_1015 = vector.broadcast %scan3A : f32 to vector<16xf32>
      %select_n3A_1016 = arith.select %gt3A_1014, %scan3A_104#15, %broadcast_in_dim3A_1015 : vector<16xi1>, vector<16xf32>
      %min3A_1017 = arith.minimumf %min3A_1013, %select_n3A_1016 : vector<16xf32>
      %broadcast_in_dim3A_1018 = vector.shape_cast %and3A_36 : vector<16xi32> to vector<16x1xi32>
      %gather3A_1019 = vector.shape_cast %broadcast_in_dim3A_1018 : vector<16x1xi32> to vector<16xi32>
      %gather3A_1020 = tpu.dynamic_gather %min3A_1017[%gather3A_1019] in [0] : vector<16xf32>, vector<16xi32> -> vector<16xf32>
      %min3A_1021 = arith.minimumf %min3A_1017, %gather3A_1020 : vector<16xf32>
      %broadcast_in_dim3A_1022 = vector.shape_cast %and3A_42 : vector<16xi32> to vector<16x1xi32>
      %gather3A_1023 = vector.shape_cast %broadcast_in_dim3A_1022 : vector<16x1xi32> to vector<16xi32>
      %gather3A_1024 = tpu.dynamic_gather %min3A_1021[%gather3A_1023] in [0] : vector<16xf32>, vector<16xi32> -> vector<16xf32>
      %min3A_1025 = arith.minimumf %min3A_1021, %gather3A_1024 : vector<16xf32>
      %broadcast_in_dim3A_1026 = vector.shape_cast %and3A_48 : vector<16xi32> to vector<16x1xi32>
      %gather3A_1027 = vector.shape_cast %broadcast_in_dim3A_1026 : vector<16x1xi32> to vector<16xi32>
      %gather3A_1028 = tpu.dynamic_gather %min3A_1025[%gather3A_1027] in [0] : vector<16xf32>, vector<16xi32> -> vector<16xf32>
      %min3A_1029 = arith.minimumf %min3A_1025, %gather3A_1028 : vector<16xf32>
      %broadcast_in_dim3A_1030 = vector.shape_cast %and3A_54 : vector<16xi32> to vector<16x1xi32>
      %gather3A_1031 = vector.shape_cast %broadcast_in_dim3A_1030 : vector<16x1xi32> to vector<16xi32>
      %gather3A_1032 = tpu.dynamic_gather %min3A_1029[%gather3A_1031] in [0] : vector<16xf32>, vector<16xi32> -> vector<16xf32>
      %min3A_1033 = arith.minimumf %min3A_1029, %gather3A_1032 : vector<16xf32>
      %eq3A_1034 = arith.constant 9 : i32
      %eq3A_1035 = vector.broadcast %eq3A_1034 : i32 to vector<16xi32>
      %eq3A_1036 = arith.cmpi eq, %iota3A, %eq3A_1035 : vector<16xi32>
      %select_n3A_1037 = arith.select %eq3A_1036, %min3A_1033, %select_n3A_952 : vector<16xi1>, vector<16xf32>
      %broadcast_in_dim3A_1038 = vector.broadcast %scan3A : f32 to vector<16xf32>
      %gt3A_1039 = arith.cmpf ogt, %scan3A_104#0, %min3A_1033 : vector<16xf32>
      %broadcast_in_dim3A_1040 = vector.broadcast %scan3A : f32 to vector<16xf32>
      %select_n3A_1041 = arith.select %gt3A_1039, %scan3A_104#0, %broadcast_in_dim3A_1040 : vector<16xi1>, vector<16xf32>
      %min3A_1042 = arith.minimumf %broadcast_in_dim3A_1038, %select_n3A_1041 : vector<16xf32>
      %gt3A_1043 = arith.cmpf ogt, %scan3A_104#1, %min3A_1033 : vector<16xf32>
      %broadcast_in_dim3A_1044 = vector.broadcast %scan3A : f32 to vector<16xf32>
      %select_n3A_1045 = arith.select %gt3A_1043, %scan3A_104#1, %broadcast_in_dim3A_1044 : vector<16xi1>, vector<16xf32>
      %min3A_1046 = arith.minimumf %min3A_1042, %select_n3A_1045 : vector<16xf32>
      %gt3A_1047 = arith.cmpf ogt, %scan3A_104#2, %min3A_1033 : vector<16xf32>
      %broadcast_in_dim3A_1048 = vector.broadcast %scan3A : f32 to vector<16xf32>
      %select_n3A_1049 = arith.select %gt3A_1047, %scan3A_104#2, %broadcast_in_dim3A_1048 : vector<16xi1>, vector<16xf32>
      %min3A_1050 = arith.minimumf %min3A_1046, %select_n3A_1049 : vector<16xf32>
      %gt3A_1051 = arith.cmpf ogt, %scan3A_104#3, %min3A_1033 : vector<16xf32>
      %broadcast_in_dim3A_1052 = vector.broadcast %scan3A : f32 to vector<16xf32>
      %select_n3A_1053 = arith.select %gt3A_1051, %scan3A_104#3, %broadcast_in_dim3A_1052 : vector<16xi1>, vector<16xf32>
      %min3A_1054 = arith.minimumf %min3A_1050, %select_n3A_1053 : vector<16xf32>
      %gt3A_1055 = arith.cmpf ogt, %scan3A_104#4, %min3A_1033 : vector<16xf32>
      %broadcast_in_dim3A_1056 = vector.broadcast %scan3A : f32 to vector<16xf32>
      %select_n3A_1057 = arith.select %gt3A_1055, %scan3A_104#4, %broadcast_in_dim3A_1056 : vector<16xi1>, vector<16xf32>
      %min3A_1058 = arith.minimumf %min3A_1054, %select_n3A_1057 : vector<16xf32>
      %gt3A_1059 = arith.cmpf ogt, %scan3A_104#5, %min3A_1033 : vector<16xf32>
      %broadcast_in_dim3A_1060 = vector.broadcast %scan3A : f32 to vector<16xf32>
      %select_n3A_1061 = arith.select %gt3A_1059, %scan3A_104#5, %broadcast_in_dim3A_1060 : vector<16xi1>, vector<16xf32>
      %min3A_1062 = arith.minimumf %min3A_1058, %select_n3A_1061 : vector<16xf32>
      %gt3A_1063 = arith.cmpf ogt, %scan3A_104#6, %min3A_1033 : vector<16xf32>
      %broadcast_in_dim3A_1064 = vector.broadcast %scan3A : f32 to vector<16xf32>
      %select_n3A_1065 = arith.select %gt3A_1063, %scan3A_104#6, %broadcast_in_dim3A_1064 : vector<16xi1>, vector<16xf32>
      %min3A_1066 = arith.minimumf %min3A_1062, %select_n3A_1065 : vector<16xf32>
      %gt3A_1067 = arith.cmpf ogt, %scan3A_104#7, %min3A_1033 : vector<16xf32>
      %broadcast_in_dim3A_1068 = vector.broadcast %scan3A : f32 to vector<16xf32>
      %select_n3A_1069 = arith.select %gt3A_1067, %scan3A_104#7, %broadcast_in_dim3A_1068 : vector<16xi1>, vector<16xf32>
      %min3A_1070 = arith.minimumf %min3A_1066, %select_n3A_1069 : vector<16xf32>
      %gt3A_1071 = arith.cmpf ogt, %scan3A_104#8, %min3A_1033 : vector<16xf32>
      %broadcast_in_dim3A_1072 = vector.broadcast %scan3A : f32 to vector<16xf32>
      %select_n3A_1073 = arith.select %gt3A_1071, %scan3A_104#8, %broadcast_in_dim3A_1072 : vector<16xi1>, vector<16xf32>
      %min3A_1074 = arith.minimumf %min3A_1070, %select_n3A_1073 : vector<16xf32>
      %gt3A_1075 = arith.cmpf ogt, %scan3A_104#9, %min3A_1033 : vector<16xf32>
      %broadcast_in_dim3A_1076 = vector.broadcast %scan3A : f32 to vector<16xf32>
      %select_n3A_1077 = arith.select %gt3A_1075, %scan3A_104#9, %broadcast_in_dim3A_1076 : vector<16xi1>, vector<16xf32>
      %min3A_1078 = arith.minimumf %min3A_1074, %select_n3A_1077 : vector<16xf32>
      %gt3A_1079 = arith.cmpf ogt, %scan3A_104#10, %min3A_1033 : vector<16xf32>
      %broadcast_in_dim3A_1080 = vector.broadcast %scan3A : f32 to vector<16xf32>
      %select_n3A_1081 = arith.select %gt3A_1079, %scan3A_104#10, %broadcast_in_dim3A_1080 : vector<16xi1>, vector<16xf32>
      %min3A_1082 = arith.minimumf %min3A_1078, %select_n3A_1081 : vector<16xf32>
      %gt3A_1083 = arith.cmpf ogt, %scan3A_104#11, %min3A_1033 : vector<16xf32>
      %broadcast_in_dim3A_1084 = vector.broadcast %scan3A : f32 to vector<16xf32>
      %select_n3A_1085 = arith.select %gt3A_1083, %scan3A_104#11, %broadcast_in_dim3A_1084 : vector<16xi1>, vector<16xf32>
      %min3A_1086 = arith.minimumf %min3A_1082, %select_n3A_1085 : vector<16xf32>
      %gt3A_1087 = arith.cmpf ogt, %scan3A_104#12, %min3A_1033 : vector<16xf32>
      %broadcast_in_dim3A_1088 = vector.broadcast %scan3A : f32 to vector<16xf32>
      %select_n3A_1089 = arith.select %gt3A_1087, %scan3A_104#12, %broadcast_in_dim3A_1088 : vector<16xi1>, vector<16xf32>
      %min3A_1090 = arith.minimumf %min3A_1086, %select_n3A_1089 : vector<16xf32>
      %gt3A_1091 = arith.cmpf ogt, %scan3A_104#13, %min3A_1033 : vector<16xf32>
      %broadcast_in_dim3A_1092 = vector.broadcast %scan3A : f32 to vector<16xf32>
      %select_n3A_1093 = arith.select %gt3A_1091, %scan3A_104#13, %broadcast_in_dim3A_1092 : vector<16xi1>, vector<16xf32>
      %min3A_1094 = arith.minimumf %min3A_1090, %select_n3A_1093 : vector<16xf32>
      %gt3A_1095 = arith.cmpf ogt, %scan3A_104#14, %min3A_1033 : vector<16xf32>
      %broadcast_in_dim3A_1096 = vector.broadcast %scan3A : f32 to vector<16xf32>
      %select_n3A_1097 = arith.select %gt3A_1095, %scan3A_104#14, %broadcast_in_dim3A_1096 : vector<16xi1>, vector<16xf32>
      %min3A_1098 = arith.minimumf %min3A_1094, %select_n3A_1097 : vector<16xf32>
      %gt3A_1099 = arith.cmpf ogt, %scan3A_104#15, %min3A_1033 : vector<16xf32>
      %broadcast_in_dim3A_1100 = vector.broadcast %scan3A : f32 to vector<16xf32>
      %select_n3A_1101 = arith.select %gt3A_1099, %scan3A_104#15, %broadcast_in_dim3A_1100 : vector<16xi1>, vector<16xf32>
      %min3A_1102 = arith.minimumf %min3A_1098, %select_n3A_1101 : vector<16xf32>
      %broadcast_in_dim3A_1103 = vector.shape_cast %and3A_36 : vector<16xi32> to vector<16x1xi32>
      %gather3A_1104 = vector.shape_cast %broadcast_in_dim3A_1103 : vector<16x1xi32> to vector<16xi32>
      %gather3A_1105 = tpu.dynamic_gather %min3A_1102[%gather3A_1104] in [0] : vector<16xf32>, vector<16xi32> -> vector<16xf32>
      %min3A_1106 = arith.minimumf %min3A_1102, %gather3A_1105 : vector<16xf32>
      %broadcast_in_dim3A_1107 = vector.shape_cast %and3A_42 : vector<16xi32> to vector<16x1xi32>
      %gather3A_1108 = vector.shape_cast %broadcast_in_dim3A_1107 : vector<16x1xi32> to vector<16xi32>
      %gather3A_1109 = tpu.dynamic_gather %min3A_1106[%gather3A_1108] in [0] : vector<16xf32>, vector<16xi32> -> vector<16xf32>
      %min3A_1110 = arith.minimumf %min3A_1106, %gather3A_1109 : vector<16xf32>
      %broadcast_in_dim3A_1111 = vector.shape_cast %and3A_48 : vector<16xi32> to vector<16x1xi32>
      %gather3A_1112 = vector.shape_cast %broadcast_in_dim3A_1111 : vector<16x1xi32> to vector<16xi32>
      %gather3A_1113 = tpu.dynamic_gather %min3A_1110[%gather3A_1112] in [0] : vector<16xf32>, vector<16xi32> -> vector<16xf32>
      %min3A_1114 = arith.minimumf %min3A_1110, %gather3A_1113 : vector<16xf32>
      %broadcast_in_dim3A_1115 = vector.shape_cast %and3A_54 : vector<16xi32> to vector<16x1xi32>
      %gather3A_1116 = vector.shape_cast %broadcast_in_dim3A_1115 : vector<16x1xi32> to vector<16xi32>
      %gather3A_1117 = tpu.dynamic_gather %min3A_1114[%gather3A_1116] in [0] : vector<16xf32>, vector<16xi32> -> vector<16xf32>
      %min3A_1118 = arith.minimumf %min3A_1114, %gather3A_1117 : vector<16xf32>
      %eq3A_1119 = arith.constant 10 : i32
      %eq3A_1120 = vector.broadcast %eq3A_1119 : i32 to vector<16xi32>
      %eq3A_1121 = arith.cmpi eq, %iota3A, %eq3A_1120 : vector<16xi32>
      %select_n3A_1122 = arith.select %eq3A_1121, %min3A_1118, %select_n3A_1037 : vector<16xi1>, vector<16xf32>
      %broadcast_in_dim3A_1123 = vector.broadcast %scan3A : f32 to vector<16xf32>
      %gt3A_1124 = arith.cmpf ogt, %scan3A_104#0, %min3A_1118 : vector<16xf32>
      %broadcast_in_dim3A_1125 = vector.broadcast %scan3A : f32 to vector<16xf32>
      %select_n3A_1126 = arith.select %gt3A_1124, %scan3A_104#0, %broadcast_in_dim3A_1125 : vector<16xi1>, vector<16xf32>
      %min3A_1127 = arith.minimumf %broadcast_in_dim3A_1123, %select_n3A_1126 : vector<16xf32>
      %gt3A_1128 = arith.cmpf ogt, %scan3A_104#1, %min3A_1118 : vector<16xf32>
      %broadcast_in_dim3A_1129 = vector.broadcast %scan3A : f32 to vector<16xf32>
      %select_n3A_1130 = arith.select %gt3A_1128, %scan3A_104#1, %broadcast_in_dim3A_1129 : vector<16xi1>, vector<16xf32>
      %min3A_1131 = arith.minimumf %min3A_1127, %select_n3A_1130 : vector<16xf32>
      %gt3A_1132 = arith.cmpf ogt, %scan3A_104#2, %min3A_1118 : vector<16xf32>
      %broadcast_in_dim3A_1133 = vector.broadcast %scan3A : f32 to vector<16xf32>
      %select_n3A_1134 = arith.select %gt3A_1132, %scan3A_104#2, %broadcast_in_dim3A_1133 : vector<16xi1>, vector<16xf32>
      %min3A_1135 = arith.minimumf %min3A_1131, %select_n3A_1134 : vector<16xf32>
      %gt3A_1136 = arith.cmpf ogt, %scan3A_104#3, %min3A_1118 : vector<16xf32>
      %broadcast_in_dim3A_1137 = vector.broadcast %scan3A : f32 to vector<16xf32>
      %select_n3A_1138 = arith.select %gt3A_1136, %scan3A_104#3, %broadcast_in_dim3A_1137 : vector<16xi1>, vector<16xf32>
      %min3A_1139 = arith.minimumf %min3A_1135, %select_n3A_1138 : vector<16xf32>
      %gt3A_1140 = arith.cmpf ogt, %scan3A_104#4, %min3A_1118 : vector<16xf32>
      %broadcast_in_dim3A_1141 = vector.broadcast %scan3A : f32 to vector<16xf32>
      %select_n3A_1142 = arith.select %gt3A_1140, %scan3A_104#4, %broadcast_in_dim3A_1141 : vector<16xi1>, vector<16xf32>
      %min3A_1143 = arith.minimumf %min3A_1139, %select_n3A_1142 : vector<16xf32>
      %gt3A_1144 = arith.cmpf ogt, %scan3A_104#5, %min3A_1118 : vector<16xf32>
      %broadcast_in_dim3A_1145 = vector.broadcast %scan3A : f32 to vector<16xf32>
      %select_n3A_1146 = arith.select %gt3A_1144, %scan3A_104#5, %broadcast_in_dim3A_1145 : vector<16xi1>, vector<16xf32>
      %min3A_1147 = arith.minimumf %min3A_1143, %select_n3A_1146 : vector<16xf32>
      %gt3A_1148 = arith.cmpf ogt, %scan3A_104#6, %min3A_1118 : vector<16xf32>
      %broadcast_in_dim3A_1149 = vector.broadcast %scan3A : f32 to vector<16xf32>
      %select_n3A_1150 = arith.select %gt3A_1148, %scan3A_104#6, %broadcast_in_dim3A_1149 : vector<16xi1>, vector<16xf32>
      %min3A_1151 = arith.minimumf %min3A_1147, %select_n3A_1150 : vector<16xf32>
      %gt3A_1152 = arith.cmpf ogt, %scan3A_104#7, %min3A_1118 : vector<16xf32>
      %broadcast_in_dim3A_1153 = vector.broadcast %scan3A : f32 to vector<16xf32>
      %select_n3A_1154 = arith.select %gt3A_1152, %scan3A_104#7, %broadcast_in_dim3A_1153 : vector<16xi1>, vector<16xf32>
      %min3A_1155 = arith.minimumf %min3A_1151, %select_n3A_1154 : vector<16xf32>
      %gt3A_1156 = arith.cmpf ogt, %scan3A_104#8, %min3A_1118 : vector<16xf32>
      %broadcast_in_dim3A_1157 = vector.broadcast %scan3A : f32 to vector<16xf32>
      %select_n3A_1158 = arith.select %gt3A_1156, %scan3A_104#8, %broadcast_in_dim3A_1157 : vector<16xi1>, vector<16xf32>
      %min3A_1159 = arith.minimumf %min3A_1155, %select_n3A_1158 : vector<16xf32>
      %gt3A_1160 = arith.cmpf ogt, %scan3A_104#9, %min3A_1118 : vector<16xf32>
      %broadcast_in_dim3A_1161 = vector.broadcast %scan3A : f32 to vector<16xf32>
      %select_n3A_1162 = arith.select %gt3A_1160, %scan3A_104#9, %broadcast_in_dim3A_1161 : vector<16xi1>, vector<16xf32>
      %min3A_1163 = arith.minimumf %min3A_1159, %select_n3A_1162 : vector<16xf32>
      %gt3A_1164 = arith.cmpf ogt, %scan3A_104#10, %min3A_1118 : vector<16xf32>
      %broadcast_in_dim3A_1165 = vector.broadcast %scan3A : f32 to vector<16xf32>
      %select_n3A_1166 = arith.select %gt3A_1164, %scan3A_104#10, %broadcast_in_dim3A_1165 : vector<16xi1>, vector<16xf32>
      %min3A_1167 = arith.minimumf %min3A_1163, %select_n3A_1166 : vector<16xf32>
      %gt3A_1168 = arith.cmpf ogt, %scan3A_104#11, %min3A_1118 : vector<16xf32>
      %broadcast_in_dim3A_1169 = vector.broadcast %scan3A : f32 to vector<16xf32>
      %select_n3A_1170 = arith.select %gt3A_1168, %scan3A_104#11, %broadcast_in_dim3A_1169 : vector<16xi1>, vector<16xf32>
      %min3A_1171 = arith.minimumf %min3A_1167, %select_n3A_1170 : vector<16xf32>
      %gt3A_1172 = arith.cmpf ogt, %scan3A_104#12, %min3A_1118 : vector<16xf32>
      %broadcast_in_dim3A_1173 = vector.broadcast %scan3A : f32 to vector<16xf32>
      %select_n3A_1174 = arith.select %gt3A_1172, %scan3A_104#12, %broadcast_in_dim3A_1173 : vector<16xi1>, vector<16xf32>
      %min3A_1175 = arith.minimumf %min3A_1171, %select_n3A_1174 : vector<16xf32>
      %gt3A_1176 = arith.cmpf ogt, %scan3A_104#13, %min3A_1118 : vector<16xf32>
      %broadcast_in_dim3A_1177 = vector.broadcast %scan3A : f32 to vector<16xf32>
      %select_n3A_1178 = arith.select %gt3A_1176, %scan3A_104#13, %broadcast_in_dim3A_1177 : vector<16xi1>, vector<16xf32>
      %min3A_1179 = arith.minimumf %min3A_1175, %select_n3A_1178 : vector<16xf32>
      %gt3A_1180 = arith.cmpf ogt, %scan3A_104#14, %min3A_1118 : vector<16xf32>
      %broadcast_in_dim3A_1181 = vector.broadcast %scan3A : f32 to vector<16xf32>
      %select_n3A_1182 = arith.select %gt3A_1180, %scan3A_104#14, %broadcast_in_dim3A_1181 : vector<16xi1>, vector<16xf32>
      %min3A_1183 = arith.minimumf %min3A_1179, %select_n3A_1182 : vector<16xf32>
      %gt3A_1184 = arith.cmpf ogt, %scan3A_104#15, %min3A_1118 : vector<16xf32>
      %broadcast_in_dim3A_1185 = vector.broadcast %scan3A : f32 to vector<16xf32>
      %select_n3A_1186 = arith.select %gt3A_1184, %scan3A_104#15, %broadcast_in_dim3A_1185 : vector<16xi1>, vector<16xf32>
      %min3A_1187 = arith.minimumf %min3A_1183, %select_n3A_1186 : vector<16xf32>
      %broadcast_in_dim3A_1188 = vector.shape_cast %and3A_36 : vector<16xi32> to vector<16x1xi32>
      %gather3A_1189 = vector.shape_cast %broadcast_in_dim3A_1188 : vector<16x1xi32> to vector<16xi32>
      %gather3A_1190 = tpu.dynamic_gather %min3A_1187[%gather3A_1189] in [0] : vector<16xf32>, vector<16xi32> -> vector<16xf32>
      %min3A_1191 = arith.minimumf %min3A_1187, %gather3A_1190 : vector<16xf32>
      %broadcast_in_dim3A_1192 = vector.shape_cast %and3A_42 : vector<16xi32> to vector<16x1xi32>
      %gather3A_1193 = vector.shape_cast %broadcast_in_dim3A_1192 : vector<16x1xi32> to vector<16xi32>
      %gather3A_1194 = tpu.dynamic_gather %min3A_1191[%gather3A_1193] in [0] : vector<16xf32>, vector<16xi32> -> vector<16xf32>
      %min3A_1195 = arith.minimumf %min3A_1191, %gather3A_1194 : vector<16xf32>
      %broadcast_in_dim3A_1196 = vector.shape_cast %and3A_48 : vector<16xi32> to vector<16x1xi32>
      %gather3A_1197 = vector.shape_cast %broadcast_in_dim3A_1196 : vector<16x1xi32> to vector<16xi32>
      %gather3A_1198 = tpu.dynamic_gather %min3A_1195[%gather3A_1197] in [0] : vector<16xf32>, vector<16xi32> -> vector<16xf32>
      %min3A_1199 = arith.minimumf %min3A_1195, %gather3A_1198 : vector<16xf32>
      %broadcast_in_dim3A_1200 = vector.shape_cast %and3A_54 : vector<16xi32> to vector<16x1xi32>
      %gather3A_1201 = vector.shape_cast %broadcast_in_dim3A_1200 : vector<16x1xi32> to vector<16xi32>
      %gather3A_1202 = tpu.dynamic_gather %min3A_1199[%gather3A_1201] in [0] : vector<16xf32>, vector<16xi32> -> vector<16xf32>
      %min3A_1203 = arith.minimumf %min3A_1199, %gather3A_1202 : vector<16xf32>
      %eq3A_1204 = arith.constant 11 : i32
      %eq3A_1205 = vector.broadcast %eq3A_1204 : i32 to vector<16xi32>
      %eq3A_1206 = arith.cmpi eq, %iota3A, %eq3A_1205 : vector<16xi32>
      %select_n3A_1207 = arith.select %eq3A_1206, %min3A_1203, %select_n3A_1122 : vector<16xi1>, vector<16xf32>
      %broadcast_in_dim3A_1208 = vector.broadcast %scan3A : f32 to vector<16xf32>
      %gt3A_1209 = arith.cmpf ogt, %scan3A_104#0, %min3A_1203 : vector<16xf32>
      %broadcast_in_dim3A_1210 = vector.broadcast %scan3A : f32 to vector<16xf32>
      %select_n3A_1211 = arith.select %gt3A_1209, %scan3A_104#0, %broadcast_in_dim3A_1210 : vector<16xi1>, vector<16xf32>
      %min3A_1212 = arith.minimumf %broadcast_in_dim3A_1208, %select_n3A_1211 : vector<16xf32>
      %gt3A_1213 = arith.cmpf ogt, %scan3A_104#1, %min3A_1203 : vector<16xf32>
      %broadcast_in_dim3A_1214 = vector.broadcast %scan3A : f32 to vector<16xf32>
      %select_n3A_1215 = arith.select %gt3A_1213, %scan3A_104#1, %broadcast_in_dim3A_1214 : vector<16xi1>, vector<16xf32>
      %min3A_1216 = arith.minimumf %min3A_1212, %select_n3A_1215 : vector<16xf32>
      %gt3A_1217 = arith.cmpf ogt, %scan3A_104#2, %min3A_1203 : vector<16xf32>
      %broadcast_in_dim3A_1218 = vector.broadcast %scan3A : f32 to vector<16xf32>
      %select_n3A_1219 = arith.select %gt3A_1217, %scan3A_104#2, %broadcast_in_dim3A_1218 : vector<16xi1>, vector<16xf32>
      %min3A_1220 = arith.minimumf %min3A_1216, %select_n3A_1219 : vector<16xf32>
      %gt3A_1221 = arith.cmpf ogt, %scan3A_104#3, %min3A_1203 : vector<16xf32>
      %broadcast_in_dim3A_1222 = vector.broadcast %scan3A : f32 to vector<16xf32>
      %select_n3A_1223 = arith.select %gt3A_1221, %scan3A_104#3, %broadcast_in_dim3A_1222 : vector<16xi1>, vector<16xf32>
      %min3A_1224 = arith.minimumf %min3A_1220, %select_n3A_1223 : vector<16xf32>
      %gt3A_1225 = arith.cmpf ogt, %scan3A_104#4, %min3A_1203 : vector<16xf32>
      %broadcast_in_dim3A_1226 = vector.broadcast %scan3A : f32 to vector<16xf32>
      %select_n3A_1227 = arith.select %gt3A_1225, %scan3A_104#4, %broadcast_in_dim3A_1226 : vector<16xi1>, vector<16xf32>
      %min3A_1228 = arith.minimumf %min3A_1224, %select_n3A_1227 : vector<16xf32>
      %gt3A_1229 = arith.cmpf ogt, %scan3A_104#5, %min3A_1203 : vector<16xf32>
      %broadcast_in_dim3A_1230 = vector.broadcast %scan3A : f32 to vector<16xf32>
      %select_n3A_1231 = arith.select %gt3A_1229, %scan3A_104#5, %broadcast_in_dim3A_1230 : vector<16xi1>, vector<16xf32>
      %min3A_1232 = arith.minimumf %min3A_1228, %select_n3A_1231 : vector<16xf32>
      %gt3A_1233 = arith.cmpf ogt, %scan3A_104#6, %min3A_1203 : vector<16xf32>
      %broadcast_in_dim3A_1234 = vector.broadcast %scan3A : f32 to vector<16xf32>
      %select_n3A_1235 = arith.select %gt3A_1233, %scan3A_104#6, %broadcast_in_dim3A_1234 : vector<16xi1>, vector<16xf32>
      %min3A_1236 = arith.minimumf %min3A_1232, %select_n3A_1235 : vector<16xf32>
      %gt3A_1237 = arith.cmpf ogt, %scan3A_104#7, %min3A_1203 : vector<16xf32>
      %broadcast_in_dim3A_1238 = vector.broadcast %scan3A : f32 to vector<16xf32>
      %select_n3A_1239 = arith.select %gt3A_1237, %scan3A_104#7, %broadcast_in_dim3A_1238 : vector<16xi1>, vector<16xf32>
      %min3A_1240 = arith.minimumf %min3A_1236, %select_n3A_1239 : vector<16xf32>
      %gt3A_1241 = arith.cmpf ogt, %scan3A_104#8, %min3A_1203 : vector<16xf32>
      %broadcast_in_dim3A_1242 = vector.broadcast %scan3A : f32 to vector<16xf32>
      %select_n3A_1243 = arith.select %gt3A_1241, %scan3A_104#8, %broadcast_in_dim3A_1242 : vector<16xi1>, vector<16xf32>
      %min3A_1244 = arith.minimumf %min3A_1240, %select_n3A_1243 : vector<16xf32>
      %gt3A_1245 = arith.cmpf ogt, %scan3A_104#9, %min3A_1203 : vector<16xf32>
      %broadcast_in_dim3A_1246 = vector.broadcast %scan3A : f32 to vector<16xf32>
      %select_n3A_1247 = arith.select %gt3A_1245, %scan3A_104#9, %broadcast_in_dim3A_1246 : vector<16xi1>, vector<16xf32>
      %min3A_1248 = arith.minimumf %min3A_1244, %select_n3A_1247 : vector<16xf32>
      %gt3A_1249 = arith.cmpf ogt, %scan3A_104#10, %min3A_1203 : vector<16xf32>
      %broadcast_in_dim3A_1250 = vector.broadcast %scan3A : f32 to vector<16xf32>
      %select_n3A_1251 = arith.select %gt3A_1249, %scan3A_104#10, %broadcast_in_dim3A_1250 : vector<16xi1>, vector<16xf32>
      %min3A_1252 = arith.minimumf %min3A_1248, %select_n3A_1251 : vector<16xf32>
      %gt3A_1253 = arith.cmpf ogt, %scan3A_104#11, %min3A_1203 : vector<16xf32>
      %broadcast_in_dim3A_1254 = vector.broadcast %scan3A : f32 to vector<16xf32>
      %select_n3A_1255 = arith.select %gt3A_1253, %scan3A_104#11, %broadcast_in_dim3A_1254 : vector<16xi1>, vector<16xf32>
      %min3A_1256 = arith.minimumf %min3A_1252, %select_n3A_1255 : vector<16xf32>
      %gt3A_1257 = arith.cmpf ogt, %scan3A_104#12, %min3A_1203 : vector<16xf32>
      %broadcast_in_dim3A_1258 = vector.broadcast %scan3A : f32 to vector<16xf32>
      %select_n3A_1259 = arith.select %gt3A_1257, %scan3A_104#12, %broadcast_in_dim3A_1258 : vector<16xi1>, vector<16xf32>
      %min3A_1260 = arith.minimumf %min3A_1256, %select_n3A_1259 : vector<16xf32>
      %gt3A_1261 = arith.cmpf ogt, %scan3A_104#13, %min3A_1203 : vector<16xf32>
      %broadcast_in_dim3A_1262 = vector.broadcast %scan3A : f32 to vector<16xf32>
      %select_n3A_1263 = arith.select %gt3A_1261, %scan3A_104#13, %broadcast_in_dim3A_1262 : vector<16xi1>, vector<16xf32>
      %min3A_1264 = arith.minimumf %min3A_1260, %select_n3A_1263 : vector<16xf32>
      %gt3A_1265 = arith.cmpf ogt, %scan3A_104#14, %min3A_1203 : vector<16xf32>
      %broadcast_in_dim3A_1266 = vector.broadcast %scan3A : f32 to vector<16xf32>
      %select_n3A_1267 = arith.select %gt3A_1265, %scan3A_104#14, %broadcast_in_dim3A_1266 : vector<16xi1>, vector<16xf32>
      %min3A_1268 = arith.minimumf %min3A_1264, %select_n3A_1267 : vector<16xf32>
      %gt3A_1269 = arith.cmpf ogt, %scan3A_104#15, %min3A_1203 : vector<16xf32>
      %broadcast_in_dim3A_1270 = vector.broadcast %scan3A : f32 to vector<16xf32>
      %select_n3A_1271 = arith.select %gt3A_1269, %scan3A_104#15, %broadcast_in_dim3A_1270 : vector<16xi1>, vector<16xf32>
      %min3A_1272 = arith.minimumf %min3A_1268, %select_n3A_1271 : vector<16xf32>
      %broadcast_in_dim3A_1273 = vector.shape_cast %and3A_36 : vector<16xi32> to vector<16x1xi32>
      %gather3A_1274 = vector.shape_cast %broadcast_in_dim3A_1273 : vector<16x1xi32> to vector<16xi32>
      %gather3A_1275 = tpu.dynamic_gather %min3A_1272[%gather3A_1274] in [0] : vector<16xf32>, vector<16xi32> -> vector<16xf32>
      %min3A_1276 = arith.minimumf %min3A_1272, %gather3A_1275 : vector<16xf32>
      %broadcast_in_dim3A_1277 = vector.shape_cast %and3A_42 : vector<16xi32> to vector<16x1xi32>
      %gather3A_1278 = vector.shape_cast %broadcast_in_dim3A_1277 : vector<16x1xi32> to vector<16xi32>
      %gather3A_1279 = tpu.dynamic_gather %min3A_1276[%gather3A_1278] in [0] : vector<16xf32>, vector<16xi32> -> vector<16xf32>
      %min3A_1280 = arith.minimumf %min3A_1276, %gather3A_1279 : vector<16xf32>
      %broadcast_in_dim3A_1281 = vector.shape_cast %and3A_48 : vector<16xi32> to vector<16x1xi32>
      %gather3A_1282 = vector.shape_cast %broadcast_in_dim3A_1281 : vector<16x1xi32> to vector<16xi32>
      %gather3A_1283 = tpu.dynamic_gather %min3A_1280[%gather3A_1282] in [0] : vector<16xf32>, vector<16xi32> -> vector<16xf32>
      %min3A_1284 = arith.minimumf %min3A_1280, %gather3A_1283 : vector<16xf32>
      %broadcast_in_dim3A_1285 = vector.shape_cast %and3A_54 : vector<16xi32> to vector<16x1xi32>
      %gather3A_1286 = vector.shape_cast %broadcast_in_dim3A_1285 : vector<16x1xi32> to vector<16xi32>
      %gather3A_1287 = tpu.dynamic_gather %min3A_1284[%gather3A_1286] in [0] : vector<16xf32>, vector<16xi32> -> vector<16xf32>
      %min3A_1288 = arith.minimumf %min3A_1284, %gather3A_1287 : vector<16xf32>
      %eq3A_1289 = arith.constant 12 : i32
      %eq3A_1290 = vector.broadcast %eq3A_1289 : i32 to vector<16xi32>
      %eq3A_1291 = arith.cmpi eq, %iota3A, %eq3A_1290 : vector<16xi32>
      %select_n3A_1292 = arith.select %eq3A_1291, %min3A_1288, %select_n3A_1207 : vector<16xi1>, vector<16xf32>
      %broadcast_in_dim3A_1293 = vector.broadcast %scan3A : f32 to vector<16xf32>
      %gt3A_1294 = arith.cmpf ogt, %scan3A_104#0, %min3A_1288 : vector<16xf32>
      %broadcast_in_dim3A_1295 = vector.broadcast %scan3A : f32 to vector<16xf32>
      %select_n3A_1296 = arith.select %gt3A_1294, %scan3A_104#0, %broadcast_in_dim3A_1295 : vector<16xi1>, vector<16xf32>
      %min3A_1297 = arith.minimumf %broadcast_in_dim3A_1293, %select_n3A_1296 : vector<16xf32>
      %gt3A_1298 = arith.cmpf ogt, %scan3A_104#1, %min3A_1288 : vector<16xf32>
      %broadcast_in_dim3A_1299 = vector.broadcast %scan3A : f32 to vector<16xf32>
      %select_n3A_1300 = arith.select %gt3A_1298, %scan3A_104#1, %broadcast_in_dim3A_1299 : vector<16xi1>, vector<16xf32>
      %min3A_1301 = arith.minimumf %min3A_1297, %select_n3A_1300 : vector<16xf32>
      %gt3A_1302 = arith.cmpf ogt, %scan3A_104#2, %min3A_1288 : vector<16xf32>
      %broadcast_in_dim3A_1303 = vector.broadcast %scan3A : f32 to vector<16xf32>
      %select_n3A_1304 = arith.select %gt3A_1302, %scan3A_104#2, %broadcast_in_dim3A_1303 : vector<16xi1>, vector<16xf32>
      %min3A_1305 = arith.minimumf %min3A_1301, %select_n3A_1304 : vector<16xf32>
      %gt3A_1306 = arith.cmpf ogt, %scan3A_104#3, %min3A_1288 : vector<16xf32>
      %broadcast_in_dim3A_1307 = vector.broadcast %scan3A : f32 to vector<16xf32>
      %select_n3A_1308 = arith.select %gt3A_1306, %scan3A_104#3, %broadcast_in_dim3A_1307 : vector<16xi1>, vector<16xf32>
      %min3A_1309 = arith.minimumf %min3A_1305, %select_n3A_1308 : vector<16xf32>
      %gt3A_1310 = arith.cmpf ogt, %scan3A_104#4, %min3A_1288 : vector<16xf32>
      %broadcast_in_dim3A_1311 = vector.broadcast %scan3A : f32 to vector<16xf32>
      %select_n3A_1312 = arith.select %gt3A_1310, %scan3A_104#4, %broadcast_in_dim3A_1311 : vector<16xi1>, vector<16xf32>
      %min3A_1313 = arith.minimumf %min3A_1309, %select_n3A_1312 : vector<16xf32>
      %gt3A_1314 = arith.cmpf ogt, %scan3A_104#5, %min3A_1288 : vector<16xf32>
      %broadcast_in_dim3A_1315 = vector.broadcast %scan3A : f32 to vector<16xf32>
      %select_n3A_1316 = arith.select %gt3A_1314, %scan3A_104#5, %broadcast_in_dim3A_1315 : vector<16xi1>, vector<16xf32>
      %min3A_1317 = arith.minimumf %min3A_1313, %select_n3A_1316 : vector<16xf32>
      %gt3A_1318 = arith.cmpf ogt, %scan3A_104#6, %min3A_1288 : vector<16xf32>
      %broadcast_in_dim3A_1319 = vector.broadcast %scan3A : f32 to vector<16xf32>
      %select_n3A_1320 = arith.select %gt3A_1318, %scan3A_104#6, %broadcast_in_dim3A_1319 : vector<16xi1>, vector<16xf32>
      %min3A_1321 = arith.minimumf %min3A_1317, %select_n3A_1320 : vector<16xf32>
      %gt3A_1322 = arith.cmpf ogt, %scan3A_104#7, %min3A_1288 : vector<16xf32>
      %broadcast_in_dim3A_1323 = vector.broadcast %scan3A : f32 to vector<16xf32>
      %select_n3A_1324 = arith.select %gt3A_1322, %scan3A_104#7, %broadcast_in_dim3A_1323 : vector<16xi1>, vector<16xf32>
      %min3A_1325 = arith.minimumf %min3A_1321, %select_n3A_1324 : vector<16xf32>
      %gt3A_1326 = arith.cmpf ogt, %scan3A_104#8, %min3A_1288 : vector<16xf32>
      %broadcast_in_dim3A_1327 = vector.broadcast %scan3A : f32 to vector<16xf32>
      %select_n3A_1328 = arith.select %gt3A_1326, %scan3A_104#8, %broadcast_in_dim3A_1327 : vector<16xi1>, vector<16xf32>
      %min3A_1329 = arith.minimumf %min3A_1325, %select_n3A_1328 : vector<16xf32>
      %gt3A_1330 = arith.cmpf ogt, %scan3A_104#9, %min3A_1288 : vector<16xf32>
      %broadcast_in_dim3A_1331 = vector.broadcast %scan3A : f32 to vector<16xf32>
      %select_n3A_1332 = arith.select %gt3A_1330, %scan3A_104#9, %broadcast_in_dim3A_1331 : vector<16xi1>, vector<16xf32>
      %min3A_1333 = arith.minimumf %min3A_1329, %select_n3A_1332 : vector<16xf32>
      %gt3A_1334 = arith.cmpf ogt, %scan3A_104#10, %min3A_1288 : vector<16xf32>
      %broadcast_in_dim3A_1335 = vector.broadcast %scan3A : f32 to vector<16xf32>
      %select_n3A_1336 = arith.select %gt3A_1334, %scan3A_104#10, %broadcast_in_dim3A_1335 : vector<16xi1>, vector<16xf32>
      %min3A_1337 = arith.minimumf %min3A_1333, %select_n3A_1336 : vector<16xf32>
      %gt3A_1338 = arith.cmpf ogt, %scan3A_104#11, %min3A_1288 : vector<16xf32>
      %broadcast_in_dim3A_1339 = vector.broadcast %scan3A : f32 to vector<16xf32>
      %select_n3A_1340 = arith.select %gt3A_1338, %scan3A_104#11, %broadcast_in_dim3A_1339 : vector<16xi1>, vector<16xf32>
      %min3A_1341 = arith.minimumf %min3A_1337, %select_n3A_1340 : vector<16xf32>
      %gt3A_1342 = arith.cmpf ogt, %scan3A_104#12, %min3A_1288 : vector<16xf32>
      %broadcast_in_dim3A_1343 = vector.broadcast %scan3A : f32 to vector<16xf32>
      %select_n3A_1344 = arith.select %gt3A_1342, %scan3A_104#12, %broadcast_in_dim3A_1343 : vector<16xi1>, vector<16xf32>
      %min3A_1345 = arith.minimumf %min3A_1341, %select_n3A_1344 : vector<16xf32>
      %gt3A_1346 = arith.cmpf ogt, %scan3A_104#13, %min3A_1288 : vector<16xf32>
      %broadcast_in_dim3A_1347 = vector.broadcast %scan3A : f32 to vector<16xf32>
      %select_n3A_1348 = arith.select %gt3A_1346, %scan3A_104#13, %broadcast_in_dim3A_1347 : vector<16xi1>, vector<16xf32>
      %min3A_1349 = arith.minimumf %min3A_1345, %select_n3A_1348 : vector<16xf32>
      %gt3A_1350 = arith.cmpf ogt, %scan3A_104#14, %min3A_1288 : vector<16xf32>
      %broadcast_in_dim3A_1351 = vector.broadcast %scan3A : f32 to vector<16xf32>
      %select_n3A_1352 = arith.select %gt3A_1350, %scan3A_104#14, %broadcast_in_dim3A_1351 : vector<16xi1>, vector<16xf32>
      %min3A_1353 = arith.minimumf %min3A_1349, %select_n3A_1352 : vector<16xf32>
      %gt3A_1354 = arith.cmpf ogt, %scan3A_104#15, %min3A_1288 : vector<16xf32>
      %broadcast_in_dim3A_1355 = vector.broadcast %scan3A : f32 to vector<16xf32>
      %select_n3A_1356 = arith.select %gt3A_1354, %scan3A_104#15, %broadcast_in_dim3A_1355 : vector<16xi1>, vector<16xf32>
      %min3A_1357 = arith.minimumf %min3A_1353, %select_n3A_1356 : vector<16xf32>
      %broadcast_in_dim3A_1358 = vector.shape_cast %and3A_36 : vector<16xi32> to vector<16x1xi32>
      %gather3A_1359 = vector.shape_cast %broadcast_in_dim3A_1358 : vector<16x1xi32> to vector<16xi32>
      %gather3A_1360 = tpu.dynamic_gather %min3A_1357[%gather3A_1359] in [0] : vector<16xf32>, vector<16xi32> -> vector<16xf32>
      %min3A_1361 = arith.minimumf %min3A_1357, %gather3A_1360 : vector<16xf32>
      %broadcast_in_dim3A_1362 = vector.shape_cast %and3A_42 : vector<16xi32> to vector<16x1xi32>
      %gather3A_1363 = vector.shape_cast %broadcast_in_dim3A_1362 : vector<16x1xi32> to vector<16xi32>
      %gather3A_1364 = tpu.dynamic_gather %min3A_1361[%gather3A_1363] in [0] : vector<16xf32>, vector<16xi32> -> vector<16xf32>
      %min3A_1365 = arith.minimumf %min3A_1361, %gather3A_1364 : vector<16xf32>
      %broadcast_in_dim3A_1366 = vector.shape_cast %and3A_48 : vector<16xi32> to vector<16x1xi32>
      %gather3A_1367 = vector.shape_cast %broadcast_in_dim3A_1366 : vector<16x1xi32> to vector<16xi32>
      %gather3A_1368 = tpu.dynamic_gather %min3A_1365[%gather3A_1367] in [0] : vector<16xf32>, vector<16xi32> -> vector<16xf32>
      %min3A_1369 = arith.minimumf %min3A_1365, %gather3A_1368 : vector<16xf32>
      %broadcast_in_dim3A_1370 = vector.shape_cast %and3A_54 : vector<16xi32> to vector<16x1xi32>
      %gather3A_1371 = vector.shape_cast %broadcast_in_dim3A_1370 : vector<16x1xi32> to vector<16xi32>
      %gather3A_1372 = tpu.dynamic_gather %min3A_1369[%gather3A_1371] in [0] : vector<16xf32>, vector<16xi32> -> vector<16xf32>
      %min3A_1373 = arith.minimumf %min3A_1369, %gather3A_1372 : vector<16xf32>
      %eq3A_1374 = arith.constant 13 : i32
      %eq3A_1375 = vector.broadcast %eq3A_1374 : i32 to vector<16xi32>
      %eq3A_1376 = arith.cmpi eq, %iota3A, %eq3A_1375 : vector<16xi32>
      %select_n3A_1377 = arith.select %eq3A_1376, %min3A_1373, %select_n3A_1292 : vector<16xi1>, vector<16xf32>
      %broadcast_in_dim3A_1378 = vector.broadcast %scan3A : f32 to vector<16xf32>
      %gt3A_1379 = arith.cmpf ogt, %scan3A_104#0, %min3A_1373 : vector<16xf32>
      %broadcast_in_dim3A_1380 = vector.broadcast %scan3A : f32 to vector<16xf32>
      %select_n3A_1381 = arith.select %gt3A_1379, %scan3A_104#0, %broadcast_in_dim3A_1380 : vector<16xi1>, vector<16xf32>
      %min3A_1382 = arith.minimumf %broadcast_in_dim3A_1378, %select_n3A_1381 : vector<16xf32>
      %gt3A_1383 = arith.cmpf ogt, %scan3A_104#1, %min3A_1373 : vector<16xf32>
      %broadcast_in_dim3A_1384 = vector.broadcast %scan3A : f32 to vector<16xf32>
      %select_n3A_1385 = arith.select %gt3A_1383, %scan3A_104#1, %broadcast_in_dim3A_1384 : vector<16xi1>, vector<16xf32>
      %min3A_1386 = arith.minimumf %min3A_1382, %select_n3A_1385 : vector<16xf32>
      %gt3A_1387 = arith.cmpf ogt, %scan3A_104#2, %min3A_1373 : vector<16xf32>
      %broadcast_in_dim3A_1388 = vector.broadcast %scan3A : f32 to vector<16xf32>
      %select_n3A_1389 = arith.select %gt3A_1387, %scan3A_104#2, %broadcast_in_dim3A_1388 : vector<16xi1>, vector<16xf32>
      %min3A_1390 = arith.minimumf %min3A_1386, %select_n3A_1389 : vector<16xf32>
      %gt3A_1391 = arith.cmpf ogt, %scan3A_104#3, %min3A_1373 : vector<16xf32>
      %broadcast_in_dim3A_1392 = vector.broadcast %scan3A : f32 to vector<16xf32>
      %select_n3A_1393 = arith.select %gt3A_1391, %scan3A_104#3, %broadcast_in_dim3A_1392 : vector<16xi1>, vector<16xf32>
      %min3A_1394 = arith.minimumf %min3A_1390, %select_n3A_1393 : vector<16xf32>
      %gt3A_1395 = arith.cmpf ogt, %scan3A_104#4, %min3A_1373 : vector<16xf32>
      %broadcast_in_dim3A_1396 = vector.broadcast %scan3A : f32 to vector<16xf32>
      %select_n3A_1397 = arith.select %gt3A_1395, %scan3A_104#4, %broadcast_in_dim3A_1396 : vector<16xi1>, vector<16xf32>
      %min3A_1398 = arith.minimumf %min3A_1394, %select_n3A_1397 : vector<16xf32>
      %gt3A_1399 = arith.cmpf ogt, %scan3A_104#5, %min3A_1373 : vector<16xf32>
      %broadcast_in_dim3A_1400 = vector.broadcast %scan3A : f32 to vector<16xf32>
      %select_n3A_1401 = arith.select %gt3A_1399, %scan3A_104#5, %broadcast_in_dim3A_1400 : vector<16xi1>, vector<16xf32>
      %min3A_1402 = arith.minimumf %min3A_1398, %select_n3A_1401 : vector<16xf32>
      %gt3A_1403 = arith.cmpf ogt, %scan3A_104#6, %min3A_1373 : vector<16xf32>
      %broadcast_in_dim3A_1404 = vector.broadcast %scan3A : f32 to vector<16xf32>
      %select_n3A_1405 = arith.select %gt3A_1403, %scan3A_104#6, %broadcast_in_dim3A_1404 : vector<16xi1>, vector<16xf32>
      %min3A_1406 = arith.minimumf %min3A_1402, %select_n3A_1405 : vector<16xf32>
      %gt3A_1407 = arith.cmpf ogt, %scan3A_104#7, %min3A_1373 : vector<16xf32>
      %broadcast_in_dim3A_1408 = vector.broadcast %scan3A : f32 to vector<16xf32>
      %select_n3A_1409 = arith.select %gt3A_1407, %scan3A_104#7, %broadcast_in_dim3A_1408 : vector<16xi1>, vector<16xf32>
      %min3A_1410 = arith.minimumf %min3A_1406, %select_n3A_1409 : vector<16xf32>
      %gt3A_1411 = arith.cmpf ogt, %scan3A_104#8, %min3A_1373 : vector<16xf32>
      %broadcast_in_dim3A_1412 = vector.broadcast %scan3A : f32 to vector<16xf32>
      %select_n3A_1413 = arith.select %gt3A_1411, %scan3A_104#8, %broadcast_in_dim3A_1412 : vector<16xi1>, vector<16xf32>
      %min3A_1414 = arith.minimumf %min3A_1410, %select_n3A_1413 : vector<16xf32>
      %gt3A_1415 = arith.cmpf ogt, %scan3A_104#9, %min3A_1373 : vector<16xf32>
      %broadcast_in_dim3A_1416 = vector.broadcast %scan3A : f32 to vector<16xf32>
      %select_n3A_1417 = arith.select %gt3A_1415, %scan3A_104#9, %broadcast_in_dim3A_1416 : vector<16xi1>, vector<16xf32>
      %min3A_1418 = arith.minimumf %min3A_1414, %select_n3A_1417 : vector<16xf32>
      %gt3A_1419 = arith.cmpf ogt, %scan3A_104#10, %min3A_1373 : vector<16xf32>
      %broadcast_in_dim3A_1420 = vector.broadcast %scan3A : f32 to vector<16xf32>
      %select_n3A_1421 = arith.select %gt3A_1419, %scan3A_104#10, %broadcast_in_dim3A_1420 : vector<16xi1>, vector<16xf32>
      %min3A_1422 = arith.minimumf %min3A_1418, %select_n3A_1421 : vector<16xf32>
      %gt3A_1423 = arith.cmpf ogt, %scan3A_104#11, %min3A_1373 : vector<16xf32>
      %broadcast_in_dim3A_1424 = vector.broadcast %scan3A : f32 to vector<16xf32>
      %select_n3A_1425 = arith.select %gt3A_1423, %scan3A_104#11, %broadcast_in_dim3A_1424 : vector<16xi1>, vector<16xf32>
      %min3A_1426 = arith.minimumf %min3A_1422, %select_n3A_1425 : vector<16xf32>
      %gt3A_1427 = arith.cmpf ogt, %scan3A_104#12, %min3A_1373 : vector<16xf32>
      %broadcast_in_dim3A_1428 = vector.broadcast %scan3A : f32 to vector<16xf32>
      %select_n3A_1429 = arith.select %gt3A_1427, %scan3A_104#12, %broadcast_in_dim3A_1428 : vector<16xi1>, vector<16xf32>
      %min3A_1430 = arith.minimumf %min3A_1426, %select_n3A_1429 : vector<16xf32>
      %gt3A_1431 = arith.cmpf ogt, %scan3A_104#13, %min3A_1373 : vector<16xf32>
      %broadcast_in_dim3A_1432 = vector.broadcast %scan3A : f32 to vector<16xf32>
      %select_n3A_1433 = arith.select %gt3A_1431, %scan3A_104#13, %broadcast_in_dim3A_1432 : vector<16xi1>, vector<16xf32>
      %min3A_1434 = arith.minimumf %min3A_1430, %select_n3A_1433 : vector<16xf32>
      %gt3A_1435 = arith.cmpf ogt, %scan3A_104#14, %min3A_1373 : vector<16xf32>
      %broadcast_in_dim3A_1436 = vector.broadcast %scan3A : f32 to vector<16xf32>
      %select_n3A_1437 = arith.select %gt3A_1435, %scan3A_104#14, %broadcast_in_dim3A_1436 : vector<16xi1>, vector<16xf32>
      %min3A_1438 = arith.minimumf %min3A_1434, %select_n3A_1437 : vector<16xf32>
      %gt3A_1439 = arith.cmpf ogt, %scan3A_104#15, %min3A_1373 : vector<16xf32>
      %broadcast_in_dim3A_1440 = vector.broadcast %scan3A : f32 to vector<16xf32>
      %select_n3A_1441 = arith.select %gt3A_1439, %scan3A_104#15, %broadcast_in_dim3A_1440 : vector<16xi1>, vector<16xf32>
      %min3A_1442 = arith.minimumf %min3A_1438, %select_n3A_1441 : vector<16xf32>
      %broadcast_in_dim3A_1443 = vector.shape_cast %and3A_36 : vector<16xi32> to vector<16x1xi32>
      %gather3A_1444 = vector.shape_cast %broadcast_in_dim3A_1443 : vector<16x1xi32> to vector<16xi32>
      %gather3A_1445 = tpu.dynamic_gather %min3A_1442[%gather3A_1444] in [0] : vector<16xf32>, vector<16xi32> -> vector<16xf32>
      %min3A_1446 = arith.minimumf %min3A_1442, %gather3A_1445 : vector<16xf32>
      %broadcast_in_dim3A_1447 = vector.shape_cast %and3A_42 : vector<16xi32> to vector<16x1xi32>
      %gather3A_1448 = vector.shape_cast %broadcast_in_dim3A_1447 : vector<16x1xi32> to vector<16xi32>
      %gather3A_1449 = tpu.dynamic_gather %min3A_1446[%gather3A_1448] in [0] : vector<16xf32>, vector<16xi32> -> vector<16xf32>
      %min3A_1450 = arith.minimumf %min3A_1446, %gather3A_1449 : vector<16xf32>
      %broadcast_in_dim3A_1451 = vector.shape_cast %and3A_48 : vector<16xi32> to vector<16x1xi32>
      %gather3A_1452 = vector.shape_cast %broadcast_in_dim3A_1451 : vector<16x1xi32> to vector<16xi32>
      %gather3A_1453 = tpu.dynamic_gather %min3A_1450[%gather3A_1452] in [0] : vector<16xf32>, vector<16xi32> -> vector<16xf32>
      %min3A_1454 = arith.minimumf %min3A_1450, %gather3A_1453 : vector<16xf32>
      %broadcast_in_dim3A_1455 = vector.shape_cast %and3A_54 : vector<16xi32> to vector<16x1xi32>
      %gather3A_1456 = vector.shape_cast %broadcast_in_dim3A_1455 : vector<16x1xi32> to vector<16xi32>
      %gather3A_1457 = tpu.dynamic_gather %min3A_1454[%gather3A_1456] in [0] : vector<16xf32>, vector<16xi32> -> vector<16xf32>
      %min3A_1458 = arith.minimumf %min3A_1454, %gather3A_1457 : vector<16xf32>
      %eq3A_1459 = arith.constant 14 : i32
      %eq3A_1460 = vector.broadcast %eq3A_1459 : i32 to vector<16xi32>
      %eq3A_1461 = arith.cmpi eq, %iota3A, %eq3A_1460 : vector<16xi32>
      %select_n3A_1462 = arith.select %eq3A_1461, %min3A_1458, %select_n3A_1377 : vector<16xi1>, vector<16xf32>
      %broadcast_in_dim3A_1463 = vector.broadcast %scan3A : f32 to vector<16xf32>
      %gt3A_1464 = arith.cmpf ogt, %scan3A_104#0, %min3A_1458 : vector<16xf32>
      %broadcast_in_dim3A_1465 = vector.broadcast %scan3A : f32 to vector<16xf32>
      %select_n3A_1466 = arith.select %gt3A_1464, %scan3A_104#0, %broadcast_in_dim3A_1465 : vector<16xi1>, vector<16xf32>
      %min3A_1467 = arith.minimumf %broadcast_in_dim3A_1463, %select_n3A_1466 : vector<16xf32>
      %gt3A_1468 = arith.cmpf ogt, %scan3A_104#1, %min3A_1458 : vector<16xf32>
      %broadcast_in_dim3A_1469 = vector.broadcast %scan3A : f32 to vector<16xf32>
      %select_n3A_1470 = arith.select %gt3A_1468, %scan3A_104#1, %broadcast_in_dim3A_1469 : vector<16xi1>, vector<16xf32>
      %min3A_1471 = arith.minimumf %min3A_1467, %select_n3A_1470 : vector<16xf32>
      %gt3A_1472 = arith.cmpf ogt, %scan3A_104#2, %min3A_1458 : vector<16xf32>
      %broadcast_in_dim3A_1473 = vector.broadcast %scan3A : f32 to vector<16xf32>
      %select_n3A_1474 = arith.select %gt3A_1472, %scan3A_104#2, %broadcast_in_dim3A_1473 : vector<16xi1>, vector<16xf32>
      %min3A_1475 = arith.minimumf %min3A_1471, %select_n3A_1474 : vector<16xf32>
      %gt3A_1476 = arith.cmpf ogt, %scan3A_104#3, %min3A_1458 : vector<16xf32>
      %broadcast_in_dim3A_1477 = vector.broadcast %scan3A : f32 to vector<16xf32>
      %select_n3A_1478 = arith.select %gt3A_1476, %scan3A_104#3, %broadcast_in_dim3A_1477 : vector<16xi1>, vector<16xf32>
      %min3A_1479 = arith.minimumf %min3A_1475, %select_n3A_1478 : vector<16xf32>
      %gt3A_1480 = arith.cmpf ogt, %scan3A_104#4, %min3A_1458 : vector<16xf32>
      %broadcast_in_dim3A_1481 = vector.broadcast %scan3A : f32 to vector<16xf32>
      %select_n3A_1482 = arith.select %gt3A_1480, %scan3A_104#4, %broadcast_in_dim3A_1481 : vector<16xi1>, vector<16xf32>
      %min3A_1483 = arith.minimumf %min3A_1479, %select_n3A_1482 : vector<16xf32>
      %gt3A_1484 = arith.cmpf ogt, %scan3A_104#5, %min3A_1458 : vector<16xf32>
      %broadcast_in_dim3A_1485 = vector.broadcast %scan3A : f32 to vector<16xf32>
      %select_n3A_1486 = arith.select %gt3A_1484, %scan3A_104#5, %broadcast_in_dim3A_1485 : vector<16xi1>, vector<16xf32>
      %min3A_1487 = arith.minimumf %min3A_1483, %select_n3A_1486 : vector<16xf32>
      %gt3A_1488 = arith.cmpf ogt, %scan3A_104#6, %min3A_1458 : vector<16xf32>
      %broadcast_in_dim3A_1489 = vector.broadcast %scan3A : f32 to vector<16xf32>
      %select_n3A_1490 = arith.select %gt3A_1488, %scan3A_104#6, %broadcast_in_dim3A_1489 : vector<16xi1>, vector<16xf32>
      %min3A_1491 = arith.minimumf %min3A_1487, %select_n3A_1490 : vector<16xf32>
      %gt3A_1492 = arith.cmpf ogt, %scan3A_104#7, %min3A_1458 : vector<16xf32>
      %broadcast_in_dim3A_1493 = vector.broadcast %scan3A : f32 to vector<16xf32>
      %select_n3A_1494 = arith.select %gt3A_1492, %scan3A_104#7, %broadcast_in_dim3A_1493 : vector<16xi1>, vector<16xf32>
      %min3A_1495 = arith.minimumf %min3A_1491, %select_n3A_1494 : vector<16xf32>
      %gt3A_1496 = arith.cmpf ogt, %scan3A_104#8, %min3A_1458 : vector<16xf32>
      %broadcast_in_dim3A_1497 = vector.broadcast %scan3A : f32 to vector<16xf32>
      %select_n3A_1498 = arith.select %gt3A_1496, %scan3A_104#8, %broadcast_in_dim3A_1497 : vector<16xi1>, vector<16xf32>
      %min3A_1499 = arith.minimumf %min3A_1495, %select_n3A_1498 : vector<16xf32>
      %gt3A_1500 = arith.cmpf ogt, %scan3A_104#9, %min3A_1458 : vector<16xf32>
      %broadcast_in_dim3A_1501 = vector.broadcast %scan3A : f32 to vector<16xf32>
      %select_n3A_1502 = arith.select %gt3A_1500, %scan3A_104#9, %broadcast_in_dim3A_1501 : vector<16xi1>, vector<16xf32>
      %min3A_1503 = arith.minimumf %min3A_1499, %select_n3A_1502 : vector<16xf32>
      %gt3A_1504 = arith.cmpf ogt, %scan3A_104#10, %min3A_1458 : vector<16xf32>
      %broadcast_in_dim3A_1505 = vector.broadcast %scan3A : f32 to vector<16xf32>
      %select_n3A_1506 = arith.select %gt3A_1504, %scan3A_104#10, %broadcast_in_dim3A_1505 : vector<16xi1>, vector<16xf32>
      %min3A_1507 = arith.minimumf %min3A_1503, %select_n3A_1506 : vector<16xf32>
      %gt3A_1508 = arith.cmpf ogt, %scan3A_104#11, %min3A_1458 : vector<16xf32>
      %broadcast_in_dim3A_1509 = vector.broadcast %scan3A : f32 to vector<16xf32>
      %select_n3A_1510 = arith.select %gt3A_1508, %scan3A_104#11, %broadcast_in_dim3A_1509 : vector<16xi1>, vector<16xf32>
      %min3A_1511 = arith.minimumf %min3A_1507, %select_n3A_1510 : vector<16xf32>
      %gt3A_1512 = arith.cmpf ogt, %scan3A_104#12, %min3A_1458 : vector<16xf32>
      %broadcast_in_dim3A_1513 = vector.broadcast %scan3A : f32 to vector<16xf32>
      %select_n3A_1514 = arith.select %gt3A_1512, %scan3A_104#12, %broadcast_in_dim3A_1513 : vector<16xi1>, vector<16xf32>
      %min3A_1515 = arith.minimumf %min3A_1511, %select_n3A_1514 : vector<16xf32>
      %gt3A_1516 = arith.cmpf ogt, %scan3A_104#13, %min3A_1458 : vector<16xf32>
      %broadcast_in_dim3A_1517 = vector.broadcast %scan3A : f32 to vector<16xf32>
      %select_n3A_1518 = arith.select %gt3A_1516, %scan3A_104#13, %broadcast_in_dim3A_1517 : vector<16xi1>, vector<16xf32>
      %min3A_1519 = arith.minimumf %min3A_1515, %select_n3A_1518 : vector<16xf32>
      %gt3A_1520 = arith.cmpf ogt, %scan3A_104#14, %min3A_1458 : vector<16xf32>
      %broadcast_in_dim3A_1521 = vector.broadcast %scan3A : f32 to vector<16xf32>
      %select_n3A_1522 = arith.select %gt3A_1520, %scan3A_104#14, %broadcast_in_dim3A_1521 : vector<16xi1>, vector<16xf32>
      %min3A_1523 = arith.minimumf %min3A_1519, %select_n3A_1522 : vector<16xf32>
      %gt3A_1524 = arith.cmpf ogt, %scan3A_104#15, %min3A_1458 : vector<16xf32>
      %broadcast_in_dim3A_1525 = vector.broadcast %scan3A : f32 to vector<16xf32>
      %select_n3A_1526 = arith.select %gt3A_1524, %scan3A_104#15, %broadcast_in_dim3A_1525 : vector<16xi1>, vector<16xf32>
      %min3A_1527 = arith.minimumf %min3A_1523, %select_n3A_1526 : vector<16xf32>
      %broadcast_in_dim3A_1528 = vector.shape_cast %and3A_36 : vector<16xi32> to vector<16x1xi32>
      %gather3A_1529 = vector.shape_cast %broadcast_in_dim3A_1528 : vector<16x1xi32> to vector<16xi32>
      %gather3A_1530 = tpu.dynamic_gather %min3A_1527[%gather3A_1529] in [0] : vector<16xf32>, vector<16xi32> -> vector<16xf32>
      %min3A_1531 = arith.minimumf %min3A_1527, %gather3A_1530 : vector<16xf32>
      %broadcast_in_dim3A_1532 = vector.shape_cast %and3A_42 : vector<16xi32> to vector<16x1xi32>
      %gather3A_1533 = vector.shape_cast %broadcast_in_dim3A_1532 : vector<16x1xi32> to vector<16xi32>
      %gather3A_1534 = tpu.dynamic_gather %min3A_1531[%gather3A_1533] in [0] : vector<16xf32>, vector<16xi32> -> vector<16xf32>
      %min3A_1535 = arith.minimumf %min3A_1531, %gather3A_1534 : vector<16xf32>
      %broadcast_in_dim3A_1536 = vector.shape_cast %and3A_48 : vector<16xi32> to vector<16x1xi32>
      %gather3A_1537 = vector.shape_cast %broadcast_in_dim3A_1536 : vector<16x1xi32> to vector<16xi32>
      %gather3A_1538 = tpu.dynamic_gather %min3A_1535[%gather3A_1537] in [0] : vector<16xf32>, vector<16xi32> -> vector<16xf32>
      %min3A_1539 = arith.minimumf %min3A_1535, %gather3A_1538 : vector<16xf32>
      %broadcast_in_dim3A_1540 = vector.shape_cast %and3A_54 : vector<16xi32> to vector<16x1xi32>
      %gather3A_1541 = vector.shape_cast %broadcast_in_dim3A_1540 : vector<16x1xi32> to vector<16xi32>
      %gather3A_1542 = tpu.dynamic_gather %min3A_1539[%gather3A_1541] in [0] : vector<16xf32>, vector<16xi32> -> vector<16xf32>
      %min3A_1543 = arith.minimumf %min3A_1539, %gather3A_1542 : vector<16xf32>
      %eq3A_1544 = arith.constant 15 : i32
      %eq3A_1545 = vector.broadcast %eq3A_1544 : i32 to vector<16xi32>
      %eq3A_1546 = arith.cmpi eq, %iota3A, %eq3A_1545 : vector<16xi32>
      %select_n3A_1547 = arith.select %eq3A_1546, %min3A_1543, %select_n3A_1462 : vector<16xi1>, vector<16xf32>
      %add3A_1548 = arith.constant 9.99999996E-13 : f32
      %add3A_1549 = vector.broadcast %add3A_1548 : f32 to vector<16xf32>
      %add3A_1550 = arith.addf %select_n3A_1547, %add3A_1549 : vector<16xf32>
      %bitcast_convert_type3A = tpu.bitcast %add3A_1550 : vector<16xf32> -> vector<16xi32>
      %shift_right_arithmetic3A = arith.constant 1 : i32
      %shift_right_arithmetic3A_1551 = vector.broadcast %shift_right_arithmetic3A : i32 to vector<16xi32>
      %shift_right_arithmetic3A_1552 = arith.shrsi %bitcast_convert_type3A, %shift_right_arithmetic3A_1551 : vector<16xi32>
      %sub3A_1553 = arith.constant 1597463007 : i32
      %sub3A_1554 = vector.broadcast %sub3A_1553 : i32 to vector<16xi32>
      %sub3A_1555 = arith.subi %sub3A_1554, %shift_right_arithmetic3A_1552 : vector<16xi32>
      %bitcast_convert_type3A_1556 = tpu.bitcast %sub3A_1555 : vector<16xi32> -> vector<16xf32>
      %mul3A_1557 = arith.constant 5.000000e-01 : f32
      %mul3A_1558 = vector.broadcast %mul3A_1557 : f32 to vector<16xf32>
      %mul3A_1559 = arith.mulf %mul3A_1558, %add3A_1550 : vector<16xf32>
      %mul3A_1560 = arith.mulf %mul3A_1559, %bitcast_convert_type3A_1556 : vector<16xf32>
      %mul3A_1561 = arith.mulf %mul3A_1560, %bitcast_convert_type3A_1556 : vector<16xf32>
      %sub3A_1562 = arith.constant 1.500000e+00 : f32
      %sub3A_1563 = vector.broadcast %sub3A_1562 : f32 to vector<16xf32>
      %sub3A_1564 = arith.subf %sub3A_1563, %mul3A_1561 : vector<16xf32>
      %mul3A_1565 = arith.mulf %bitcast_convert_type3A_1556, %sub3A_1564 : vector<16xf32>
      %mul3A_1566 = arith.constant 5.000000e-01 : f32
      %mul3A_1567 = vector.broadcast %mul3A_1566 : f32 to vector<16xf32>
      %mul3A_1568 = arith.mulf %mul3A_1567, %add3A_1550 : vector<16xf32>
      %mul3A_1569 = arith.mulf %mul3A_1568, %mul3A_1565 : vector<16xf32>
      %mul3A_1570 = arith.mulf %mul3A_1569, %mul3A_1565 : vector<16xf32>
      %sub3A_1571 = arith.constant 1.500000e+00 : f32
      %sub3A_1572 = vector.broadcast %sub3A_1571 : f32 to vector<16xf32>
      %sub3A_1573 = arith.subf %sub3A_1572, %mul3A_1570 : vector<16xf32>
      %mul3A_1574 = arith.mulf %mul3A_1565, %sub3A_1573 : vector<16xf32>
      %mul3A_1575 = arith.constant 5.000000e-01 : f32
      %mul3A_1576 = vector.broadcast %mul3A_1575 : f32 to vector<16xf32>
      %mul3A_1577 = arith.mulf %mul3A_1576, %add3A_1550 : vector<16xf32>
      %mul3A_1578 = arith.mulf %mul3A_1577, %mul3A_1574 : vector<16xf32>
      %mul3A_1579 = arith.mulf %mul3A_1578, %mul3A_1574 : vector<16xf32>
      %sub3A_1580 = arith.constant 1.500000e+00 : f32
      %sub3A_1581 = vector.broadcast %sub3A_1580 : f32 to vector<16xf32>
      %sub3A_1582 = arith.subf %sub3A_1581, %mul3A_1579 : vector<16xf32>
      %mul3A_1583 = arith.mulf %mul3A_1574, %sub3A_1582 : vector<16xf32>
      %mul3A_1584 = arith.mulf %add3A_1550, %mul3A_1583 : vector<16xf32>
      %add3A_1585 = arith.addf %scan3A_66, %mul3A_1584 : vector<16xf32>
      scf.yield %add3A_1585 : vector<16xf32>
    }
    %scan3A_61 = arith.constant 96 : i32
    %swap3A = arith.constant 0 : index
    %swap3A_62 = tpu.vector_load %arg7[%swap3A] {strides = array<i32>} : memref<16xf32, #tpu.memory_space<vmem>>, vector<16xf32>,
    %swap3A_63 = vector.shape_cast %swap3A_62 : vector<16xf32> to vector<16xf32>
    %swap3A_64 = vector.shape_cast %scan3A_60 : vector<16xf32> to vector<16xf32>
    tpu.vector_store %arg7[%swap3A], %swap3A_64 {strides = array<i32>} : memref<16xf32, #tpu.memory_space<vmem>>, vector<16xf32>,
    "tpu.region"() ({
      %run_scoped3A = tpu.sem_alloc : memref<!tpu.dma_semaphore, #tpu.memory_space<semaphore_mem>>
      %dma_start3A = arith.constant 0 : i32
      %dma_start3A_65 = tpu.memref_slice %arg4[%add3A, %dma_start3A] : memref<32x16xf32, #tpu.memory_space<hbm>> -> memref<1x16xf32, #tpu.memory_space<hbm>>
      %dma_start3A_66 = tpu.memref_squeeze %dma_start3A_65 : memref<1x16xf32, #tpu.memory_space<hbm>> -> memref<16xf32, #tpu.memory_space<hbm>>
      %dma_start3A_67 = arith.constant 0 : i32
      %dma_start3A_68 = tpu.memref_slice %arg4[%add3A, %dma_start3A_67] : memref<32x16xf32, #tpu.memory_space<hbm>> -> memref<1x16xf32, #tpu.memory_space<hbm>>
      %dma_start3A_69 = tpu.memref_squeeze %dma_start3A_68 : memref<1x16xf32, #tpu.memory_space<hbm>> -> memref<16xf32, #tpu.memory_space<hbm>>
      tpu.enqueue_dma source(%arg7 : memref<16xf32, #tpu.memory_space<vmem>>) target(%dma_start3A_69 : memref<16xf32, #tpu.memory_space<hbm>>) target_semaphore(%run_scoped3A : memref<!tpu.dma_semaphore, #tpu.memory_space<semaphore_mem>>)
      %dma_wait3A = arith.constant 0 : i32
      %dma_wait3A_70 = tpu.memref_slice %arg4[%add3A, %dma_wait3A] : memref<32x16xf32, #tpu.memory_space<hbm>> -> memref<1x16xf32, #tpu.memory_space<hbm>>
      %dma_wait3A_71 = tpu.memref_squeeze %dma_wait3A_70 : memref<1x16xf32, #tpu.memory_space<hbm>> -> memref<16xf32, #tpu.memory_space<hbm>>
      %dma_wait3A_72 = arith.constant 0 : i32
      %dma_wait3A_73 = tpu.memref_slice %arg4[%add3A, %dma_wait3A_72] : memref<32x16xf32, #tpu.memory_space<hbm>> -> memref<1x16xf32, #tpu.memory_space<hbm>>
      %dma_wait3A_74 = tpu.memref_squeeze %dma_wait3A_73 : memref<1x16xf32, #tpu.memory_space<hbm>> -> memref<16xf32, #tpu.memory_space<hbm>>
      tpu.wait_dma2 semaphore(%run_scoped3A : memref<!tpu.dma_semaphore, #tpu.memory_space<semaphore_mem>>) src(%arg7 : memref<16xf32, #tpu.memory_space<vmem>>) dst(%dma_wait3A_74 : memref<16xf32, #tpu.memory_space<hbm>>)
      tpu.yield
    }) : () -> ()
    return
  }
}

module attributes {stable_mosaic.version = 14 : i64} {
  func.func @_knn_block(%arg0: i32, %arg1: i32, %arg2: memref<1x3x4096xf32, #tpu.memory_space<vmem>>, %arg3: memref<1x1664x3xf32, #tpu.memory_space<vmem>>, %arg4: memref<1x1x8x128xf32, #tpu.memory_space<vmem>>) attributes {dimension_semantics = [#tpu.dimension_semantics<parallel>, #tpu.dimension_semantics<parallel>], iteration_bounds = array<i64: 4, 2>, scalar_prefetch = 0 : i64, scratch_operands = 0 : i64, tpu.core_type = #tpu.core_type<tc>, window_params = [{transform_indices = @transform_0, window_bounds = array<i64: 1, 3, 4096>}, {transform_indices = @transform_1, window_bounds = array<i64: 1, 1664, 3>}, {transform_indices = @transform_2, window_bounds = array<i64: 1, 1, 8, 128>}]} {
    %get3A = arith.constant 0 : index
    %get3A_0 = arith.constant 0 : index
    %get3A_1 = arith.constant 0 : index
    %get3A_2 = vector.load %arg2[%get3A, %get3A_0, %get3A_1] : memref<1x3x4096xf32, #tpu.memory_space<vmem>>, vector<1x3x4096xf32>
    %get3A_3 = vector.shape_cast %get3A_2 : vector<1x3x4096xf32> to vector<3x4096xf32>
    %get3A_4 = arith.constant 0 : index
    %get3A_5 = arith.constant 0 : index
    %get3A_6 = arith.constant 0 : index
    %get3A_7 = vector.load %arg3[%get3A_4, %get3A_5, %get3A_6] : memref<1x1664x3xf32, #tpu.memory_space<vmem>>, vector<1x1664x3xf32>
    %get3A_8 = vector.shape_cast %get3A_7 : vector<1x1664x3xf32> to vector<1664x3xf32>
    %mul3A = arith.mulf %get3A_8, %get3A_8 : vector<1664x3xf32>
    %reduce_sum3A = arith.constant dense<0.000000e+00> : vector<1664xf32>
    %reduce_sum3A_9 = vector.multi_reduction <add>, %mul3A, %reduce_sum3A [1] : vector<1664x3xf32> to vector<1664xf32>
    %broadcast_in_dim3A = vector.shape_cast %reduce_sum3A_9 : vector<1664xf32> to vector<1664x1xf32>
    %mul3A_10 = arith.mulf %get3A_3, %get3A_3 : vector<3x4096xf32>
    %reduce_sum3A_11 = arith.constant dense<0.000000e+00> : vector<4096xf32>
    %reduce_sum3A_12 = vector.multi_reduction <add>, %mul3A_10, %reduce_sum3A_11 [0] : vector<3x4096xf32> to vector<4096xf32>
    %broadcast_in_dim3A_13 = vector.shape_cast %reduce_sum3A_12 : vector<4096xf32> to vector<1x4096xf32>
    %mul3A_14 = arith.constant -2.000000e+00 : f32
    %mul3A_15 = vector.broadcast %mul3A_14 : f32 to vector<1664x3xf32>
    %mul3A_16 = arith.mulf %get3A_8, %mul3A_15 : vector<1664x3xf32>
    %dot_general3A = arith.constant dense<0.000000e+00> : vector<1664x4096xf32>
    %dot_general3A_17 = tpu.matmul %mul3A_16, %get3A_3, %dot_general3A {dimension_numbers = #tpu.dot_dimension_numbers<[1], [0], [0], [1], [0, 0, 1, 1], [], []>, transpose_lhs_hint = false} : vector<1664x3xf32>, vector<3x4096xf32>, vector<1664x4096xf32> -> vector<1664x4096xf32>
    %broadcast_in_dim3A_18 = arith.constant 0x7F800000 : f32
    %broadcast_in_dim3A_19 = vector.broadcast %broadcast_in_dim3A_18 : f32 to vector<1664x128xf32>
    %broadcast_in_dim3A_20 = arith.constant 0x7F800000 : f32
    %broadcast_in_dim3A_21 = vector.broadcast %broadcast_in_dim3A_20 : f32 to vector<1664x128xf32>
    %slice3A = vector.extract_strided_slice %broadcast_in_dim3A_13 {offsets = [0, 0], sizes = [1, 128], strides = [1, 1]} : vector<1x4096xf32> to vector<1x128xf32>
    %add3A = vector.broadcast %broadcast_in_dim3A : vector<1664x1xf32> to vector<1664x128xf32>
    %add3A_22 = vector.broadcast %slice3A : vector<1x128xf32> to vector<1664x128xf32>
    %add3A_23 = arith.addf %add3A, %add3A_22 : vector<1664x128xf32>
    %slice3A_24 = vector.extract_strided_slice %dot_general3A_17 {offsets = [0, 0], sizes = [1664, 128], strides = [1, 1]} : vector<1664x4096xf32> to vector<1664x128xf32>
    %add3A_25 = arith.addf %add3A_23, %slice3A_24 : vector<1664x128xf32>
    %max3A = arith.maximumf %broadcast_in_dim3A_19, %add3A_25 : vector<1664x128xf32>
    %min3A = arith.minimumf %broadcast_in_dim3A_21, %max3A : vector<1664x128xf32>
    %min3A_26 = arith.minimumf %broadcast_in_dim3A_19, %add3A_25 : vector<1664x128xf32>
    %slice3A_27 = vector.extract_strided_slice %broadcast_in_dim3A_13 {offsets = [0, 128], sizes = [1, 128], strides = [1, 1]} : vector<1x4096xf32> to vector<1x128xf32>
    %add3A_28 = vector.broadcast %broadcast_in_dim3A : vector<1664x1xf32> to vector<1664x128xf32>
    %add3A_29 = vector.broadcast %slice3A_27 : vector<1x128xf32> to vector<1664x128xf32>
    %add3A_30 = arith.addf %add3A_28, %add3A_29 : vector<1664x128xf32>
    %slice3A_31 = vector.extract_strided_slice %dot_general3A_17 {offsets = [0, 128], sizes = [1664, 128], strides = [1, 1]} : vector<1664x4096xf32> to vector<1664x128xf32>
    %add3A_32 = arith.addf %add3A_30, %slice3A_31 : vector<1664x128xf32>
    %max3A_33 = arith.maximumf %min3A_26, %add3A_32 : vector<1664x128xf32>
    %min3A_34 = arith.minimumf %min3A, %max3A_33 : vector<1664x128xf32>
    %min3A_35 = arith.minimumf %min3A_26, %add3A_32 : vector<1664x128xf32>
    %slice3A_36 = vector.extract_strided_slice %broadcast_in_dim3A_13 {offsets = [0, 256], sizes = [1, 128], strides = [1, 1]} : vector<1x4096xf32> to vector<1x128xf32>
    %add3A_37 = vector.broadcast %broadcast_in_dim3A : vector<1664x1xf32> to vector<1664x128xf32>
    %add3A_38 = vector.broadcast %slice3A_36 : vector<1x128xf32> to vector<1664x128xf32>
    %add3A_39 = arith.addf %add3A_37, %add3A_38 : vector<1664x128xf32>
    %slice3A_40 = vector.extract_strided_slice %dot_general3A_17 {offsets = [0, 256], sizes = [1664, 128], strides = [1, 1]} : vector<1664x4096xf32> to vector<1664x128xf32>
    %add3A_41 = arith.addf %add3A_39, %slice3A_40 : vector<1664x128xf32>
    %max3A_42 = arith.maximumf %min3A_35, %add3A_41 : vector<1664x128xf32>
    %min3A_43 = arith.minimumf %min3A_34, %max3A_42 : vector<1664x128xf32>
    %min3A_44 = arith.minimumf %min3A_35, %add3A_41 : vector<1664x128xf32>
    %slice3A_45 = vector.extract_strided_slice %broadcast_in_dim3A_13 {offsets = [0, 384], sizes = [1, 128], strides = [1, 1]} : vector<1x4096xf32> to vector<1x128xf32>
    %add3A_46 = vector.broadcast %broadcast_in_dim3A : vector<1664x1xf32> to vector<1664x128xf32>
    %add3A_47 = vector.broadcast %slice3A_45 : vector<1x128xf32> to vector<1664x128xf32>
    %add3A_48 = arith.addf %add3A_46, %add3A_47 : vector<1664x128xf32>
    %slice3A_49 = vector.extract_strided_slice %dot_general3A_17 {offsets = [0, 384], sizes = [1664, 128], strides = [1, 1]} : vector<1664x4096xf32> to vector<1664x128xf32>
    %add3A_50 = arith.addf %add3A_48, %slice3A_49 : vector<1664x128xf32>
    %max3A_51 = arith.maximumf %min3A_44, %add3A_50 : vector<1664x128xf32>
    %min3A_52 = arith.minimumf %min3A_43, %max3A_51 : vector<1664x128xf32>
    %min3A_53 = arith.minimumf %min3A_44, %add3A_50 : vector<1664x128xf32>
    %slice3A_54 = vector.extract_strided_slice %broadcast_in_dim3A_13 {offsets = [0, 512], sizes = [1, 128], strides = [1, 1]} : vector<1x4096xf32> to vector<1x128xf32>
    %add3A_55 = vector.broadcast %broadcast_in_dim3A : vector<1664x1xf32> to vector<1664x128xf32>
    %add3A_56 = vector.broadcast %slice3A_54 : vector<1x128xf32> to vector<1664x128xf32>
    %add3A_57 = arith.addf %add3A_55, %add3A_56 : vector<1664x128xf32>
    %slice3A_58 = vector.extract_strided_slice %dot_general3A_17 {offsets = [0, 512], sizes = [1664, 128], strides = [1, 1]} : vector<1664x4096xf32> to vector<1664x128xf32>
    %add3A_59 = arith.addf %add3A_57, %slice3A_58 : vector<1664x128xf32>
    %max3A_60 = arith.maximumf %min3A_53, %add3A_59 : vector<1664x128xf32>
    %min3A_61 = arith.minimumf %min3A_52, %max3A_60 : vector<1664x128xf32>
    %min3A_62 = arith.minimumf %min3A_53, %add3A_59 : vector<1664x128xf32>
    %slice3A_63 = vector.extract_strided_slice %broadcast_in_dim3A_13 {offsets = [0, 640], sizes = [1, 128], strides = [1, 1]} : vector<1x4096xf32> to vector<1x128xf32>
    %add3A_64 = vector.broadcast %broadcast_in_dim3A : vector<1664x1xf32> to vector<1664x128xf32>
    %add3A_65 = vector.broadcast %slice3A_63 : vector<1x128xf32> to vector<1664x128xf32>
    %add3A_66 = arith.addf %add3A_64, %add3A_65 : vector<1664x128xf32>
    %slice3A_67 = vector.extract_strided_slice %dot_general3A_17 {offsets = [0, 640], sizes = [1664, 128], strides = [1, 1]} : vector<1664x4096xf32> to vector<1664x128xf32>
    %add3A_68 = arith.addf %add3A_66, %slice3A_67 : vector<1664x128xf32>
    %max3A_69 = arith.maximumf %min3A_62, %add3A_68 : vector<1664x128xf32>
    %min3A_70 = arith.minimumf %min3A_61, %max3A_69 : vector<1664x128xf32>
    %min3A_71 = arith.minimumf %min3A_62, %add3A_68 : vector<1664x128xf32>
    %slice3A_72 = vector.extract_strided_slice %broadcast_in_dim3A_13 {offsets = [0, 768], sizes = [1, 128], strides = [1, 1]} : vector<1x4096xf32> to vector<1x128xf32>
    %add3A_73 = vector.broadcast %broadcast_in_dim3A : vector<1664x1xf32> to vector<1664x128xf32>
    %add3A_74 = vector.broadcast %slice3A_72 : vector<1x128xf32> to vector<1664x128xf32>
    %add3A_75 = arith.addf %add3A_73, %add3A_74 : vector<1664x128xf32>
    %slice3A_76 = vector.extract_strided_slice %dot_general3A_17 {offsets = [0, 768], sizes = [1664, 128], strides = [1, 1]} : vector<1664x4096xf32> to vector<1664x128xf32>
    %add3A_77 = arith.addf %add3A_75, %slice3A_76 : vector<1664x128xf32>
    %max3A_78 = arith.maximumf %min3A_71, %add3A_77 : vector<1664x128xf32>
    %min3A_79 = arith.minimumf %min3A_70, %max3A_78 : vector<1664x128xf32>
    %min3A_80 = arith.minimumf %min3A_71, %add3A_77 : vector<1664x128xf32>
    %slice3A_81 = vector.extract_strided_slice %broadcast_in_dim3A_13 {offsets = [0, 896], sizes = [1, 128], strides = [1, 1]} : vector<1x4096xf32> to vector<1x128xf32>
    %add3A_82 = vector.broadcast %broadcast_in_dim3A : vector<1664x1xf32> to vector<1664x128xf32>
    %add3A_83 = vector.broadcast %slice3A_81 : vector<1x128xf32> to vector<1664x128xf32>
    %add3A_84 = arith.addf %add3A_82, %add3A_83 : vector<1664x128xf32>
    %slice3A_85 = vector.extract_strided_slice %dot_general3A_17 {offsets = [0, 896], sizes = [1664, 128], strides = [1, 1]} : vector<1664x4096xf32> to vector<1664x128xf32>
    %add3A_86 = arith.addf %add3A_84, %slice3A_85 : vector<1664x128xf32>
    %max3A_87 = arith.maximumf %min3A_80, %add3A_86 : vector<1664x128xf32>
    %min3A_88 = arith.minimumf %min3A_79, %max3A_87 : vector<1664x128xf32>
    %min3A_89 = arith.minimumf %min3A_80, %add3A_86 : vector<1664x128xf32>
    %slice3A_90 = vector.extract_strided_slice %broadcast_in_dim3A_13 {offsets = [0, 1024], sizes = [1, 128], strides = [1, 1]} : vector<1x4096xf32> to vector<1x128xf32>
    %add3A_91 = vector.broadcast %broadcast_in_dim3A : vector<1664x1xf32> to vector<1664x128xf32>
    %add3A_92 = vector.broadcast %slice3A_90 : vector<1x128xf32> to vector<1664x128xf32>
    %add3A_93 = arith.addf %add3A_91, %add3A_92 : vector<1664x128xf32>
    %slice3A_94 = vector.extract_strided_slice %dot_general3A_17 {offsets = [0, 1024], sizes = [1664, 128], strides = [1, 1]} : vector<1664x4096xf32> to vector<1664x128xf32>
    %add3A_95 = arith.addf %add3A_93, %slice3A_94 : vector<1664x128xf32>
    %max3A_96 = arith.maximumf %min3A_89, %add3A_95 : vector<1664x128xf32>
    %min3A_97 = arith.minimumf %min3A_88, %max3A_96 : vector<1664x128xf32>
    %min3A_98 = arith.minimumf %min3A_89, %add3A_95 : vector<1664x128xf32>
    %slice3A_99 = vector.extract_strided_slice %broadcast_in_dim3A_13 {offsets = [0, 1152], sizes = [1, 128], strides = [1, 1]} : vector<1x4096xf32> to vector<1x128xf32>
    %add3A_100 = vector.broadcast %broadcast_in_dim3A : vector<1664x1xf32> to vector<1664x128xf32>
    %add3A_101 = vector.broadcast %slice3A_99 : vector<1x128xf32> to vector<1664x128xf32>
    %add3A_102 = arith.addf %add3A_100, %add3A_101 : vector<1664x128xf32>
    %slice3A_103 = vector.extract_strided_slice %dot_general3A_17 {offsets = [0, 1152], sizes = [1664, 128], strides = [1, 1]} : vector<1664x4096xf32> to vector<1664x128xf32>
    %add3A_104 = arith.addf %add3A_102, %slice3A_103 : vector<1664x128xf32>
    %max3A_105 = arith.maximumf %min3A_98, %add3A_104 : vector<1664x128xf32>
    %min3A_106 = arith.minimumf %min3A_97, %max3A_105 : vector<1664x128xf32>
    %min3A_107 = arith.minimumf %min3A_98, %add3A_104 : vector<1664x128xf32>
    %slice3A_108 = vector.extract_strided_slice %broadcast_in_dim3A_13 {offsets = [0, 1280], sizes = [1, 128], strides = [1, 1]} : vector<1x4096xf32> to vector<1x128xf32>
    %add3A_109 = vector.broadcast %broadcast_in_dim3A : vector<1664x1xf32> to vector<1664x128xf32>
    %add3A_110 = vector.broadcast %slice3A_108 : vector<1x128xf32> to vector<1664x128xf32>
    %add3A_111 = arith.addf %add3A_109, %add3A_110 : vector<1664x128xf32>
    %slice3A_112 = vector.extract_strided_slice %dot_general3A_17 {offsets = [0, 1280], sizes = [1664, 128], strides = [1, 1]} : vector<1664x4096xf32> to vector<1664x128xf32>
    %add3A_113 = arith.addf %add3A_111, %slice3A_112 : vector<1664x128xf32>
    %max3A_114 = arith.maximumf %min3A_107, %add3A_113 : vector<1664x128xf32>
    %min3A_115 = arith.minimumf %min3A_106, %max3A_114 : vector<1664x128xf32>
    %min3A_116 = arith.minimumf %min3A_107, %add3A_113 : vector<1664x128xf32>
    %slice3A_117 = vector.extract_strided_slice %broadcast_in_dim3A_13 {offsets = [0, 1408], sizes = [1, 128], strides = [1, 1]} : vector<1x4096xf32> to vector<1x128xf32>
    %add3A_118 = vector.broadcast %broadcast_in_dim3A : vector<1664x1xf32> to vector<1664x128xf32>
    %add3A_119 = vector.broadcast %slice3A_117 : vector<1x128xf32> to vector<1664x128xf32>
    %add3A_120 = arith.addf %add3A_118, %add3A_119 : vector<1664x128xf32>
    %slice3A_121 = vector.extract_strided_slice %dot_general3A_17 {offsets = [0, 1408], sizes = [1664, 128], strides = [1, 1]} : vector<1664x4096xf32> to vector<1664x128xf32>
    %add3A_122 = arith.addf %add3A_120, %slice3A_121 : vector<1664x128xf32>
    %max3A_123 = arith.maximumf %min3A_116, %add3A_122 : vector<1664x128xf32>
    %min3A_124 = arith.minimumf %min3A_115, %max3A_123 : vector<1664x128xf32>
    %min3A_125 = arith.minimumf %min3A_116, %add3A_122 : vector<1664x128xf32>
    %slice3A_126 = vector.extract_strided_slice %broadcast_in_dim3A_13 {offsets = [0, 1536], sizes = [1, 128], strides = [1, 1]} : vector<1x4096xf32> to vector<1x128xf32>
    %add3A_127 = vector.broadcast %broadcast_in_dim3A : vector<1664x1xf32> to vector<1664x128xf32>
    %add3A_128 = vector.broadcast %slice3A_126 : vector<1x128xf32> to vector<1664x128xf32>
    %add3A_129 = arith.addf %add3A_127, %add3A_128 : vector<1664x128xf32>
    %slice3A_130 = vector.extract_strided_slice %dot_general3A_17 {offsets = [0, 1536], sizes = [1664, 128], strides = [1, 1]} : vector<1664x4096xf32> to vector<1664x128xf32>
    %add3A_131 = arith.addf %add3A_129, %slice3A_130 : vector<1664x128xf32>
    %max3A_132 = arith.maximumf %min3A_125, %add3A_131 : vector<1664x128xf32>
    %min3A_133 = arith.minimumf %min3A_124, %max3A_132 : vector<1664x128xf32>
    %min3A_134 = arith.minimumf %min3A_125, %add3A_131 : vector<1664x128xf32>
    %slice3A_135 = vector.extract_strided_slice %broadcast_in_dim3A_13 {offsets = [0, 1664], sizes = [1, 128], strides = [1, 1]} : vector<1x4096xf32> to vector<1x128xf32>
    %add3A_136 = vector.broadcast %broadcast_in_dim3A : vector<1664x1xf32> to vector<1664x128xf32>
    %add3A_137 = vector.broadcast %slice3A_135 : vector<1x128xf32> to vector<1664x128xf32>
    %add3A_138 = arith.addf %add3A_136, %add3A_137 : vector<1664x128xf32>
    %slice3A_139 = vector.extract_strided_slice %dot_general3A_17 {offsets = [0, 1664], sizes = [1664, 128], strides = [1, 1]} : vector<1664x4096xf32> to vector<1664x128xf32>
    %add3A_140 = arith.addf %add3A_138, %slice3A_139 : vector<1664x128xf32>
    %max3A_141 = arith.maximumf %min3A_134, %add3A_140 : vector<1664x128xf32>
    %min3A_142 = arith.minimumf %min3A_133, %max3A_141 : vector<1664x128xf32>
    %min3A_143 = arith.minimumf %min3A_134, %add3A_140 : vector<1664x128xf32>
    %slice3A_144 = vector.extract_strided_slice %broadcast_in_dim3A_13 {offsets = [0, 1792], sizes = [1, 128], strides = [1, 1]} : vector<1x4096xf32> to vector<1x128xf32>
    %add3A_145 = vector.broadcast %broadcast_in_dim3A : vector<1664x1xf32> to vector<1664x128xf32>
    %add3A_146 = vector.broadcast %slice3A_144 : vector<1x128xf32> to vector<1664x128xf32>
    %add3A_147 = arith.addf %add3A_145, %add3A_146 : vector<1664x128xf32>
    %slice3A_148 = vector.extract_strided_slice %dot_general3A_17 {offsets = [0, 1792], sizes = [1664, 128], strides = [1, 1]} : vector<1664x4096xf32> to vector<1664x128xf32>
    %add3A_149 = arith.addf %add3A_147, %slice3A_148 : vector<1664x128xf32>
    %max3A_150 = arith.maximumf %min3A_143, %add3A_149 : vector<1664x128xf32>
    %min3A_151 = arith.minimumf %min3A_142, %max3A_150 : vector<1664x128xf32>
    %min3A_152 = arith.minimumf %min3A_143, %add3A_149 : vector<1664x128xf32>
    %slice3A_153 = vector.extract_strided_slice %broadcast_in_dim3A_13 {offsets = [0, 1920], sizes = [1, 128], strides = [1, 1]} : vector<1x4096xf32> to vector<1x128xf32>
    %add3A_154 = vector.broadcast %broadcast_in_dim3A : vector<1664x1xf32> to vector<1664x128xf32>
    %add3A_155 = vector.broadcast %slice3A_153 : vector<1x128xf32> to vector<1664x128xf32>
    %add3A_156 = arith.addf %add3A_154, %add3A_155 : vector<1664x128xf32>
    %slice3A_157 = vector.extract_strided_slice %dot_general3A_17 {offsets = [0, 1920], sizes = [1664, 128], strides = [1, 1]} : vector<1664x4096xf32> to vector<1664x128xf32>
    %add3A_158 = arith.addf %add3A_156, %slice3A_157 : vector<1664x128xf32>
    %max3A_159 = arith.maximumf %min3A_152, %add3A_158 : vector<1664x128xf32>
    %min3A_160 = arith.minimumf %min3A_151, %max3A_159 : vector<1664x128xf32>
    %min3A_161 = arith.minimumf %min3A_152, %add3A_158 : vector<1664x128xf32>
    %slice3A_162 = vector.extract_strided_slice %broadcast_in_dim3A_13 {offsets = [0, 2048], sizes = [1, 128], strides = [1, 1]} : vector<1x4096xf32> to vector<1x128xf32>
    %add3A_163 = vector.broadcast %broadcast_in_dim3A : vector<1664x1xf32> to vector<1664x128xf32>
    %add3A_164 = vector.broadcast %slice3A_162 : vector<1x128xf32> to vector<1664x128xf32>
    %add3A_165 = arith.addf %add3A_163, %add3A_164 : vector<1664x128xf32>
    %slice3A_166 = vector.extract_strided_slice %dot_general3A_17 {offsets = [0, 2048], sizes = [1664, 128], strides = [1, 1]} : vector<1664x4096xf32> to vector<1664x128xf32>
    %add3A_167 = arith.addf %add3A_165, %slice3A_166 : vector<1664x128xf32>
    %max3A_168 = arith.maximumf %min3A_161, %add3A_167 : vector<1664x128xf32>
    %min3A_169 = arith.minimumf %min3A_160, %max3A_168 : vector<1664x128xf32>
    %min3A_170 = arith.minimumf %min3A_161, %add3A_167 : vector<1664x128xf32>
    %slice3A_171 = vector.extract_strided_slice %broadcast_in_dim3A_13 {offsets = [0, 2176], sizes = [1, 128], strides = [1, 1]} : vector<1x4096xf32> to vector<1x128xf32>
    %add3A_172 = vector.broadcast %broadcast_in_dim3A : vector<1664x1xf32> to vector<1664x128xf32>
    %add3A_173 = vector.broadcast %slice3A_171 : vector<1x128xf32> to vector<1664x128xf32>
    %add3A_174 = arith.addf %add3A_172, %add3A_173 : vector<1664x128xf32>
    %slice3A_175 = vector.extract_strided_slice %dot_general3A_17 {offsets = [0, 2176], sizes = [1664, 128], strides = [1, 1]} : vector<1664x4096xf32> to vector<1664x128xf32>
    %add3A_176 = arith.addf %add3A_174, %slice3A_175 : vector<1664x128xf32>
    %max3A_177 = arith.maximumf %min3A_170, %add3A_176 : vector<1664x128xf32>
    %min3A_178 = arith.minimumf %min3A_169, %max3A_177 : vector<1664x128xf32>
    %min3A_179 = arith.minimumf %min3A_170, %add3A_176 : vector<1664x128xf32>
    %slice3A_180 = vector.extract_strided_slice %broadcast_in_dim3A_13 {offsets = [0, 2304], sizes = [1, 128], strides = [1, 1]} : vector<1x4096xf32> to vector<1x128xf32>
    %add3A_181 = vector.broadcast %broadcast_in_dim3A : vector<1664x1xf32> to vector<1664x128xf32>
    %add3A_182 = vector.broadcast %slice3A_180 : vector<1x128xf32> to vector<1664x128xf32>
    %add3A_183 = arith.addf %add3A_181, %add3A_182 : vector<1664x128xf32>
    %slice3A_184 = vector.extract_strided_slice %dot_general3A_17 {offsets = [0, 2304], sizes = [1664, 128], strides = [1, 1]} : vector<1664x4096xf32> to vector<1664x128xf32>
    %add3A_185 = arith.addf %add3A_183, %slice3A_184 : vector<1664x128xf32>
    %max3A_186 = arith.maximumf %min3A_179, %add3A_185 : vector<1664x128xf32>
    %min3A_187 = arith.minimumf %min3A_178, %max3A_186 : vector<1664x128xf32>
    %min3A_188 = arith.minimumf %min3A_179, %add3A_185 : vector<1664x128xf32>
    %slice3A_189 = vector.extract_strided_slice %broadcast_in_dim3A_13 {offsets = [0, 2432], sizes = [1, 128], strides = [1, 1]} : vector<1x4096xf32> to vector<1x128xf32>
    %add3A_190 = vector.broadcast %broadcast_in_dim3A : vector<1664x1xf32> to vector<1664x128xf32>
    %add3A_191 = vector.broadcast %slice3A_189 : vector<1x128xf32> to vector<1664x128xf32>
    %add3A_192 = arith.addf %add3A_190, %add3A_191 : vector<1664x128xf32>
    %slice3A_193 = vector.extract_strided_slice %dot_general3A_17 {offsets = [0, 2432], sizes = [1664, 128], strides = [1, 1]} : vector<1664x4096xf32> to vector<1664x128xf32>
    %add3A_194 = arith.addf %add3A_192, %slice3A_193 : vector<1664x128xf32>
    %max3A_195 = arith.maximumf %min3A_188, %add3A_194 : vector<1664x128xf32>
    %min3A_196 = arith.minimumf %min3A_187, %max3A_195 : vector<1664x128xf32>
    %min3A_197 = arith.minimumf %min3A_188, %add3A_194 : vector<1664x128xf32>
    %slice3A_198 = vector.extract_strided_slice %broadcast_in_dim3A_13 {offsets = [0, 2560], sizes = [1, 128], strides = [1, 1]} : vector<1x4096xf32> to vector<1x128xf32>
    %add3A_199 = vector.broadcast %broadcast_in_dim3A : vector<1664x1xf32> to vector<1664x128xf32>
    %add3A_200 = vector.broadcast %slice3A_198 : vector<1x128xf32> to vector<1664x128xf32>
    %add3A_201 = arith.addf %add3A_199, %add3A_200 : vector<1664x128xf32>
    %slice3A_202 = vector.extract_strided_slice %dot_general3A_17 {offsets = [0, 2560], sizes = [1664, 128], strides = [1, 1]} : vector<1664x4096xf32> to vector<1664x128xf32>
    %add3A_203 = arith.addf %add3A_201, %slice3A_202 : vector<1664x128xf32>
    %max3A_204 = arith.maximumf %min3A_197, %add3A_203 : vector<1664x128xf32>
    %min3A_205 = arith.minimumf %min3A_196, %max3A_204 : vector<1664x128xf32>
    %min3A_206 = arith.minimumf %min3A_197, %add3A_203 : vector<1664x128xf32>
    %slice3A_207 = vector.extract_strided_slice %broadcast_in_dim3A_13 {offsets = [0, 2688], sizes = [1, 128], strides = [1, 1]} : vector<1x4096xf32> to vector<1x128xf32>
    %add3A_208 = vector.broadcast %broadcast_in_dim3A : vector<1664x1xf32> to vector<1664x128xf32>
    %add3A_209 = vector.broadcast %slice3A_207 : vector<1x128xf32> to vector<1664x128xf32>
    %add3A_210 = arith.addf %add3A_208, %add3A_209 : vector<1664x128xf32>
    %slice3A_211 = vector.extract_strided_slice %dot_general3A_17 {offsets = [0, 2688], sizes = [1664, 128], strides = [1, 1]} : vector<1664x4096xf32> to vector<1664x128xf32>
    %add3A_212 = arith.addf %add3A_210, %slice3A_211 : vector<1664x128xf32>
    %max3A_213 = arith.maximumf %min3A_206, %add3A_212 : vector<1664x128xf32>
    %min3A_214 = arith.minimumf %min3A_205, %max3A_213 : vector<1664x128xf32>
    %min3A_215 = arith.minimumf %min3A_206, %add3A_212 : vector<1664x128xf32>
    %slice3A_216 = vector.extract_strided_slice %broadcast_in_dim3A_13 {offsets = [0, 2816], sizes = [1, 128], strides = [1, 1]} : vector<1x4096xf32> to vector<1x128xf32>
    %add3A_217 = vector.broadcast %broadcast_in_dim3A : vector<1664x1xf32> to vector<1664x128xf32>
    %add3A_218 = vector.broadcast %slice3A_216 : vector<1x128xf32> to vector<1664x128xf32>
    %add3A_219 = arith.addf %add3A_217, %add3A_218 : vector<1664x128xf32>
    %slice3A_220 = vector.extract_strided_slice %dot_general3A_17 {offsets = [0, 2816], sizes = [1664, 128], strides = [1, 1]} : vector<1664x4096xf32> to vector<1664x128xf32>
    %add3A_221 = arith.addf %add3A_219, %slice3A_220 : vector<1664x128xf32>
    %max3A_222 = arith.maximumf %min3A_215, %add3A_221 : vector<1664x128xf32>
    %min3A_223 = arith.minimumf %min3A_214, %max3A_222 : vector<1664x128xf32>
    %min3A_224 = arith.minimumf %min3A_215, %add3A_221 : vector<1664x128xf32>
    %slice3A_225 = vector.extract_strided_slice %broadcast_in_dim3A_13 {offsets = [0, 2944], sizes = [1, 128], strides = [1, 1]} : vector<1x4096xf32> to vector<1x128xf32>
    %add3A_226 = vector.broadcast %broadcast_in_dim3A : vector<1664x1xf32> to vector<1664x128xf32>
    %add3A_227 = vector.broadcast %slice3A_225 : vector<1x128xf32> to vector<1664x128xf32>
    %add3A_228 = arith.addf %add3A_226, %add3A_227 : vector<1664x128xf32>
    %slice3A_229 = vector.extract_strided_slice %dot_general3A_17 {offsets = [0, 2944], sizes = [1664, 128], strides = [1, 1]} : vector<1664x4096xf32> to vector<1664x128xf32>
    %add3A_230 = arith.addf %add3A_228, %slice3A_229 : vector<1664x128xf32>
    %max3A_231 = arith.maximumf %min3A_224, %add3A_230 : vector<1664x128xf32>
    %min3A_232 = arith.minimumf %min3A_223, %max3A_231 : vector<1664x128xf32>
    %min3A_233 = arith.minimumf %min3A_224, %add3A_230 : vector<1664x128xf32>
    %slice3A_234 = vector.extract_strided_slice %broadcast_in_dim3A_13 {offsets = [0, 3072], sizes = [1, 128], strides = [1, 1]} : vector<1x4096xf32> to vector<1x128xf32>
    %add3A_235 = vector.broadcast %broadcast_in_dim3A : vector<1664x1xf32> to vector<1664x128xf32>
    %add3A_236 = vector.broadcast %slice3A_234 : vector<1x128xf32> to vector<1664x128xf32>
    %add3A_237 = arith.addf %add3A_235, %add3A_236 : vector<1664x128xf32>
    %slice3A_238 = vector.extract_strided_slice %dot_general3A_17 {offsets = [0, 3072], sizes = [1664, 128], strides = [1, 1]} : vector<1664x4096xf32> to vector<1664x128xf32>
    %add3A_239 = arith.addf %add3A_237, %slice3A_238 : vector<1664x128xf32>
    %max3A_240 = arith.maximumf %min3A_233, %add3A_239 : vector<1664x128xf32>
    %min3A_241 = arith.minimumf %min3A_232, %max3A_240 : vector<1664x128xf32>
    %min3A_242 = arith.minimumf %min3A_233, %add3A_239 : vector<1664x128xf32>
    %slice3A_243 = vector.extract_strided_slice %broadcast_in_dim3A_13 {offsets = [0, 3200], sizes = [1, 128], strides = [1, 1]} : vector<1x4096xf32> to vector<1x128xf32>
    %add3A_244 = vector.broadcast %broadcast_in_dim3A : vector<1664x1xf32> to vector<1664x128xf32>
    %add3A_245 = vector.broadcast %slice3A_243 : vector<1x128xf32> to vector<1664x128xf32>
    %add3A_246 = arith.addf %add3A_244, %add3A_245 : vector<1664x128xf32>
    %slice3A_247 = vector.extract_strided_slice %dot_general3A_17 {offsets = [0, 3200], sizes = [1664, 128], strides = [1, 1]} : vector<1664x4096xf32> to vector<1664x128xf32>
    %add3A_248 = arith.addf %add3A_246, %slice3A_247 : vector<1664x128xf32>
    %max3A_249 = arith.maximumf %min3A_242, %add3A_248 : vector<1664x128xf32>
    %min3A_250 = arith.minimumf %min3A_241, %max3A_249 : vector<1664x128xf32>
    %min3A_251 = arith.minimumf %min3A_242, %add3A_248 : vector<1664x128xf32>
    %slice3A_252 = vector.extract_strided_slice %broadcast_in_dim3A_13 {offsets = [0, 3328], sizes = [1, 128], strides = [1, 1]} : vector<1x4096xf32> to vector<1x128xf32>
    %add3A_253 = vector.broadcast %broadcast_in_dim3A : vector<1664x1xf32> to vector<1664x128xf32>
    %add3A_254 = vector.broadcast %slice3A_252 : vector<1x128xf32> to vector<1664x128xf32>
    %add3A_255 = arith.addf %add3A_253, %add3A_254 : vector<1664x128xf32>
    %slice3A_256 = vector.extract_strided_slice %dot_general3A_17 {offsets = [0, 3328], sizes = [1664, 128], strides = [1, 1]} : vector<1664x4096xf32> to vector<1664x128xf32>
    %add3A_257 = arith.addf %add3A_255, %slice3A_256 : vector<1664x128xf32>
    %max3A_258 = arith.maximumf %min3A_251, %add3A_257 : vector<1664x128xf32>
    %min3A_259 = arith.minimumf %min3A_250, %max3A_258 : vector<1664x128xf32>
    %min3A_260 = arith.minimumf %min3A_251, %add3A_257 : vector<1664x128xf32>
    %slice3A_261 = vector.extract_strided_slice %broadcast_in_dim3A_13 {offsets = [0, 3456], sizes = [1, 128], strides = [1, 1]} : vector<1x4096xf32> to vector<1x128xf32>
    %add3A_262 = vector.broadcast %broadcast_in_dim3A : vector<1664x1xf32> to vector<1664x128xf32>
    %add3A_263 = vector.broadcast %slice3A_261 : vector<1x128xf32> to vector<1664x128xf32>
    %add3A_264 = arith.addf %add3A_262, %add3A_263 : vector<1664x128xf32>
    %slice3A_265 = vector.extract_strided_slice %dot_general3A_17 {offsets = [0, 3456], sizes = [1664, 128], strides = [1, 1]} : vector<1664x4096xf32> to vector<1664x128xf32>
    %add3A_266 = arith.addf %add3A_264, %slice3A_265 : vector<1664x128xf32>
    %max3A_267 = arith.maximumf %min3A_260, %add3A_266 : vector<1664x128xf32>
    %min3A_268 = arith.minimumf %min3A_259, %max3A_267 : vector<1664x128xf32>
    %min3A_269 = arith.minimumf %min3A_260, %add3A_266 : vector<1664x128xf32>
    %slice3A_270 = vector.extract_strided_slice %broadcast_in_dim3A_13 {offsets = [0, 3584], sizes = [1, 128], strides = [1, 1]} : vector<1x4096xf32> to vector<1x128xf32>
    %add3A_271 = vector.broadcast %broadcast_in_dim3A : vector<1664x1xf32> to vector<1664x128xf32>
    %add3A_272 = vector.broadcast %slice3A_270 : vector<1x128xf32> to vector<1664x128xf32>
    %add3A_273 = arith.addf %add3A_271, %add3A_272 : vector<1664x128xf32>
    %slice3A_274 = vector.extract_strided_slice %dot_general3A_17 {offsets = [0, 3584], sizes = [1664, 128], strides = [1, 1]} : vector<1664x4096xf32> to vector<1664x128xf32>
    %add3A_275 = arith.addf %add3A_273, %slice3A_274 : vector<1664x128xf32>
    %max3A_276 = arith.maximumf %min3A_269, %add3A_275 : vector<1664x128xf32>
    %min3A_277 = arith.minimumf %min3A_268, %max3A_276 : vector<1664x128xf32>
    %min3A_278 = arith.minimumf %min3A_269, %add3A_275 : vector<1664x128xf32>
    %slice3A_279 = vector.extract_strided_slice %broadcast_in_dim3A_13 {offsets = [0, 3712], sizes = [1, 128], strides = [1, 1]} : vector<1x4096xf32> to vector<1x128xf32>
    %add3A_280 = vector.broadcast %broadcast_in_dim3A : vector<1664x1xf32> to vector<1664x128xf32>
    %add3A_281 = vector.broadcast %slice3A_279 : vector<1x128xf32> to vector<1664x128xf32>
    %add3A_282 = arith.addf %add3A_280, %add3A_281 : vector<1664x128xf32>
    %slice3A_283 = vector.extract_strided_slice %dot_general3A_17 {offsets = [0, 3712], sizes = [1664, 128], strides = [1, 1]} : vector<1664x4096xf32> to vector<1664x128xf32>
    %add3A_284 = arith.addf %add3A_282, %slice3A_283 : vector<1664x128xf32>
    %max3A_285 = arith.maximumf %min3A_278, %add3A_284 : vector<1664x128xf32>
    %min3A_286 = arith.minimumf %min3A_277, %max3A_285 : vector<1664x128xf32>
    %min3A_287 = arith.minimumf %min3A_278, %add3A_284 : vector<1664x128xf32>
    %slice3A_288 = vector.extract_strided_slice %broadcast_in_dim3A_13 {offsets = [0, 3840], sizes = [1, 128], strides = [1, 1]} : vector<1x4096xf32> to vector<1x128xf32>
    %add3A_289 = vector.broadcast %broadcast_in_dim3A : vector<1664x1xf32> to vector<1664x128xf32>
    %add3A_290 = vector.broadcast %slice3A_288 : vector<1x128xf32> to vector<1664x128xf32>
    %add3A_291 = arith.addf %add3A_289, %add3A_290 : vector<1664x128xf32>
    %slice3A_292 = vector.extract_strided_slice %dot_general3A_17 {offsets = [0, 3840], sizes = [1664, 128], strides = [1, 1]} : vector<1664x4096xf32> to vector<1664x128xf32>
    %add3A_293 = arith.addf %add3A_291, %slice3A_292 : vector<1664x128xf32>
    %max3A_294 = arith.maximumf %min3A_287, %add3A_293 : vector<1664x128xf32>
    %min3A_295 = arith.minimumf %min3A_286, %max3A_294 : vector<1664x128xf32>
    %min3A_296 = arith.minimumf %min3A_287, %add3A_293 : vector<1664x128xf32>
    %slice3A_297 = vector.extract_strided_slice %broadcast_in_dim3A_13 {offsets = [0, 3968], sizes = [1, 128], strides = [1, 1]} : vector<1x4096xf32> to vector<1x128xf32>
    %add3A_298 = vector.broadcast %broadcast_in_dim3A : vector<1664x1xf32> to vector<1664x128xf32>
    %add3A_299 = vector.broadcast %slice3A_297 : vector<1x128xf32> to vector<1664x128xf32>
    %add3A_300 = arith.addf %add3A_298, %add3A_299 : vector<1664x128xf32>
    %slice3A_301 = vector.extract_strided_slice %dot_general3A_17 {offsets = [0, 3968], sizes = [1664, 128], strides = [1, 1]} : vector<1664x4096xf32> to vector<1664x128xf32>
    %add3A_302 = arith.addf %add3A_300, %slice3A_301 : vector<1664x128xf32>
    %max3A_303 = arith.maximumf %min3A_296, %add3A_302 : vector<1664x128xf32>
    %min3A_304 = arith.minimumf %min3A_295, %max3A_303 : vector<1664x128xf32>
    %min3A_305 = arith.minimumf %min3A_296, %add3A_302 : vector<1664x128xf32>
    %concatenate3A = tpu.concatenate %min3A_305, %min3A_304 in 1 : vector<1664x128xf32>, vector<1664x128xf32> -> vector<1664x256xf32>
    %broadcast_in_dim3A_306 = arith.constant 0.000000e+00 : f32
    %broadcast_in_dim3A_307 = vector.broadcast %broadcast_in_dim3A_306 : f32 to vector<1x1xf32>
    %broadcast_in_dim3A_308 = arith.constant 0xFF800000 : f32
    %broadcast_in_dim3A_309 = vector.broadcast %broadcast_in_dim3A_308 : f32 to vector<1664x1xf32>
    %gt3A = vector.broadcast %broadcast_in_dim3A_309 : vector<1664x1xf32> to vector<1664x256xf32>
    %gt3A_310 = arith.cmpf ogt, %concatenate3A, %gt3A : vector<1664x256xf32>
    %jit3A = arith.constant 0x7F800000 : f32
    %broadcast_in_dim3A_311 = vector.broadcast %jit3A : f32 to vector<1664x256xf32>
    %select_n3A = arith.select %gt3A_310, %concatenate3A, %broadcast_in_dim3A_311 : vector<1664x256xi1>, vector<1664x256xf32>
    %reduce_min3A = arith.constant dense<0x7F800000> : vector<1664xf32>
    %reduce_min3A_312 = vector.multi_reduction <minimumf>, %select_n3A, %reduce_min3A [1] : vector<1664x256xf32> to vector<1664xf32>
    %broadcast_in_dim3A_313 = vector.shape_cast %reduce_min3A_312 : vector<1664xf32> to vector<1664x1xf32>
    %gt3A_314 = vector.broadcast %broadcast_in_dim3A_313 : vector<1664x1xf32> to vector<1664x256xf32>
    %gt3A_315 = arith.cmpf ogt, %concatenate3A, %gt3A_314 : vector<1664x256xf32>
    %jit3A_316 = arith.constant 0x7F800000 : f32
    %broadcast_in_dim3A_317 = vector.broadcast %jit3A_316 : f32 to vector<1664x256xf32>
    %select_n3A_318 = arith.select %gt3A_315, %concatenate3A, %broadcast_in_dim3A_317 : vector<1664x256xi1>, vector<1664x256xf32>
    %reduce_min3A_319 = arith.constant dense<0x7F800000> : vector<1664xf32>
    %reduce_min3A_320 = vector.multi_reduction <minimumf>, %select_n3A_318, %reduce_min3A_319 [1] : vector<1664x256xf32> to vector<1664xf32>
    %broadcast_in_dim3A_321 = vector.shape_cast %reduce_min3A_320 : vector<1664xf32> to vector<1664x1xf32>
    %max3A_322 = arith.constant 0.000000e+00 : f32
    %max3A_323 = vector.broadcast %max3A_322 : f32 to vector<1664x1xf32>
    %max3A_324 = arith.maximumf %broadcast_in_dim3A_321, %max3A_323 : vector<1664x1xf32>
    %add3A_325 = arith.constant 9.99999996E-13 : f32
    %add3A_326 = vector.broadcast %add3A_325 : f32 to vector<1664x1xf32>
    %add3A_327 = arith.addf %max3A_324, %add3A_326 : vector<1664x1xf32>
    %sqrt3A = math.sqrt %add3A_327 : vector<1664x1xf32>
    %reduce_sum3A_328 = vector.shape_cast %sqrt3A : vector<1664x1xf32> to vector<1x1664x1xf32>
    %reduce_sum3A_329 = arith.constant dense<0.000000e+00> : vector<1xf32>
    %reduce_sum3A_330 = vector.multi_reduction <add>, %reduce_sum3A_328, %reduce_sum3A_329 [1, 2] : vector<1x1664x1xf32> to vector<1xf32>
    %reduce_sum3A_331 = vector.shape_cast %reduce_sum3A_330 : vector<1xf32> to vector<1x1x1xf32>
    %reduce_sum3A_332 = vector.extract %reduce_sum3A_331[0, 0, 0] : f32 from vector<1x1x1xf32>
    %reshape3A = vector.broadcast %reduce_sum3A_332 : f32 to vector<1x1xf32>
    %add3A_333 = arith.addf %broadcast_in_dim3A_307, %reshape3A : vector<1x1xf32>
    %gt3A_334 = vector.broadcast %broadcast_in_dim3A_321 : vector<1664x1xf32> to vector<1664x256xf32>
    %gt3A_335 = arith.cmpf ogt, %concatenate3A, %gt3A_334 : vector<1664x256xf32>
    %jit3A_336 = arith.constant 0x7F800000 : f32
    %broadcast_in_dim3A_337 = vector.broadcast %jit3A_336 : f32 to vector<1664x256xf32>
    %select_n3A_338 = arith.select %gt3A_335, %concatenate3A, %broadcast_in_dim3A_337 : vector<1664x256xi1>, vector<1664x256xf32>
    %reduce_min3A_339 = arith.constant dense<0x7F800000> : vector<1664xf32>
    %reduce_min3A_340 = vector.multi_reduction <minimumf>, %select_n3A_338, %reduce_min3A_339 [1] : vector<1664x256xf32> to vector<1664xf32>
    %broadcast_in_dim3A_341 = vector.shape_cast %reduce_min3A_340 : vector<1664xf32> to vector<1664x1xf32>
    %max3A_342 = arith.constant 0.000000e+00 : f32
    %max3A_343 = vector.broadcast %max3A_342 : f32 to vector<1664x1xf32>
    %max3A_344 = arith.maximumf %broadcast_in_dim3A_341, %max3A_343 : vector<1664x1xf32>
    %add3A_345 = arith.constant 9.99999996E-13 : f32
    %add3A_346 = vector.broadcast %add3A_345 : f32 to vector<1664x1xf32>
    %add3A_347 = arith.addf %max3A_344, %add3A_346 : vector<1664x1xf32>
    %sqrt3A_348 = math.sqrt %add3A_347 : vector<1664x1xf32>
    %reduce_sum3A_349 = vector.shape_cast %sqrt3A_348 : vector<1664x1xf32> to vector<1x1664x1xf32>
    %reduce_sum3A_350 = arith.constant dense<0.000000e+00> : vector<1xf32>
    %reduce_sum3A_351 = vector.multi_reduction <add>, %reduce_sum3A_349, %reduce_sum3A_350 [1, 2] : vector<1x1664x1xf32> to vector<1xf32>
    %reduce_sum3A_352 = vector.shape_cast %reduce_sum3A_351 : vector<1xf32> to vector<1x1x1xf32>
    %reduce_sum3A_353 = vector.extract %reduce_sum3A_352[0, 0, 0] : f32 from vector<1x1x1xf32>
    %reshape3A_354 = vector.broadcast %reduce_sum3A_353 : f32 to vector<1x1xf32>
    %add3A_355 = arith.addf %add3A_333, %reshape3A_354 : vector<1x1xf32>
    %gt3A_356 = vector.broadcast %broadcast_in_dim3A_341 : vector<1664x1xf32> to vector<1664x256xf32>
    %gt3A_357 = arith.cmpf ogt, %concatenate3A, %gt3A_356 : vector<1664x256xf32>
    %jit3A_358 = arith.constant 0x7F800000 : f32
    %broadcast_in_dim3A_359 = vector.broadcast %jit3A_358 : f32 to vector<1664x256xf32>
    %select_n3A_360 = arith.select %gt3A_357, %concatenate3A, %broadcast_in_dim3A_359 : vector<1664x256xi1>, vector<1664x256xf32>
    %reduce_min3A_361 = arith.constant dense<0x7F800000> : vector<1664xf32>
    %reduce_min3A_362 = vector.multi_reduction <minimumf>, %select_n3A_360, %reduce_min3A_361 [1] : vector<1664x256xf32> to vector<1664xf32>
    %broadcast_in_dim3A_363 = vector.shape_cast %reduce_min3A_362 : vector<1664xf32> to vector<1664x1xf32>
    %max3A_364 = arith.constant 0.000000e+00 : f32
    %max3A_365 = vector.broadcast %max3A_364 : f32 to vector<1664x1xf32>
    %max3A_366 = arith.maximumf %broadcast_in_dim3A_363, %max3A_365 : vector<1664x1xf32>
    %add3A_367 = arith.constant 9.99999996E-13 : f32
    %add3A_368 = vector.broadcast %add3A_367 : f32 to vector<1664x1xf32>
    %add3A_369 = arith.addf %max3A_366, %add3A_368 : vector<1664x1xf32>
    %sqrt3A_370 = math.sqrt %add3A_369 : vector<1664x1xf32>
    %reduce_sum3A_371 = vector.shape_cast %sqrt3A_370 : vector<1664x1xf32> to vector<1x1664x1xf32>
    %reduce_sum3A_372 = arith.constant dense<0.000000e+00> : vector<1xf32>
    %reduce_sum3A_373 = vector.multi_reduction <add>, %reduce_sum3A_371, %reduce_sum3A_372 [1, 2] : vector<1x1664x1xf32> to vector<1xf32>
    %reduce_sum3A_374 = vector.shape_cast %reduce_sum3A_373 : vector<1xf32> to vector<1x1x1xf32>
    %reduce_sum3A_375 = vector.extract %reduce_sum3A_374[0, 0, 0] : f32 from vector<1x1x1xf32>
    %reshape3A_376 = vector.broadcast %reduce_sum3A_375 : f32 to vector<1x1xf32>
    %add3A_377 = arith.addf %add3A_355, %reshape3A_376 : vector<1x1xf32>
    %gt3A_378 = vector.broadcast %broadcast_in_dim3A_363 : vector<1664x1xf32> to vector<1664x256xf32>
    %gt3A_379 = arith.cmpf ogt, %concatenate3A, %gt3A_378 : vector<1664x256xf32>
    %jit3A_380 = arith.constant 0x7F800000 : f32
    %broadcast_in_dim3A_381 = vector.broadcast %jit3A_380 : f32 to vector<1664x256xf32>
    %select_n3A_382 = arith.select %gt3A_379, %concatenate3A, %broadcast_in_dim3A_381 : vector<1664x256xi1>, vector<1664x256xf32>
    %reduce_min3A_383 = arith.constant dense<0x7F800000> : vector<1664xf32>
    %reduce_min3A_384 = vector.multi_reduction <minimumf>, %select_n3A_382, %reduce_min3A_383 [1] : vector<1664x256xf32> to vector<1664xf32>
    %broadcast_in_dim3A_385 = vector.shape_cast %reduce_min3A_384 : vector<1664xf32> to vector<1664x1xf32>
    %max3A_386 = arith.constant 0.000000e+00 : f32
    %max3A_387 = vector.broadcast %max3A_386 : f32 to vector<1664x1xf32>
    %max3A_388 = arith.maximumf %broadcast_in_dim3A_385, %max3A_387 : vector<1664x1xf32>
    %add3A_389 = arith.constant 9.99999996E-13 : f32
    %add3A_390 = vector.broadcast %add3A_389 : f32 to vector<1664x1xf32>
    %add3A_391 = arith.addf %max3A_388, %add3A_390 : vector<1664x1xf32>
    %sqrt3A_392 = math.sqrt %add3A_391 : vector<1664x1xf32>
    %reduce_sum3A_393 = vector.shape_cast %sqrt3A_392 : vector<1664x1xf32> to vector<1x1664x1xf32>
    %reduce_sum3A_394 = arith.constant dense<0.000000e+00> : vector<1xf32>
    %reduce_sum3A_395 = vector.multi_reduction <add>, %reduce_sum3A_393, %reduce_sum3A_394 [1, 2] : vector<1x1664x1xf32> to vector<1xf32>
    %reduce_sum3A_396 = vector.shape_cast %reduce_sum3A_395 : vector<1xf32> to vector<1x1x1xf32>
    %reduce_sum3A_397 = vector.extract %reduce_sum3A_396[0, 0, 0] : f32 from vector<1x1x1xf32>
    %reshape3A_398 = vector.broadcast %reduce_sum3A_397 : f32 to vector<1x1xf32>
    %add3A_399 = arith.addf %add3A_377, %reshape3A_398 : vector<1x1xf32>
    %gt3A_400 = vector.broadcast %broadcast_in_dim3A_385 : vector<1664x1xf32> to vector<1664x256xf32>
    %gt3A_401 = arith.cmpf ogt, %concatenate3A, %gt3A_400 : vector<1664x256xf32>
    %jit3A_402 = arith.constant 0x7F800000 : f32
    %broadcast_in_dim3A_403 = vector.broadcast %jit3A_402 : f32 to vector<1664x256xf32>
    %select_n3A_404 = arith.select %gt3A_401, %concatenate3A, %broadcast_in_dim3A_403 : vector<1664x256xi1>, vector<1664x256xf32>
    %reduce_min3A_405 = arith.constant dense<0x7F800000> : vector<1664xf32>
    %reduce_min3A_406 = vector.multi_reduction <minimumf>, %select_n3A_404, %reduce_min3A_405 [1] : vector<1664x256xf32> to vector<1664xf32>
    %broadcast_in_dim3A_407 = vector.shape_cast %reduce_min3A_406 : vector<1664xf32> to vector<1664x1xf32>
    %max3A_408 = arith.constant 0.000000e+00 : f32
    %max3A_409 = vector.broadcast %max3A_408 : f32 to vector<1664x1xf32>
    %max3A_410 = arith.maximumf %broadcast_in_dim3A_407, %max3A_409 : vector<1664x1xf32>
    %add3A_411 = arith.constant 9.99999996E-13 : f32
    %add3A_412 = vector.broadcast %add3A_411 : f32 to vector<1664x1xf32>
    %add3A_413 = arith.addf %max3A_410, %add3A_412 : vector<1664x1xf32>
    %sqrt3A_414 = math.sqrt %add3A_413 : vector<1664x1xf32>
    %reduce_sum3A_415 = vector.shape_cast %sqrt3A_414 : vector<1664x1xf32> to vector<1x1664x1xf32>
    %reduce_sum3A_416 = arith.constant dense<0.000000e+00> : vector<1xf32>
    %reduce_sum3A_417 = vector.multi_reduction <add>, %reduce_sum3A_415, %reduce_sum3A_416 [1, 2] : vector<1x1664x1xf32> to vector<1xf32>
    %reduce_sum3A_418 = vector.shape_cast %reduce_sum3A_417 : vector<1xf32> to vector<1x1x1xf32>
    %reduce_sum3A_419 = vector.extract %reduce_sum3A_418[0, 0, 0] : f32 from vector<1x1x1xf32>
    %reshape3A_420 = vector.broadcast %reduce_sum3A_419 : f32 to vector<1x1xf32>
    %add3A_421 = arith.addf %add3A_399, %reshape3A_420 : vector<1x1xf32>
    %gt3A_422 = vector.broadcast %broadcast_in_dim3A_407 : vector<1664x1xf32> to vector<1664x256xf32>
    %gt3A_423 = arith.cmpf ogt, %concatenate3A, %gt3A_422 : vector<1664x256xf32>
    %jit3A_424 = arith.constant 0x7F800000 : f32
    %broadcast_in_dim3A_425 = vector.broadcast %jit3A_424 : f32 to vector<1664x256xf32>
    %select_n3A_426 = arith.select %gt3A_423, %concatenate3A, %broadcast_in_dim3A_425 : vector<1664x256xi1>, vector<1664x256xf32>
    %reduce_min3A_427 = arith.constant dense<0x7F800000> : vector<1664xf32>
    %reduce_min3A_428 = vector.multi_reduction <minimumf>, %select_n3A_426, %reduce_min3A_427 [1] : vector<1664x256xf32> to vector<1664xf32>
    %broadcast_in_dim3A_429 = vector.shape_cast %reduce_min3A_428 : vector<1664xf32> to vector<1664x1xf32>
    %max3A_430 = arith.constant 0.000000e+00 : f32
    %max3A_431 = vector.broadcast %max3A_430 : f32 to vector<1664x1xf32>
    %max3A_432 = arith.maximumf %broadcast_in_dim3A_429, %max3A_431 : vector<1664x1xf32>
    %add3A_433 = arith.constant 9.99999996E-13 : f32
    %add3A_434 = vector.broadcast %add3A_433 : f32 to vector<1664x1xf32>
    %add3A_435 = arith.addf %max3A_432, %add3A_434 : vector<1664x1xf32>
    %sqrt3A_436 = math.sqrt %add3A_435 : vector<1664x1xf32>
    %reduce_sum3A_437 = vector.shape_cast %sqrt3A_436 : vector<1664x1xf32> to vector<1x1664x1xf32>
    %reduce_sum3A_438 = arith.constant dense<0.000000e+00> : vector<1xf32>
    %reduce_sum3A_439 = vector.multi_reduction <add>, %reduce_sum3A_437, %reduce_sum3A_438 [1, 2] : vector<1x1664x1xf32> to vector<1xf32>
    %reduce_sum3A_440 = vector.shape_cast %reduce_sum3A_439 : vector<1xf32> to vector<1x1x1xf32>
    %reduce_sum3A_441 = vector.extract %reduce_sum3A_440[0, 0, 0] : f32 from vector<1x1x1xf32>
    %reshape3A_442 = vector.broadcast %reduce_sum3A_441 : f32 to vector<1x1xf32>
    %add3A_443 = arith.addf %add3A_421, %reshape3A_442 : vector<1x1xf32>
    %gt3A_444 = vector.broadcast %broadcast_in_dim3A_429 : vector<1664x1xf32> to vector<1664x256xf32>
    %gt3A_445 = arith.cmpf ogt, %concatenate3A, %gt3A_444 : vector<1664x256xf32>
    %jit3A_446 = arith.constant 0x7F800000 : f32
    %broadcast_in_dim3A_447 = vector.broadcast %jit3A_446 : f32 to vector<1664x256xf32>
    %select_n3A_448 = arith.select %gt3A_445, %concatenate3A, %broadcast_in_dim3A_447 : vector<1664x256xi1>, vector<1664x256xf32>
    %reduce_min3A_449 = arith.constant dense<0x7F800000> : vector<1664xf32>
    %reduce_min3A_450 = vector.multi_reduction <minimumf>, %select_n3A_448, %reduce_min3A_449 [1] : vector<1664x256xf32> to vector<1664xf32>
    %broadcast_in_dim3A_451 = vector.shape_cast %reduce_min3A_450 : vector<1664xf32> to vector<1664x1xf32>
    %max3A_452 = arith.constant 0.000000e+00 : f32
    %max3A_453 = vector.broadcast %max3A_452 : f32 to vector<1664x1xf32>
    %max3A_454 = arith.maximumf %broadcast_in_dim3A_451, %max3A_453 : vector<1664x1xf32>
    %add3A_455 = arith.constant 9.99999996E-13 : f32
    %add3A_456 = vector.broadcast %add3A_455 : f32 to vector<1664x1xf32>
    %add3A_457 = arith.addf %max3A_454, %add3A_456 : vector<1664x1xf32>
    %sqrt3A_458 = math.sqrt %add3A_457 : vector<1664x1xf32>
    %reduce_sum3A_459 = vector.shape_cast %sqrt3A_458 : vector<1664x1xf32> to vector<1x1664x1xf32>
    %reduce_sum3A_460 = arith.constant dense<0.000000e+00> : vector<1xf32>
    %reduce_sum3A_461 = vector.multi_reduction <add>, %reduce_sum3A_459, %reduce_sum3A_460 [1, 2] : vector<1x1664x1xf32> to vector<1xf32>
    %reduce_sum3A_462 = vector.shape_cast %reduce_sum3A_461 : vector<1xf32> to vector<1x1x1xf32>
    %reduce_sum3A_463 = vector.extract %reduce_sum3A_462[0, 0, 0] : f32 from vector<1x1x1xf32>
    %reshape3A_464 = vector.broadcast %reduce_sum3A_463 : f32 to vector<1x1xf32>
    %add3A_465 = arith.addf %add3A_443, %reshape3A_464 : vector<1x1xf32>
    %gt3A_466 = vector.broadcast %broadcast_in_dim3A_451 : vector<1664x1xf32> to vector<1664x256xf32>
    %gt3A_467 = arith.cmpf ogt, %concatenate3A, %gt3A_466 : vector<1664x256xf32>
    %jit3A_468 = arith.constant 0x7F800000 : f32
    %broadcast_in_dim3A_469 = vector.broadcast %jit3A_468 : f32 to vector<1664x256xf32>
    %select_n3A_470 = arith.select %gt3A_467, %concatenate3A, %broadcast_in_dim3A_469 : vector<1664x256xi1>, vector<1664x256xf32>
    %reduce_min3A_471 = arith.constant dense<0x7F800000> : vector<1664xf32>
    %reduce_min3A_472 = vector.multi_reduction <minimumf>, %select_n3A_470, %reduce_min3A_471 [1] : vector<1664x256xf32> to vector<1664xf32>
    %broadcast_in_dim3A_473 = vector.shape_cast %reduce_min3A_472 : vector<1664xf32> to vector<1664x1xf32>
    %max3A_474 = arith.constant 0.000000e+00 : f32
    %max3A_475 = vector.broadcast %max3A_474 : f32 to vector<1664x1xf32>
    %max3A_476 = arith.maximumf %broadcast_in_dim3A_473, %max3A_475 : vector<1664x1xf32>
    %add3A_477 = arith.constant 9.99999996E-13 : f32
    %add3A_478 = vector.broadcast %add3A_477 : f32 to vector<1664x1xf32>
    %add3A_479 = arith.addf %max3A_476, %add3A_478 : vector<1664x1xf32>
    %sqrt3A_480 = math.sqrt %add3A_479 : vector<1664x1xf32>
    %reduce_sum3A_481 = vector.shape_cast %sqrt3A_480 : vector<1664x1xf32> to vector<1x1664x1xf32>
    %reduce_sum3A_482 = arith.constant dense<0.000000e+00> : vector<1xf32>
    %reduce_sum3A_483 = vector.multi_reduction <add>, %reduce_sum3A_481, %reduce_sum3A_482 [1, 2] : vector<1x1664x1xf32> to vector<1xf32>
    %reduce_sum3A_484 = vector.shape_cast %reduce_sum3A_483 : vector<1xf32> to vector<1x1x1xf32>
    %reduce_sum3A_485 = vector.extract %reduce_sum3A_484[0, 0, 0] : f32 from vector<1x1x1xf32>
    %reshape3A_486 = vector.broadcast %reduce_sum3A_485 : f32 to vector<1x1xf32>
    %add3A_487 = arith.addf %add3A_465, %reshape3A_486 : vector<1x1xf32>
    %gt3A_488 = vector.broadcast %broadcast_in_dim3A_473 : vector<1664x1xf32> to vector<1664x256xf32>
    %gt3A_489 = arith.cmpf ogt, %concatenate3A, %gt3A_488 : vector<1664x256xf32>
    %jit3A_490 = arith.constant 0x7F800000 : f32
    %broadcast_in_dim3A_491 = vector.broadcast %jit3A_490 : f32 to vector<1664x256xf32>
    %select_n3A_492 = arith.select %gt3A_489, %concatenate3A, %broadcast_in_dim3A_491 : vector<1664x256xi1>, vector<1664x256xf32>
    %reduce_min3A_493 = arith.constant dense<0x7F800000> : vector<1664xf32>
    %reduce_min3A_494 = vector.multi_reduction <minimumf>, %select_n3A_492, %reduce_min3A_493 [1] : vector<1664x256xf32> to vector<1664xf32>
    %broadcast_in_dim3A_495 = vector.shape_cast %reduce_min3A_494 : vector<1664xf32> to vector<1664x1xf32>
    %max3A_496 = arith.constant 0.000000e+00 : f32
    %max3A_497 = vector.broadcast %max3A_496 : f32 to vector<1664x1xf32>
    %max3A_498 = arith.maximumf %broadcast_in_dim3A_495, %max3A_497 : vector<1664x1xf32>
    %add3A_499 = arith.constant 9.99999996E-13 : f32
    %add3A_500 = vector.broadcast %add3A_499 : f32 to vector<1664x1xf32>
    %add3A_501 = arith.addf %max3A_498, %add3A_500 : vector<1664x1xf32>
    %sqrt3A_502 = math.sqrt %add3A_501 : vector<1664x1xf32>
    %reduce_sum3A_503 = vector.shape_cast %sqrt3A_502 : vector<1664x1xf32> to vector<1x1664x1xf32>
    %reduce_sum3A_504 = arith.constant dense<0.000000e+00> : vector<1xf32>
    %reduce_sum3A_505 = vector.multi_reduction <add>, %reduce_sum3A_503, %reduce_sum3A_504 [1, 2] : vector<1x1664x1xf32> to vector<1xf32>
    %reduce_sum3A_506 = vector.shape_cast %reduce_sum3A_505 : vector<1xf32> to vector<1x1x1xf32>
    %reduce_sum3A_507 = vector.extract %reduce_sum3A_506[0, 0, 0] : f32 from vector<1x1x1xf32>
    %reshape3A_508 = vector.broadcast %reduce_sum3A_507 : f32 to vector<1x1xf32>
    %add3A_509 = arith.addf %add3A_487, %reshape3A_508 : vector<1x1xf32>
    %gt3A_510 = vector.broadcast %broadcast_in_dim3A_495 : vector<1664x1xf32> to vector<1664x256xf32>
    %gt3A_511 = arith.cmpf ogt, %concatenate3A, %gt3A_510 : vector<1664x256xf32>
    %jit3A_512 = arith.constant 0x7F800000 : f32
    %broadcast_in_dim3A_513 = vector.broadcast %jit3A_512 : f32 to vector<1664x256xf32>
    %select_n3A_514 = arith.select %gt3A_511, %concatenate3A, %broadcast_in_dim3A_513 : vector<1664x256xi1>, vector<1664x256xf32>
    %reduce_min3A_515 = arith.constant dense<0x7F800000> : vector<1664xf32>
    %reduce_min3A_516 = vector.multi_reduction <minimumf>, %select_n3A_514, %reduce_min3A_515 [1] : vector<1664x256xf32> to vector<1664xf32>
    %broadcast_in_dim3A_517 = vector.shape_cast %reduce_min3A_516 : vector<1664xf32> to vector<1664x1xf32>
    %max3A_518 = arith.constant 0.000000e+00 : f32
    %max3A_519 = vector.broadcast %max3A_518 : f32 to vector<1664x1xf32>
    %max3A_520 = arith.maximumf %broadcast_in_dim3A_517, %max3A_519 : vector<1664x1xf32>
    %add3A_521 = arith.constant 9.99999996E-13 : f32
    %add3A_522 = vector.broadcast %add3A_521 : f32 to vector<1664x1xf32>
    %add3A_523 = arith.addf %max3A_520, %add3A_522 : vector<1664x1xf32>
    %sqrt3A_524 = math.sqrt %add3A_523 : vector<1664x1xf32>
    %reduce_sum3A_525 = vector.shape_cast %sqrt3A_524 : vector<1664x1xf32> to vector<1x1664x1xf32>
    %reduce_sum3A_526 = arith.constant dense<0.000000e+00> : vector<1xf32>
    %reduce_sum3A_527 = vector.multi_reduction <add>, %reduce_sum3A_525, %reduce_sum3A_526 [1, 2] : vector<1x1664x1xf32> to vector<1xf32>
    %reduce_sum3A_528 = vector.shape_cast %reduce_sum3A_527 : vector<1xf32> to vector<1x1x1xf32>
    %reduce_sum3A_529 = vector.extract %reduce_sum3A_528[0, 0, 0] : f32 from vector<1x1x1xf32>
    %reshape3A_530 = vector.broadcast %reduce_sum3A_529 : f32 to vector<1x1xf32>
    %add3A_531 = arith.addf %add3A_509, %reshape3A_530 : vector<1x1xf32>
    %gt3A_532 = vector.broadcast %broadcast_in_dim3A_517 : vector<1664x1xf32> to vector<1664x256xf32>
    %gt3A_533 = arith.cmpf ogt, %concatenate3A, %gt3A_532 : vector<1664x256xf32>
    %jit3A_534 = arith.constant 0x7F800000 : f32
    %broadcast_in_dim3A_535 = vector.broadcast %jit3A_534 : f32 to vector<1664x256xf32>
    %select_n3A_536 = arith.select %gt3A_533, %concatenate3A, %broadcast_in_dim3A_535 : vector<1664x256xi1>, vector<1664x256xf32>
    %reduce_min3A_537 = arith.constant dense<0x7F800000> : vector<1664xf32>
    %reduce_min3A_538 = vector.multi_reduction <minimumf>, %select_n3A_536, %reduce_min3A_537 [1] : vector<1664x256xf32> to vector<1664xf32>
    %broadcast_in_dim3A_539 = vector.shape_cast %reduce_min3A_538 : vector<1664xf32> to vector<1664x1xf32>
    %max3A_540 = arith.constant 0.000000e+00 : f32
    %max3A_541 = vector.broadcast %max3A_540 : f32 to vector<1664x1xf32>
    %max3A_542 = arith.maximumf %broadcast_in_dim3A_539, %max3A_541 : vector<1664x1xf32>
    %add3A_543 = arith.constant 9.99999996E-13 : f32
    %add3A_544 = vector.broadcast %add3A_543 : f32 to vector<1664x1xf32>
    %add3A_545 = arith.addf %max3A_542, %add3A_544 : vector<1664x1xf32>
    %sqrt3A_546 = math.sqrt %add3A_545 : vector<1664x1xf32>
    %reduce_sum3A_547 = vector.shape_cast %sqrt3A_546 : vector<1664x1xf32> to vector<1x1664x1xf32>
    %reduce_sum3A_548 = arith.constant dense<0.000000e+00> : vector<1xf32>
    %reduce_sum3A_549 = vector.multi_reduction <add>, %reduce_sum3A_547, %reduce_sum3A_548 [1, 2] : vector<1x1664x1xf32> to vector<1xf32>
    %reduce_sum3A_550 = vector.shape_cast %reduce_sum3A_549 : vector<1xf32> to vector<1x1x1xf32>
    %reduce_sum3A_551 = vector.extract %reduce_sum3A_550[0, 0, 0] : f32 from vector<1x1x1xf32>
    %reshape3A_552 = vector.broadcast %reduce_sum3A_551 : f32 to vector<1x1xf32>
    %add3A_553 = arith.addf %add3A_531, %reshape3A_552 : vector<1x1xf32>
    %gt3A_554 = vector.broadcast %broadcast_in_dim3A_539 : vector<1664x1xf32> to vector<1664x256xf32>
    %gt3A_555 = arith.cmpf ogt, %concatenate3A, %gt3A_554 : vector<1664x256xf32>
    %jit3A_556 = arith.constant 0x7F800000 : f32
    %broadcast_in_dim3A_557 = vector.broadcast %jit3A_556 : f32 to vector<1664x256xf32>
    %select_n3A_558 = arith.select %gt3A_555, %concatenate3A, %broadcast_in_dim3A_557 : vector<1664x256xi1>, vector<1664x256xf32>
    %reduce_min3A_559 = arith.constant dense<0x7F800000> : vector<1664xf32>
    %reduce_min3A_560 = vector.multi_reduction <minimumf>, %select_n3A_558, %reduce_min3A_559 [1] : vector<1664x256xf32> to vector<1664xf32>
    %broadcast_in_dim3A_561 = vector.shape_cast %reduce_min3A_560 : vector<1664xf32> to vector<1664x1xf32>
    %max3A_562 = arith.constant 0.000000e+00 : f32
    %max3A_563 = vector.broadcast %max3A_562 : f32 to vector<1664x1xf32>
    %max3A_564 = arith.maximumf %broadcast_in_dim3A_561, %max3A_563 : vector<1664x1xf32>
    %add3A_565 = arith.constant 9.99999996E-13 : f32
    %add3A_566 = vector.broadcast %add3A_565 : f32 to vector<1664x1xf32>
    %add3A_567 = arith.addf %max3A_564, %add3A_566 : vector<1664x1xf32>
    %sqrt3A_568 = math.sqrt %add3A_567 : vector<1664x1xf32>
    %reduce_sum3A_569 = vector.shape_cast %sqrt3A_568 : vector<1664x1xf32> to vector<1x1664x1xf32>
    %reduce_sum3A_570 = arith.constant dense<0.000000e+00> : vector<1xf32>
    %reduce_sum3A_571 = vector.multi_reduction <add>, %reduce_sum3A_569, %reduce_sum3A_570 [1, 2] : vector<1x1664x1xf32> to vector<1xf32>
    %reduce_sum3A_572 = vector.shape_cast %reduce_sum3A_571 : vector<1xf32> to vector<1x1x1xf32>
    %reduce_sum3A_573 = vector.extract %reduce_sum3A_572[0, 0, 0] : f32 from vector<1x1x1xf32>
    %reshape3A_574 = vector.broadcast %reduce_sum3A_573 : f32 to vector<1x1xf32>
    %add3A_575 = arith.addf %add3A_553, %reshape3A_574 : vector<1x1xf32>
    %gt3A_576 = vector.broadcast %broadcast_in_dim3A_561 : vector<1664x1xf32> to vector<1664x256xf32>
    %gt3A_577 = arith.cmpf ogt, %concatenate3A, %gt3A_576 : vector<1664x256xf32>
    %jit3A_578 = arith.constant 0x7F800000 : f32
    %broadcast_in_dim3A_579 = vector.broadcast %jit3A_578 : f32 to vector<1664x256xf32>
    %select_n3A_580 = arith.select %gt3A_577, %concatenate3A, %broadcast_in_dim3A_579 : vector<1664x256xi1>, vector<1664x256xf32>
    %reduce_min3A_581 = arith.constant dense<0x7F800000> : vector<1664xf32>
    %reduce_min3A_582 = vector.multi_reduction <minimumf>, %select_n3A_580, %reduce_min3A_581 [1] : vector<1664x256xf32> to vector<1664xf32>
    %broadcast_in_dim3A_583 = vector.shape_cast %reduce_min3A_582 : vector<1664xf32> to vector<1664x1xf32>
    %max3A_584 = arith.constant 0.000000e+00 : f32
    %max3A_585 = vector.broadcast %max3A_584 : f32 to vector<1664x1xf32>
    %max3A_586 = arith.maximumf %broadcast_in_dim3A_583, %max3A_585 : vector<1664x1xf32>
    %add3A_587 = arith.constant 9.99999996E-13 : f32
    %add3A_588 = vector.broadcast %add3A_587 : f32 to vector<1664x1xf32>
    %add3A_589 = arith.addf %max3A_586, %add3A_588 : vector<1664x1xf32>
    %sqrt3A_590 = math.sqrt %add3A_589 : vector<1664x1xf32>
    %reduce_sum3A_591 = vector.shape_cast %sqrt3A_590 : vector<1664x1xf32> to vector<1x1664x1xf32>
    %reduce_sum3A_592 = arith.constant dense<0.000000e+00> : vector<1xf32>
    %reduce_sum3A_593 = vector.multi_reduction <add>, %reduce_sum3A_591, %reduce_sum3A_592 [1, 2] : vector<1x1664x1xf32> to vector<1xf32>
    %reduce_sum3A_594 = vector.shape_cast %reduce_sum3A_593 : vector<1xf32> to vector<1x1x1xf32>
    %reduce_sum3A_595 = vector.extract %reduce_sum3A_594[0, 0, 0] : f32 from vector<1x1x1xf32>
    %reshape3A_596 = vector.broadcast %reduce_sum3A_595 : f32 to vector<1x1xf32>
    %add3A_597 = arith.addf %add3A_575, %reshape3A_596 : vector<1x1xf32>
    %gt3A_598 = vector.broadcast %broadcast_in_dim3A_583 : vector<1664x1xf32> to vector<1664x256xf32>
    %gt3A_599 = arith.cmpf ogt, %concatenate3A, %gt3A_598 : vector<1664x256xf32>
    %jit3A_600 = arith.constant 0x7F800000 : f32
    %broadcast_in_dim3A_601 = vector.broadcast %jit3A_600 : f32 to vector<1664x256xf32>
    %select_n3A_602 = arith.select %gt3A_599, %concatenate3A, %broadcast_in_dim3A_601 : vector<1664x256xi1>, vector<1664x256xf32>
    %reduce_min3A_603 = arith.constant dense<0x7F800000> : vector<1664xf32>
    %reduce_min3A_604 = vector.multi_reduction <minimumf>, %select_n3A_602, %reduce_min3A_603 [1] : vector<1664x256xf32> to vector<1664xf32>
    %broadcast_in_dim3A_605 = vector.shape_cast %reduce_min3A_604 : vector<1664xf32> to vector<1664x1xf32>
    %max3A_606 = arith.constant 0.000000e+00 : f32
    %max3A_607 = vector.broadcast %max3A_606 : f32 to vector<1664x1xf32>
    %max3A_608 = arith.maximumf %broadcast_in_dim3A_605, %max3A_607 : vector<1664x1xf32>
    %add3A_609 = arith.constant 9.99999996E-13 : f32
    %add3A_610 = vector.broadcast %add3A_609 : f32 to vector<1664x1xf32>
    %add3A_611 = arith.addf %max3A_608, %add3A_610 : vector<1664x1xf32>
    %sqrt3A_612 = math.sqrt %add3A_611 : vector<1664x1xf32>
    %reduce_sum3A_613 = vector.shape_cast %sqrt3A_612 : vector<1664x1xf32> to vector<1x1664x1xf32>
    %reduce_sum3A_614 = arith.constant dense<0.000000e+00> : vector<1xf32>
    %reduce_sum3A_615 = vector.multi_reduction <add>, %reduce_sum3A_613, %reduce_sum3A_614 [1, 2] : vector<1x1664x1xf32> to vector<1xf32>
    %reduce_sum3A_616 = vector.shape_cast %reduce_sum3A_615 : vector<1xf32> to vector<1x1x1xf32>
    %reduce_sum3A_617 = vector.extract %reduce_sum3A_616[0, 0, 0] : f32 from vector<1x1x1xf32>
    %reshape3A_618 = vector.broadcast %reduce_sum3A_617 : f32 to vector<1x1xf32>
    %add3A_619 = arith.addf %add3A_597, %reshape3A_618 : vector<1x1xf32>
    %gt3A_620 = vector.broadcast %broadcast_in_dim3A_605 : vector<1664x1xf32> to vector<1664x256xf32>
    %gt3A_621 = arith.cmpf ogt, %concatenate3A, %gt3A_620 : vector<1664x256xf32>
    %jit3A_622 = arith.constant 0x7F800000 : f32
    %broadcast_in_dim3A_623 = vector.broadcast %jit3A_622 : f32 to vector<1664x256xf32>
    %select_n3A_624 = arith.select %gt3A_621, %concatenate3A, %broadcast_in_dim3A_623 : vector<1664x256xi1>, vector<1664x256xf32>
    %reduce_min3A_625 = arith.constant dense<0x7F800000> : vector<1664xf32>
    %reduce_min3A_626 = vector.multi_reduction <minimumf>, %select_n3A_624, %reduce_min3A_625 [1] : vector<1664x256xf32> to vector<1664xf32>
    %broadcast_in_dim3A_627 = vector.shape_cast %reduce_min3A_626 : vector<1664xf32> to vector<1664x1xf32>
    %max3A_628 = arith.constant 0.000000e+00 : f32
    %max3A_629 = vector.broadcast %max3A_628 : f32 to vector<1664x1xf32>
    %max3A_630 = arith.maximumf %broadcast_in_dim3A_627, %max3A_629 : vector<1664x1xf32>
    %add3A_631 = arith.constant 9.99999996E-13 : f32
    %add3A_632 = vector.broadcast %add3A_631 : f32 to vector<1664x1xf32>
    %add3A_633 = arith.addf %max3A_630, %add3A_632 : vector<1664x1xf32>
    %sqrt3A_634 = math.sqrt %add3A_633 : vector<1664x1xf32>
    %reduce_sum3A_635 = vector.shape_cast %sqrt3A_634 : vector<1664x1xf32> to vector<1x1664x1xf32>
    %reduce_sum3A_636 = arith.constant dense<0.000000e+00> : vector<1xf32>
    %reduce_sum3A_637 = vector.multi_reduction <add>, %reduce_sum3A_635, %reduce_sum3A_636 [1, 2] : vector<1x1664x1xf32> to vector<1xf32>
    %reduce_sum3A_638 = vector.shape_cast %reduce_sum3A_637 : vector<1xf32> to vector<1x1x1xf32>
    %reduce_sum3A_639 = vector.extract %reduce_sum3A_638[0, 0, 0] : f32 from vector<1x1x1xf32>
    %reshape3A_640 = vector.broadcast %reduce_sum3A_639 : f32 to vector<1x1xf32>
    %add3A_641 = arith.addf %add3A_619, %reshape3A_640 : vector<1x1xf32>
    %gt3A_642 = vector.broadcast %broadcast_in_dim3A_627 : vector<1664x1xf32> to vector<1664x256xf32>
    %gt3A_643 = arith.cmpf ogt, %concatenate3A, %gt3A_642 : vector<1664x256xf32>
    %jit3A_644 = arith.constant 0x7F800000 : f32
    %broadcast_in_dim3A_645 = vector.broadcast %jit3A_644 : f32 to vector<1664x256xf32>
    %select_n3A_646 = arith.select %gt3A_643, %concatenate3A, %broadcast_in_dim3A_645 : vector<1664x256xi1>, vector<1664x256xf32>
    %reduce_min3A_647 = arith.constant dense<0x7F800000> : vector<1664xf32>
    %reduce_min3A_648 = vector.multi_reduction <minimumf>, %select_n3A_646, %reduce_min3A_647 [1] : vector<1664x256xf32> to vector<1664xf32>
    %broadcast_in_dim3A_649 = vector.shape_cast %reduce_min3A_648 : vector<1664xf32> to vector<1664x1xf32>
    %max3A_650 = arith.constant 0.000000e+00 : f32
    %max3A_651 = vector.broadcast %max3A_650 : f32 to vector<1664x1xf32>
    %max3A_652 = arith.maximumf %broadcast_in_dim3A_649, %max3A_651 : vector<1664x1xf32>
    %add3A_653 = arith.constant 9.99999996E-13 : f32
    %add3A_654 = vector.broadcast %add3A_653 : f32 to vector<1664x1xf32>
    %add3A_655 = arith.addf %max3A_652, %add3A_654 : vector<1664x1xf32>
    %sqrt3A_656 = math.sqrt %add3A_655 : vector<1664x1xf32>
    %reduce_sum3A_657 = vector.shape_cast %sqrt3A_656 : vector<1664x1xf32> to vector<1x1664x1xf32>
    %reduce_sum3A_658 = arith.constant dense<0.000000e+00> : vector<1xf32>
    %reduce_sum3A_659 = vector.multi_reduction <add>, %reduce_sum3A_657, %reduce_sum3A_658 [1, 2] : vector<1x1664x1xf32> to vector<1xf32>
    %reduce_sum3A_660 = vector.shape_cast %reduce_sum3A_659 : vector<1xf32> to vector<1x1x1xf32>
    %reduce_sum3A_661 = vector.extract %reduce_sum3A_660[0, 0, 0] : f32 from vector<1x1x1xf32>
    %reshape3A_662 = vector.broadcast %reduce_sum3A_661 : f32 to vector<1x1xf32>
    %add3A_663 = arith.addf %add3A_641, %reshape3A_662 : vector<1x1xf32>
    %broadcast_in_dim3A_664 = vector.shape_cast %add3A_663 : vector<1x1xf32> to vector<1x1xf32>
    %broadcast_in_dim3A_665 = vector.broadcast %broadcast_in_dim3A_664 : vector<1x1xf32> to vector<8x128xf32>
    %swap3A = arith.constant 0 : index
    %swap3A_666 = arith.constant 0 : index
    %swap3A_667 = arith.constant 0 : index
    %swap3A_668 = arith.constant 0 : index
    %swap3A_669 = vector.load %arg4[%swap3A, %swap3A_666, %swap3A_667, %swap3A_668] : memref<1x1x8x128xf32, #tpu.memory_space<vmem>>, vector<1x1x8x128xf32>
    %swap3A_670 = vector.shape_cast %swap3A_669 : vector<1x1x8x128xf32> to vector<8x128xf32>
    %swap3A_671 = vector.shape_cast %broadcast_in_dim3A_665 : vector<8x128xf32> to vector<1x1x8x128xf32>
    tpu.vector_store %arg4[%swap3A, %swap3A_666, %swap3A_667, %swap3A_668], %swap3A_671 {strides = array<i32>} : memref<1x1x8x128xf32, #tpu.memory_space<vmem>>, vector<1x1x8x128xf32>,
    return
  }
  func.func @transform_0(%arg0: i32, %arg1: i32) -> (i32, i32, i32) {
    %c0_i32 = arith.constant 0 : i32
    %c0_i32_0 = arith.constant 0 : i32
    %c0_i32_1 = arith.constant 0 : i32
    return %arg0, %c0_i32, %c0_i32_0 : i32, i32, i32
  }
  func.func @transform_1(%arg0: i32, %arg1: i32) -> (i32, i32, i32) {
    %c0_i32 = arith.constant 0 : i32
    %c0_i32_0 = arith.constant 0 : i32
    return %arg0, %arg1, %c0_i32 : i32, i32, i32
  }
  func.func @transform_2(%arg0: i32, %arg1: i32) -> (i32, i32, i32, i32) {
    %c0_i32 = arith.constant 0 : i32
    %c0_i32_0 = arith.constant 0 : i32
    %c0_i32_1 = arith.constant 0 : i32
    return %arg0, %arg1, %c0_i32, %c0_i32_0 : i32, i32, i32, i32
  }
}

</mosaic_0001>

<sc_bundles>
// kernel: kernel.4.cloned.1.call-start
scs
__scs_entry_jumppad:
0x0: {  	(pc) =	sbr.rel $0x88, $3  }
0x1: {  	(tag) =	ssettag $0x0;
	lr =	simm.s32 $0x1  }
0x2: {  	[smem:$0x3FA0] =	sst lr;
	_ =	strace $0xD0000000  }
0x3: {  	_ = 	snop  }
0x4: {  	_ = 	snop  }
0x5: {  	_ = 	snop  }
0x6: {  	_ = 	snop  }
0x7: {  	_ = 	snop  }
__scs_overlays_trampoline_lowered:
0x8: {  	[smem:$0x3FAF] =	sst s0  }
0x9: {  	[smem:$0x3FB0] =	sst s1  }
0xa: {  	[smem:$0x3FB1] =	sst s2  }
0xb: {  	[smem:$0x3FB2] =	sst s3  }
0xc: {  	[smem:$0x3FB3] =	sst s4  }
0xd: {  	[smem:$0x3FB4] =	sst s5  }
0xe: {  	[smem:$0x3FB5] =	sst s6  }
0xf: {  	[smem:$0x3FB6] =	sst s7  }
0x10: {  	[smem:$0x3FB7] =	sst s8  }
0x11: {  	[smem:$0x3FB8] =	sst s9;
	s0 =	simm.s32 @!p0 $0x0  }
0x12: {  	s1 =	sld [smem:$0x3F9E];
	s0 =	simm.s32 @p0 $0x1  }
0x13: {  	[smem:$0x3FB9] =	sst s0;
	s0 =	simm.s32 @!p1 $0x0  }
0x14: {  	s2 =	sld [smem:$0x3F9D];
	s0 =	simm.s32 @p1 $0x1  }
0x15: {  	[smem:$0x3FBA] =	sst s0;
	s0 =	simm.s32 @!p2 $0x0  }
0x16: {  	s3 =	sld [smem:$0x3FDB];
	s0 =	simm.s32 @p2 $0x1  }
0x17: {  	s4 =	simm.s32 $0x1BF5;
	[smem:$0x3FBC] =	sst s0  }
0x18: {  	s0 =	sld [smem:$0x3F9F];
	_ =	swait.ge [sflag:s4], $0x0  }
0x19: {  	s7 =	sld [smem:$0x3FA0]  }
0x1a: {  	s8 =	sadd.s32 $0xFFFFE003, lr  }
0x1b: {  	s9 =	sadd.s32 $0xFFFFFEF7, lr;
	s5 =	simm.s32 $0xFFFFFFFF;
	p2 =	slt.u32 s8, $0xFFFFF086  }
0x1c: {  	p1 =	slt.u32 s9, $0xF7A;
	s5 =	simm.s32 @!p2 $0x0  }
0x1d: {  	s5 =	simm.s32 @p1 $0x1;
	p0 =	seq.s32 s7, s2  }
0x1e: {  	s7 =	smul.u32 @!p0 $0xF7A, s2;
	p2 =	seq.s32 @!p0 s5, $0x0  }
0x1f: {  	s9 =	smul.u32 $0xF7A, s1;
	s8 =	simm.s32 @!p0 $0x1BF5;
	p2 =	por !p2, p0  }
0x20: {  	[sflag:s8] =	ssyncset.s32 @!p0 $0xFFFFF086;
	s6 =	sadd.s32 @!p0 s3, s7;
	s7 =	simm.s32 @!p0 $0x108  }
0x21: {  	s3 =	sadd.s32 s3, s9;
	s6 =	sadd.s32 @!p0 $0x88, s6;
	s7 =	simm.s32 @p2 $0x1082  }
0x22: {  	[simem:s7], [sflag:s8] =	dma.local @!p0 [hbm:s6], $0xF7A  }
0x23: {  	s9 =	sor.u32 $0xD0000000, s2;
	s6 =	simm.s32 $0x108;
	_ =	swait.ge @!p0 [sflag:s8], $0x0  }
0x24: {  	s3 =	sadd.s32 $0x88, s3;
	s6 =	simm.s32 @!p1 $0x1082;
	[sflag:s4] =	ssyncset.s32 $0xFFFFF086  }
0x25: {  	[simem:s6], [sflag:s4] =	dma.local [hbm:s3], $0xF7A  }
0x26: {  	[smem:$0x3FA0] =	sst s1;
	(tag) =	ssettag s2;
	_ =	strace s9  }
0x27: {  	s1 =	sld [smem:$0x3FB0]  }
0x28: {  	s2 =	sld [smem:$0x3FB1]  }
0x29: {  	s4 =	sld [smem:$0x3FB3]  }
0x2a: {  	p0 =	seq.s32 s5, $0x0;
	s5 =	sld [smem:$0x3FB4]  }
0x2b: {  	s6 =	sld [smem:$0x3FB5]  }
0x2c: {  	s7 =	sld [smem:$0x3FB6]  }
0x2d: {  	s3 =	simm.s32 $0x108;
	s8 =	sld [smem:$0x3FB7]  }
0x2e: {  	s3 =	simm.s32 @!p0 $0x1082;
	s9 =	sld [smem:$0x3FB8]  }
0x2f: {  	lr =	sadd.s32 s0, s3;
	s0 =	sld [smem:$0x3FAF]  }
0x30: {  	s3 =	sld [smem:$0x3FB2]  }
0x31: {  	[smem:$0x3FBB] =	sst s10  }
0x32: {  	s10 =	sld [smem:$0x3FB9];
	_ =	sdelay $0x3  }
0x33: {  	p0 =	seq.s32 s10, $0x1;
	s10 =	sld [smem:$0x3FBB];
	_ =	sdelay $0x3  }
0x34: {  	[smem:$0x3FBB] =	sst s10  }
0x35: {  	s10 =	sld [smem:$0x3FBA];
	_ =	sdelay $0x3  }
0x36: {  	p1 =	seq.s32 s10, $0x1;
	s10 =	sld [smem:$0x3FBB];
	_ =	sdelay $0x3  }
0x37: {  	[smem:$0x3FBB] =	sst s10  }
0x38: {  	s10 =	sld [smem:$0x3FBC]  }
0x39: {  	_ = 	snop;
	(pc) =	sbr.ind lr, $3  }
0x3a: {  	_ = 	snop  }
0x3b: {  	_ = 	snop  }
0x3c: {  	p2 =	seq.s32 s10, $0x1;
	s10 =	sld [smem:$0x3FBB]  }
0x3d: {  	_ =	shalt  }
0x3e: {  	_ =	shalt  }
0x3f: {  	_ =	shalt  }
0x40: {  	_ =	shalt  }
0x41: {  	_ =	shalt  }
0x42: {  	_ =	shalt  }
0x43: {  	_ =	shalt  }
0x44: {  	_ =	shalt  }
0x45: {  	_ =	shalt  }
0x46: {  	_ =	shalt  }
0x47: {  	_ =	shalt  }
0x48: {  	_ =	shalt  }
0x49: {  	_ =	shalt  }
0x4a: {  	_ =	shalt  }
0x4b: {  	_ =	shalt  }
0x4c: {  	_ =	shalt  }
0x4d: {  	_ =	shalt  }
0x4e: {  	_ =	shalt  }
0x4f: {  	_ =	shalt  }
0x50: {  	_ =	shalt  }
0x51: {  	_ =	shalt  }
0x52: {  	_ =	shalt  }
0x53: {  	_ =	shalt  }
0x54: {  	_ =	shalt  }
0x55: {  	_ =	shalt  }
0x56: {  	_ =	shalt  }
0x57: {  	_ =	shalt  }
0x58: {  	_ =	shalt  }
0x59: {  	_ =	shalt  }
0x5a: {  	_ =	shalt  }
0x5b: {  	_ =	shalt  }
0x5c: {  	_ =	shalt  }
0x5d: {  	_ =	shalt  }
0x5e: {  	_ =	shalt  }
0x5f: {  	_ =	shalt  }
0x60: {  	_ =	shalt  }
0x61: {  	_ =	shalt  }
0x62: {  	_ =	shalt  }
0x63: {  	_ =	shalt  }
0x64: {  	_ =	shalt  }
0x65: {  	_ =	shalt  }
0x66: {  	_ =	shalt  }
0x67: {  	_ =	shalt  }
0x68: {  	_ =	shalt  }
0x69: {  	_ =	shalt  }
0x6a: {  	_ =	shalt  }
0x6b: {  	_ =	shalt  }
0x6c: {  	_ =	shalt  }
0x6d: {  	_ =	shalt  }
0x6e: {  	_ =	shalt  }
0x6f: {  	_ =	shalt  }
0x70: {  	_ =	shalt  }
0x71: {  	_ =	shalt  }
0x72: {  	_ =	shalt  }
0x73: {  	_ =	shalt  }
0x74: {  	_ =	shalt  }
0x75: {  	_ =	shalt  }
0x76: {  	_ =	shalt  }
0x77: {  	_ =	shalt  }
0x78: {  	_ =	shalt  }
0x79: {  	_ =	shalt  }
0x7a: {  	_ =	shalt  }
0x7b: {  	_ =	shalt  }
0x7c: {  	_ =	shalt  }
0x7d: {  	_ =	shalt  }
0x7e: {  	_ =	shalt  }
0x7f: {  	_ =	shalt  }
0x80: {  	_ =	shalt  }
0x81: {  	_ =	shalt  }
0x82: {  	_ =	shalt  }
0x83: {  	_ =	shalt  }
0x84: {  	_ =	shalt  }
0x85: {  	_ =	shalt  }
0x86: {  	_ =	shalt  }
0x87: {  	_ =	shalt  }
.Lfunc_end0:
.L_simem_size_0:
called_computation_lowered:
.L_overlay_start_0:
0x88: {  	s2 =	sld [smem:$0x3FD9]  }
0x89: {  	s3 =	sld [smem:$0x3FFE];
	_ =	sdelay $0x1  }
0x8a: {  	s1 =	srdreg.scid  }
0x8b: {  	s0 =	sand.u32 $0x1, s1  }
0x8c: {  	s16 =	sshll.u32 s0, $0xA;
	s2 =	sadd.s32 s3, s2  }
0x8d: {  	s2 =	sadd.s32 s2, s16  }
0x8e: {  	[smem:$0x3FC7] =	sst s2  }
0x8f: {  	_ = 	snop  }
0x90: {  	(tm) =	ssettm $0x1  }
0x91: {  	s17 =	sld [smem:$0x3FFB];
	_ =	sdelay $0x3  }
0x92: {  	_ =	strace s17  }
0x93: {  	s2 =	sld [smem:$0x3FFC];
	_ =	sdelay $0x3  }
0x94: {  	_ =	strace s2  }
0x95: {  	s2 =	sld [smem:$0x3FFD];
	_ =	sdelay $0x3  }
0x96: {  	_ =	strace s2  }
0x97: {  	_ =	strace $0x8FFFFFFF  }
0x98: {  	s18 =	sld [smem:$0x3FDB];
	_ =	sdelay $0x1  }
0x99: {  	s19 =	simm.s32 $_scs_section_size  }
0x9a: {  	s4 =	simm.s32 $_size__tile_overlayer_lowered;
	s5 =	simm.s32 $_tile_overlayer_lowered  }
0x9b: {  	s22 =	simm.s32 $0x1BFF;
	s21 =	sshll.u32 s5, $0x1;
	s2 =	sadd.s32 s19, s18  }
0x9c: {  	s6 =	simm.s32 $0x0;
	s20 =	sshll.u32 s4, $0x1;
	s4 =	sadd.s32 s21, s2  }
0x9d: {  	[timem:s6], [sflag:s22] =	dma.local [hbm:s4], s20  }
0x9e: {  	_ =	swait.ge [sflag:s22], s20  }
0x9f: {  	s3 =	ssub.s32 $0x0, s20;
	[sflag:s22] =	ssyncset.done $0x0  }
0xa0: {  	[sflag:s22] =	ssyncadd.s32 s3;
	_ =	sdelay $0x1  }
0xa1: {  	s23 =	simm.s32 $0x1B8B  }
0xa2: {  	_ =	swait.ge [sflag:s23], $0x1  }
0xa3: {  	[sflag:s23] =	ssyncset.done $0x0  }
0xa4: {  	s25 =	simm.s32 $0x1B8E;
	s24 =	sld [smem:$0x3FFE];
	[sflag:s23] =	ssyncadd.s32 $0xFFFFFFFF  }
0xa5: {  	s26 =	simm.s32 $execute0_lowered;
	[smem:$0x3FD2] =	sst s25  }
0xa6: {  	s4 =	sshll.u32 s26, $0x1;
	_ =	strace $0x80000046;
	[dreg:$0x1] =	wrdreg $0xFFFFFFFF  }
0xa7: {  	s28 =	simm.s32 $_size_execute0_lowered;
	s2 =	sadd.s32 s2, s4;
	[dreg:$0x0] =	wrdreg $0x0  }
0xa8: {  	s4 =	sshll.u32 s28, $0x1;
	[dreg:$0x2] =	wrdreg s2  }
0xa9: {  	[dreg:$0x3] =	wrdreg s4  }
0xaa: {  	[dreg:$0x4] =	wrdreg $0xC0  }
0xab: {  	_ =	task [dreg:s6], $0x5FFFF  }
0xac: {  	[dreg:$0x1] =	wrdreg $0xFFFFFFFF  }
0xad: {  	[dreg:$0x0] =	wrdreg $0x60  }
0xae: {  	[dreg:$0x2] =	wrdreg s24  }
0xaf: {  	[dreg:$0x3] =	wrdreg $0x9  }
0xb0: {  	_ =	task.clear_ibuf [dreg:s6], $0x4FFFF;
	_ =	strace $0x90000046  }
0xb1: {  	s29 =	simm.s32 $0x9;
	_ =	strace $0x80000048  }
0xb2: {  	_ =	swait.ge [sflag:s29], $0x1  }
0xb3: {  	[sflag:s29] =	ssyncadd.s32 $0xFFFFFFFF  }
0xb4: {  	_ =	strace $0x90000048  }
0xb5: {  	_ =	sfence  }
0xb6: {  	s30 =	sld [smem:$0x0];
	_ =	sdelay $0x2  }
0xb7: {  	s31 =	sshll.u32 s1, $0xD;
	s1 =	sshrl.u32 s1, $0x2  }
0xb8: {  	s3 =	sand.u32 $0x4000, s31;
	s1 =	sadd.s32 s1, s30  }
0xb9: {  	s0 =	sor.u32 s3, s0;
	s1 =	sshll.u32 s1, $0x11  }
0xba: {  	s0 =	sor.u32 s1, s0  }
0xbb: {  	s0 =	sadd.s32 $0x8F2B, s0  }
0xbc: {  	[sflag:s0] =	ssyncadd.remote.s32 $0x1  }
0xbd: {  	_ =	sfence.sel $0xFFFF  }
0xbe: {  	[dreg:$0x0] =	wrdreg $0xFFFFFFFF;
	(pc) =	sbr.abs _section_cstart, $3  }
0xbf: {  	[dreg:$0x1] =	wrdreg $0xFFFFFFFF  }
0xc0: {  	_ =	task.clear_ibuf [dreg:s6], $0x2FFFF;
	_ =	strace $0x9FFFFFFF  }
0xc1: {  	(tm) =	ssettm $0x7FFFFFFF  }
tec
execute0_lowered:
.L_overlay_start_1:
0x0: {  	(tag) =	ssettag $0x1  }
0x1: {  	v0 =	vimm.s32 $0xFEDCBA98  }
0x2: {  	v1 =	vimm.s32 $0x76543210;
	v2 =	vimm.s32 $0x3210FEDC;
	v3 =	vimm.s32 $0xBA987654  }
0x3: {  	v4 =	vimm.s32 $0x10FEDCBA;
	v5 =	vimm.s32 $0x98765432;
	v6 =	vimm.s32 $0xFEDCBA9  }
0x4: {  	v7 =	vimm.s32 $0x87654321;
	vm0 =	vmmov $0x1;
	vm1 =	vmmov $0x3  }
0x5: {  	vm2 =	vmmov $0x7;
	vm3 =	vmmov $0xf;
	vm4 =	vmmov $0x1f  }
0x6: {  	vm5 =	vmmov $0x3f;
	vm6 =	vmmov $0x7f;
	vm7 =	vmmov $0xff  }
0x7: {  	s1 =	srdreg.scid;
	v0 =	vunpack.c.l.s4.s8 v0;
	v1 =	vunpack.c.l.s4.s8 v1;
	v2 =	vunpack.c.l.s4.s8 v2  }
0x8: {  	s0 =	stileid.u32;
	s7 =	rddreg [dreg:$0x0];
	s2 =	simm.s32 $0x0;
	v3 =	vunpack.c.l.s4.s8 v3;
	v4 =	vunpack.c.l.s4.s8 v4;
	v5 =	vunpack.c.l.s4.s8 v5  }
0x9: {  	s10 =	simm.s32 $0x0;
	s3 =	sand.u32 $0x1, s1;
	s29 =	sshll.u32 s0, $0x1;
	v6 =	vunpack.c.l.s4.s8 v6;
	v7 =	vunpack.c.l.s4.s8 v7;
	v0 =	vunpack.c.0.s8.s32 v0  }
0xa: {  	s5 =	sshrl.u32 s0, $0x2;
	[smem:$0x7FF] =	sst s2;
	s4 =	sor.u32 s3, s29;
	v2 =	vunpack.c.0.s8.s32 v2;
	v3 =	vunpack.c.0.s8.s32 v3;
	v4 =	vunpack.c.0.s8.s32 v4  }
0xb: {  	s6 =	smul.u32 $0x48000, s5;
	s3 =	ssub.s32 $0x2, s3;
	s1 =	sand.u32 $0x7, s4;
	v5 =	vunpack.c.0.s8.s32 v5;
	v6 =	vunpack.c.0.s8.s32 v6;
	v7 =	vunpack.c.0.s8.s32 v7  }
0xc: {  	vm8 =	vmmov $0x1ff;
	s5 =	sshll.u32 s5, $0xB;
	v1 =	vunpack.c.0.s8.s32 v1;
	s4 =	sshll.u32 s4, $0x4;
	s8 =	smul.u32 $0x9000, s1;
	v2 =	vcombine.low v3, v2  }
0xd: {  	s31 =	sshrl.u32 s3, $0x1;
	s1 =	rddreg [dreg:$0x1];
	_ =	strace $0x80000047;
	v3 =	vcombine.low v5, v4;
	v4 =	vcombine.low v7, v6;
	v0 =	vand.u32 $0xF, v0  }
0xe: {  	vm9 =	vmmov $0x3ff;
	s30 =	sadd.s32 s4, s7;
	s9 =	ssub.s32 s3, s31;
	s6 =	sadd.s32 s6, s8;
	v0 =	vcombine.low v0, v1;
	v1 =	vand.u32 $0xF, v2  }
0xf: {  	s3 =	sadd.s32 s7, s5;
	s5 =	sadd.s32 $0x26000, s30;
	s6 =	sshrl.u32 s6, $0x3;
	v2 =	vand.u32 $0xF, v3;
	v3 =	vand.u32 $0xF, v4;
	v4 =	vimm.s32 $0x0  }
0x10: {  	vm10 =	vmmov $0x7ff;
	vm11 =	vmmov $0xfff;
	s8 =	simm.s32 $0x4000;
	s6 =	sadd.s32 s6, s7;
	v4 =	vsel vm0, $0xFFFFFFFF, v4;
	s7 =	simm.s32 $0x1  }
0x11: {  	vm12 =	vmmov $0x1fff;
	vm13 =	vmmov $0x3fff;
	vm14 =	vmmov $0x7fff;
	[tilespmem:$0x1FFF0] =	vst v4;
	s4 =	sadd.s32 $0x2000, s6;
	s6 =	smax.u32 s9, $0x1;
	s9 =	simm.s32 $0xD000  }
.LBB2_1:
0x12: {  	[tilespmem:s2], [sflag:$0x1] =	stream.linear.gather [hbm4b:s3+s2], $0x4000, $0x38;
	[tilespmem:$0xD080] =	vst v63  }
0x13: {  	_ =	swait.ge [sflag:s7], $0x4000  }
0x14: {  	[sflag:s7] =	ssyncset.done $0x0  }
0x15: {  	[sflag:s7] =	ssyncadd.s32 $0xFFFFC000  }
0x16: {  	[tilespmem:s8], [sflag:$0x1] =	stream.linear.gather [hbm4b:s4+s2], $0x9000, $0x38;
	[tilespmem:$0xD080] =	vst v63  }
0x17: {  	_ =	swait.ge [sflag:s7], $0x9000  }
0x18: {  	[sflag:s7] =	ssyncset.done $0x0  }
0x19: {  	v4 =	vimm.f32 $0.0e+00;
	s11 =	simm.s32 $0x0;
	[sflag:s7] =	ssyncadd.s32 $0xFFFF7000  }
.LBB2_2:
0x1a: {  	s31 =	simm.s32 $0x0  }
0x1b: {  	v8 =	vld [tilespmem:s31+$0x70]  }
0x1c: {  	v9 =	vld [tilespmem:s31+$0xF0]  }
0x1d: {  	v10 =	vld [tilespmem:s31+$0x0]  }
0x1e: {  	v11 =	vld [tilespmem:s31+$0x170]  }
0x1f: {  	s12 =	sshll.u32 s11, $0x7;
	v12 =	vld [tilespmem:s31+$0x80]  }
0x20: {  	s12 =	sand.u32 $0x3FFFFF80, s12;
	v13 =	vld [tilespmem:s31+$0x10]  }
0x21: {  	v7 =	vld [tilespmem:s12+$0x4000]  }
0x22: {  	v6 =	vld [tilespmem:s12+$0x7000]  }
0x23: {  	v5 =	vld [tilespmem:s12+$0xA000]  }
0x24: {  	v14 =	vld [tilespmem:s31+$0x90]  }
0x25: {  	v15 =	vld [tilespmem:s31+$0x20]  }
0x26: {  	v17 =	vld [tilespmem:s31+$0x30]  }
0x27: {  	v18 =	vld [tilespmem:s31+$0xB0];
	v8 =	vsub.f32 v7, v8;
	v9 =	vsub.f32 v6, v9  }
0x28: {  	v27 =	vimm.f32 $+Inf;
	v16 =	vld [tilespmem:s31+$0xA0];
	v10 =	vsub.f32 v7, v10;
	v11 =	vsub.f32 v5, v11  }
0x29: {  	v31 =	vimm.f32 $+Inf;
	v19 =	vld [tilespmem:s31+$0x40];
	v12 =	vsub.f32 v6, v12;
	v13 =	vsub.f32 v7, v13  }
0x2a: {  	v20 =	vld [tilespmem:s31+$0x50];
	v14 =	vsub.f32 v6, v14;
	v15 =	vsub.f32 v7, v15;
	v8 =	vmul.f32 v8, v8  }
0x2b: {  	v21 =	vld [tilespmem:s31+$0x60];
	v17 =	vsub.f32 v7, v17;
	v9 =	vmul.f32 v9, v9;
	v10 =	vmul.f32 v10, v10  }
0x2c: {  	v23 =	vld [tilespmem:s31+$0x120];
	v18 =	vsub.f32 v6, v18;
	v12 =	vmul.f32 v12, v12;
	v13 =	vmul.f32 v13, v13  }
0x2d: {  	v14 =	vmul.f32 v14, v14;
	v8 =	vadd.f32 v9, v8;
	v9 =	vmul.f32 v11, v11;
	v11 =	vld [tilespmem:s31+$0xC0]  }
0x2e: {  	v29 =	vimm.f32 $+Inf;
	v10 =	vadd.f32 v12, v10;
	v12 =	vsub.f32 v7, v19;
	v19 =	vld [tilespmem:s31+$0x100]  }
0x2f: {  	v20 =	vsub.f32 v7, v20;
	v13 =	vadd.f32 v14, v13;
	v14 =	vmul.f32 v18, v18;
	v18 =	vld [tilespmem:s31+$0x110]  }
0x30: {  	v17 =	vmul.f32 v17, v17;
	v8 =	vadd.f32 v9, v8;
	v9 =	vsub.f32 v6, v16  }
0x31: {  	v28 =	vimm.f32 $+Inf;
	v21 =	vsub.f32 v7, v21;
	v23 =	vsub.f32 v5, v23;
	v16 =	vld [tilespmem:s31+$0xD0]  }
0x32: {  	v22 =	vld [tilespmem:s31+$0xE0];
	v15 =	vmul.f32 v15, v15;
	v14 =	vadd.f32 v14, v17;
	v9 =	vmul.f32 v9, v9  }
0x33: {  	v30 =	vimm.f32 $+Inf;
	v11 =	vsub.f32 v6, v11;
	v19 =	vsub.f32 v5, v19  }
0x34: {  	v21 =	vmul.f32 v21, v21;
	v18 =	vsub.f32 v5, v18;
	v9 =	vadd.f32 v9, v15  }
0x35: {  	v17 =	vld [tilespmem:s31+$0x130];
	v15 =	vmul.f32 v12, v12;
	v12 =	vimm.f32 $+Inf;
	v11 =	vmul.f32 v11, v11  }
0x36: {  	v25 =	vld [tilespmem:s31+$0x140];
	v16 =	vsub.f32 v6, v16;
	v24 =	vmax.f32 v12, v8;
	v19 =	vmul.f32 v19, v19  }
0x37: {  	v15 =	vadd.f32 v11, v15;
	v11 =	vmul.f32 v20, v20;
	v20 =	vsub.f32 v6, v22  }
0x38: {  	v16 =	vmul.f32 v16, v16;
	v35 =	vadd.f32 v19, v10;
	v10 =	vmul.f32 v23, v23  }
0x39: {  	v26 =	vld [tilespmem:s31+$0x160];
	v23 =	vimm.f32 $+Inf;
	v19 =	vimm.f32 $+Inf;
	v20 =	vmul.f32 v20, v20  }
0x3a: {  	v32 =	vadd.f32 v16, v11;
	v11 =	vmul.f32 v18, v18;
	v16 =	vsub.f32 v5, v17  }
0x3b: {  	v22 =	vld [tilespmem:s31+$0x150];
	v17 =	vsub.f32 v5, v25;
	v36 =	vadd.f32 v10, v9;
	v9 =	vmin.f32 v12, v35  }
0x3c: {  	v25 =	vimm.f32 $+Inf;
	v18 =	vimm.f32 $+Inf;
	v33 =	vadd.f32 v20, v21  }
0x3d: {  	v20 =	vmin.f32 v12, v24;
	v34 =	vadd.f32 v11, v13;
	v11 =	vmul.f32 v16, v16  }
0x3e: {  	v10 =	vmul.f32 v17, v17;
	v16 =	vsub.f32 v5, v26;
	v26 =	vimm.f32 $+Inf  }
0x3f: {  	v24 =	vimm.f32 $+Inf;
	v21 =	vimm.f32 $+Inf;
	v17 =	vimm.f32 $+Inf  }
0x40: {  	v13 =	vsub.f32 v5, v22;
	v22 =	vimm.f32 $+Inf;
	v37 =	vadd.f32 v11, v14  }
0x41: {  	v11 =	vmin.f32 v12, v34;
	v39 =	vadd.f32 v10, v15;
	v41 =	vmul.f32 v16, v16  }
0x42: {  	s12 =	simm.s32 $0x200;
	v16 =	vimm.f32 $+Inf;
	v15 =	vimm.f32 $+Inf;
	v40 =	vmul.f32 v13, v13  }
0x43: {  	s13 =	simm.s32 $0x1000;
	v38 =	vld [tilespmem:s12+$0x70];
	v14 =	vimm.f32 $+Inf;
	v10 =	vimm.f32 $+Inf;
	v13 =	vimm.f32 $+Inf  }
.LBB2_3:
0x44: {  	p0 =	sne.s32 s13, $0xF800;
	v42 =	vld [tilespmem:s12+$0xF0];
	v12 =	vmin.f32 v12, v36;
	v26 =	vmin.f32 v26, v37;
	v32 =	vadd.f32 v40, v32  }
0x45: {  	v35 =	vmax.f32 v27, v35;
	v27 =	vmovc v9;
	v40 =	vld [tilespmem:s12+$0x0];
	v25 =	vmin.f32 v25, v39;
	v33 =	vadd.f32 v41, v33  }
0x46: {  	v31 =	vmax.f32 v31, v34;
	v34 =	vmax.f32 v23, v36;
	v23 =	vmovc v12;
	v41 =	vld [tilespmem:s12+$0x170];
	v22 =	vmin.f32 v22, v32  }
0x47: {  	v37 =	vmax.f32 v24, v37;
	v39 =	vmax.f32 v29, v39;
	v24 =	vmovc v26;
	v36 =	vld [tilespmem:s12+$0x80];
	v21 =	vmin.f32 v21, v33  }
0x48: {  	v19 =	vmin.f32 v19, v35;
	v32 =	vmax.f32 v28, v32;
	v29 =	vmovc v25;
	v33 =	vmax.f32 v30, v33;
	v43 =	vld [tilespmem:s12+$0x10]  }
0x49: {  	v18 =	vmin.f32 v18, v31;
	v28 =	vmovc v22;
	v38 =	vsub.f32 v7, v38;
	v35 =	vld [tilespmem:s12+$0x90];
	v42 =	vsub.f32 v6, v42  }
0x4a: {  	v16 =	vmin.f32 v16, v34;
	v17 =	vmin.f32 v17, v37;
	v30 =	vmovc v21;
	v40 =	vsub.f32 v7, v40;
	v44 =	vld [tilespmem:s12+$0x20]  }
0x4b: {  	v31 =	vmovc v11;
	v38 =	vmul.f32 v38, v38;
	v34 =	vld [tilespmem:s12+$0xA0];
	v37 =	vsub.f32 v5, v41;
	v41 =	vmul.f32 v42, v42  }
0x4c: {  	v15 =	vmin.f32 v15, v39;
	v36 =	vsub.f32 v6, v36;
	v40 =	vmul.f32 v40, v40;
	v42 =	vld [tilespmem:s12+$0x30]  }
0x4d: {  	v39 =	vsub.f32 v7, v43;
	v43 =	vld [tilespmem:s12+$0xB0];
	v38 =	vadd.f32 v41, v38;
	v37 =	vmul.f32 v37, v37  }
0x4e: {  	v14 =	vmin.f32 v14, v32;
	v36 =	vmul.f32 v36, v36;
	v35 =	vsub.f32 v6, v35;
	v41 =	vld [tilespmem:s12+$0x40]  }
0x4f: {  	v32 =	vmul.f32 v39, v39;
	v39 =	vsub.f32 v7, v44;
	v44 =	vld [tilespmem:s12+$0xC0];
	v37 =	vadd.f32 v37, v38  }
0x50: {  	v13 =	vmin.f32 v13, v8;
	v35 =	vmul.f32 v35, v35;
	v34 =	vsub.f32 v6, v34;
	v38 =	vld [tilespmem:s12+$0x50]  }
0x51: {  	v39 =	vmul.f32 v39, v39;
	v42 =	vsub.f32 v7, v42;
	v45 =	vld [tilespmem:s12+$0xD0];
	v46 =	vmax.f32 v13, v37;
	v8 =	vmovc v37  }
0x52: {  	v34 =	vmul.f32 v34, v34;
	v37 =	vsub.f32 v6, v43;
	v43 =	vld [tilespmem:s12+$0x60];
	v20 =	vmin.f32 v20, v46  }
0x53: {  	v36 =	vadd.f32 v36, v40;
	v40 =	vmul.f32 v42, v42;
	v41 =	vsub.f32 v7, v41;
	v42 =	vld [tilespmem:s12+$0xE0]  }
0x54: {  	v47 =	vadd.f32 v35, v32;
	v46 =	vld [tilespmem:s12+$0x100];
	v32 =	vmul.f32 v37, v37;
	v35 =	vsub.f32 v6, v44  }
0x55: {  	v39 =	vadd.f32 v34, v39;
	v37 =	vld [tilespmem:s12+$0x110];
	v34 =	vmul.f32 v41, v41;
	v38 =	vsub.f32 v7, v38  }
0x56: {  	v41 =	vld [tilespmem:s12+$0x120];
	v40 =	vadd.f32 v32, v40;
	v32 =	vmul.f32 v35, v35;
	v35 =	vsub.f32 v6, v45  }
0x57: {  	v10 =	vmin.f32 v10, v33;
	v44 =	vld [tilespmem:s12+$0x130];
	v38 =	vmul.f32 v38, v38;
	v43 =	vsub.f32 v7, v43  }
0x58: {  	v45 =	vld [tilespmem:s12+$0x140];
	v48 =	vadd.f32 v32, v34;
	v32 =	vmul.f32 v35, v35;
	v33 =	vsub.f32 v6, v42  }
0x59: {  	v34 =	vsub.f32 v5, v46;
	v42 =	vld [tilespmem:s12+$0x150];
	v35 =	vmul.f32 v43, v43  }
0x5a: {  	v37 =	vsub.f32 v5, v37;
	v32 =	vadd.f32 v32, v38;
	v38 =	vld [tilespmem:s12+$0x160];
	v33 =	vmul.f32 v33, v33  }
0x5b: {  	v34 =	vmul.f32 v34, v34;
	v41 =	vsub.f32 v5, v41  }
0x5c: {  	v37 =	vmul.f32 v37, v37;
	v43 =	vsub.f32 v5, v44;
	v33 =	vadd.f32 v33, v35  }
.Ltmp0:
0x5d: {  	v35 =	vadd.f32 v34, v36;
	v36 =	vmul.f32 v41, v41;
	v41 =	vsub.f32 v5, v45;
	(pc) =	sbr.rel @p0 .LBB2_3-.Ltmp0, $4  }
0x5e: {  	v34 =	vadd.f32 v37, v47;
	v37 =	vmul.f32 v43, v43;
	v42 =	vsub.f32 v5, v42  }
0x5f: {  	v36 =	vadd.f32 v36, v39;
	v39 =	vmul.f32 v41, v41;
	v41 =	vsub.f32 v5, v38  }
0x60: {  	s12 =	sshra.s32 s13, $0x2;
	v9 =	vmin.f32 v9, v35;
	v37 =	vadd.f32 v37, v40;
	v40 =	vmul.f32 v42, v42  }
0x61: {  	s13 =	sadd.s32 $0x800, s13;
	v11 =	vmin.f32 v11, v34;
	v38 =	vld [tilespmem:s12+$0x70];
	v39 =	vadd.f32 v39, v48;
	v41 =	vmul.f32 v41, v41  }
0x62: {  	v42 =	vld [tilespmem:s12+$0xF0]  }
0x63: {  	v53 =	vld [tilespmem:s12+$0x0]  }
0x64: {  	v54 =	vld [tilespmem:s12+$0x170]  }
0x65: {  	v56 =	vld [tilespmem:s12+$0x80]  }
0x66: {  	v12 =	vmin.f32 v12, v36;
	v26 =	vmin.f32 v26, v37;
	v32 =	vadd.f32 v40, v32;
	v57 =	vld [tilespmem:s12+$0x10]  }
0x67: {  	v27 =	vmax.f32 v27, v35;
	v31 =	vmax.f32 v31, v34;
	v55 =	vmax.f32 v23, v36;
	v58 =	vld [tilespmem:s12+$0x90]  }
0x68: {  	v24 =	vmax.f32 v24, v37;
	v61 =	vld [tilespmem:s12+$0x20];
	v13 =	vmin.f32 v13, v8;
	v33 =	vadd.f32 v41, v33  }
0x69: {  	v63 =	vld [tilespmem:s12+$0xA0];
	v29 =	vmax.f32 v29, v39;
	v27 =	vmin.f32 v19, v27;
	v19 =	vmin.f32 v16, v55  }
0x6a: {  	v44 =	vld [tilespmem:s12+$0x30];
	v16 =	vmin.f32 v17, v24;
	v23 =	vmin.f32 v22, v32;
	v28 =	vmax.f32 v28, v32  }
0x6b: {  	v46 =	vld [tilespmem:s12+$0xB0];
	v22 =	vmin.f32 v18, v31;
	v17 =	vmin.f32 v15, v29;
	v59 =	vsub.f32 v7, v38  }
0x6c: {  	v48 =	vld [tilespmem:s12+$0x40];
	v21 =	vmin.f32 v21, v33;
	v60 =	vsub.f32 v6, v42;
	v62 =	vsub.f32 v7, v53  }
0x6d: {  	v49 =	vld [tilespmem:s12+$0xC0];
	v30 =	vmax.f32 v30, v33;
	v42 =	vsub.f32 v5, v54;
	v36 =	vsub.f32 v6, v56  }
0x6e: {  	v52 =	vld [tilespmem:s12+$0x50];
	v18 =	vmin.f32 v14, v28;
	v47 =	vsub.f32 v7, v57;
	v32 =	vsub.f32 v6, v58  }
0x6f: {  	v51 =	vsub.f32 v7, v61;
	v24 =	vsub.f32 v6, v63;
	v54 =	vld [tilespmem:s12+$0xD0];
	v33 =	vmul.f32 v59, v59  }
0x70: {  	v53 =	vsub.f32 v7, v44;
	v56 =	vld [tilespmem:s12+$0x60];
	v43 =	vmul.f32 v60, v60;
	v45 =	vmul.f32 v62, v62  }
0x71: {  	v58 =	vld [tilespmem:s12+$0xE0];
	v35 =	vsub.f32 v7, v48;
	v36 =	vmul.f32 v36, v36;
	v50 =	vmul.f32 v47, v47  }
0x72: {  	v14 =	vsub.f32 v6, v49;
	v61 =	vld [tilespmem:s12+$0x120];
	v32 =	vmul.f32 v32, v32;
	v55 =	vmul.f32 v51, v51  }
0x73: {  	v15 =	vsub.f32 v6, v46;
	v63 =	vld [tilespmem:s12+$0x130];
	v57 =	vmul.f32 v24, v24;
	v35 =	vmul.f32 v35, v35  }
0x74: {  	v46 =	vld [tilespmem:s12+$0x150];
	v14 =	vmul.f32 v14, v14;
	v33 =	vadd.f32 v43, v33;
	v36 =	vadd.f32 v36, v45  }
0x75: {  	v25 =	vmin.f32 v25, v39;
	v59 =	vld [tilespmem:s12+$0x100];
	v28 =	vadd.f32 v32, v50;
	v8 =	vadd.f32 v57, v55  }
0x76: {  	v34 =	vmul.f32 v42, v42;
	v60 =	vld [tilespmem:s12+$0x110];
	v14 =	vadd.f32 v14, v35;
	v62 =	vsub.f32 v6, v54  }
0x77: {  	v15 =	vmul.f32 v15, v15;
	v47 =	vld [tilespmem:s12+$0x160];
	v6 =	vsub.f32 v6, v58;
	v49 =	vsub.f32 v5, v61  }
0x78: {  	v42 =	vmin.f32 v10, v30;
	v37 =	vsub.f32 v5, v63;
	v31 =	vadd.f32 v34, v33  }
0x79: {  	v43 =	vld [tilespmem:s12+$0x140];
	v34 =	vmul.f32 v53, v53;
	v33 =	vsub.f32 v7, v52;
	v7 =	vsub.f32 v7, v56  }
0x7a: {  	v45 =	vsub.f32 v5, v59;
	v52 =	vsub.f32 v5, v46;
	v44 =	vmul.f32 v62, v62  }
0x7b: {  	v32 =	vsub.f32 v5, v60;
	v6 =	vmul.f32 v6, v6;
	v51 =	vmul.f32 v37, v37  }
0x7c: {  	v53 =	vsub.f32 v5, v47;
	v24 =	vmax.f32 v13, v31;
	v33 =	vmul.f32 v33, v33  }
0x7d: {  	v15 =	vadd.f32 v15, v34;
	v7 =	vmul.f32 v7, v7;
	v48 =	vmul.f32 v45, v45  }
0x7e: {  	v54 =	vmul.f32 v52, v52;
	v32 =	vmul.f32 v32, v32;
	v10 =	vsub.f32 v5, v43  }
0x7f: {  	v30 =	vadd.f32 v44, v33;
	v50 =	vadd.f32 v6, v7;
	v6 =	vmul.f32 v49, v49  }
0x80: {  	v13 =	vmin.f32 v13, v31;
	v7 =	vadd.f32 v48, v36;
	v15 =	vadd.f32 v51, v15  }
0x81: {  	v55 =	vmul.f32 v53, v53;
	v28 =	vadd.f32 v32, v28;
	v34 =	vadd.f32 v6, v8  }
0x82: {  	v6 =	vmul.f32 v10, v10;
	v5 =	vmin.f32 v9, v7;
	v30 =	vadd.f32 v54, v30  }
0x83: {  	v56 =	vmax.f32 v9, v7;
	v33 =	vadd.f32 v55, v50;
	v10 =	vmin.f32 v11, v28  }
0x84: {  	v28 =	vmax.f32 v11, v28;
	v14 =	vadd.f32 v6, v14;
	v8 =	vmin.f32 v12, v34  }
0x85: {  	v6 =	vmin.f32 v26, v15;
	vm15 =	vlt.f32 v10, $-Inf;
	vm0 =	vgt.f32 v10, $-Inf  }
0x86: {  	v34 =	vmax.f32 v12, v34;
	v9 =	vmin.f32 v23, v30;
	vm0 =	vmor vm0, vm15  }
0x87: {  	vm15 =	vlt.f32 v5, $-Inf;
	v57 =	vnsel vm0, $0x7F800000, v10;
	vm0 =	vgt.f32 v5, $-Inf  }
0x88: {  	v26 =	vmax.f32 v26, v15;
	vm0 =	vmor vm0, vm15;
	v58 =	vmin.f32 v5, v57  }
0x89: {  	vm15 =	vgt.f32 v8, $-Inf;
	v11 =	vsel vm0, v58, v57;
	vm0 =	vlt.f32 v8, $-Inf  }
0x8a: {  	v7 =	vmin.f32 v25, v14;
	vm0 =	vmor vm15, vm0;
	v12 =	vmin.f32 v11, v8  }
0x8b: {  	vm15 =	vgt.f32 v6, $-Inf;
	v12 =	vsel vm0, v12, v11;
	vm0 =	vlt.f32 v6, $-Inf  }
0x8c: {  	v25 =	vmax.f32 v25, v14;
	vm0 =	vmor vm15, vm0;
	v59 =	vmin.f32 v12, v6  }
0x8d: {  	vm15 =	vgt.f32 v7, $-Inf;
	v14 =	vsel vm0, v59, v12;
	vm0 =	vlt.f32 v7, $-Inf  }
0x8e: {  	v23 =	vmax.f32 v23, v30;
	vm0 =	vmor vm15, vm0;
	v60 =	vmin.f32 v14, v7  }
0x8f: {  	vm15 =	vgt.f32 v9, $-Inf;
	v14 =	vsel vm0, v60, v14;
	vm0 =	vlt.f32 v9, $-Inf  }
0x90: {  	v11 =	vmin.f32 v21, v33;
	vm0 =	vmor vm15, vm0;
	v15 =	vmin.f32 v14, v9  }
0x91: {  	vm15 =	vgt.f32 v11, $-Inf;
	v14 =	vsel vm0, v15, v14;
	vm0 =	vlt.f32 v11, $-Inf  }
0x92: {  	v16 =	vmin.f32 v16, v26;
	vm0 =	vmor vm15, vm0;
	v15 =	vmin.f32 v14, v11  }
0x93: {  	vm15 =	vgt.f32 v13, $-Inf;
	v14 =	vsel vm0, v15, v14;
	vm0 =	vlt.f32 v13, $-Inf  }
0x94: {  	v12 =	vmin.f32 v27, v56;
	vm0 =	vmor vm15, vm0;
	v15 =	vmin.f32 v14, v13  }
0x95: {  	vm15 =	vgt.f32 v12, $-Inf;
	v15 =	vsel vm0, v15, v14;
	vm0 =	vlt.f32 v12, $-Inf  }
0x96: {  	v14 =	vmin.f32 v22, v28;
	vm0 =	vmor vm15, vm0;
	v61 =	vmin.f32 v15, v12  }
0x97: {  	vm15 =	vgt.f32 v14, $-Inf;
	v22 =	vsel vm0, v61, v15;
	vm0 =	vlt.f32 v14, $-Inf  }
0x98: {  	v15 =	vmin.f32 v19, v34;
	vm0 =	vmor vm15, vm0;
	v62 =	vmin.f32 v22, v14  }
0x99: {  	vm15 =	vgt.f32 v15, $-Inf;
	v19 =	vsel vm0, v62, v22;
	vm0 =	vlt.f32 v15, $-Inf  }
0x9a: {  	v18 =	vmin.f32 v18, v23;
	vm0 =	vmor vm15, vm0;
	v22 =	vmin.f32 v19, v15  }
0x9b: {  	vm15 =	vgt.f32 v16, $-Inf;
	v19 =	vsel vm0, v22, v19;
	vm0 =	vlt.f32 v16, $-Inf  }
0x9c: {  	v17 =	vmin.f32 v17, v25;
	vm0 =	vmor vm15, vm0;
	v22 =	vmin.f32 v19, v16  }
0x9d: {  	vm15 =	vgt.f32 v17, $-Inf;
	v19 =	vsel vm0, v22, v19;
	vm0 =	vlt.f32 v17, $-Inf  }
0x9e: {  	v21 =	vmax.f32 v21, v33;
	vm0 =	vmor vm15, vm0;
	v22 =	vmin.f32 v19, v17  }
0x9f: {  	vm15 =	vgt.f32 v18, $-Inf;
	v22 =	vsel vm0, v22, v19;
	vm0 =	vlt.f32 v18, $-Inf  }
0xa0: {  	v63 =	vmin.f32 v42, v21;
	vm0 =	vmor vm15, vm0;
	v31 =	vmin.f32 v22, v18  }
0xa1: {  	vm15 =	vgt.f32 v63, $-Inf;
	v21 =	vsel vm0, v31, v22;
	vm0 =	vlt.f32 v63, $-Inf  }
0xa2: {  	v20 =	vmin.f32 v20, v24;
	vm0 =	vmor vm15, vm0;
	v22 =	vmin.f32 v21, v63  }
0xa3: {  	vm15 =	vgt.f32 v20, $-Inf;
	v21 =	vsel vm0, v22, v21;
	vm0 =	vlt.f32 v20, $-Inf  }
0xa4: {  	vm0 =	vmor vm15, vm0;
	v22 =	vmin.f32 v21, v20  }
0xa5: {  	v21 =	vsel vm0, v22, v21  }
0xa6: {  	v22 =	vperm.xlane v21, v0;
	_ =	sdelay $0x1  }
0xa7: {  	v21 =	vmin.f32 v21, v22  }
0xa8: {  	v22 =	vperm.xlane v21, v1;
	_ =	sdelay $0x1  }
0xa9: {  	v21 =	vmin.f32 v21, v22  }
0xaa: {  	v22 =	vperm.xlane v21, v2;
	_ =	sdelay $0x1  }
0xab: {  	v21 =	vmin.f32 v21, v22  }
0xac: {  	v22 =	vperm.xlane v21, v3;
	_ =	sdelay $0x1  }
0xad: {  	v21 =	vmin.f32 v21, v22  }
0xae: {  	vm0 =	vgt.f32 v10, v21  }
0xaf: {  	v32 =	vnsel vm0, $0x7F800000, v10  }
0xb0: {  	vm0 =	vgt.f32 v5, v21;
	v33 =	vmin.f32 v5, v32  }
0xb1: {  	v22 =	vsel vm0, v33, v32  }
0xb2: {  	vm0 =	vgt.f32 v8, v21;
	v23 =	vmin.f32 v22, v8  }
0xb3: {  	v22 =	vsel vm0, v23, v22  }
0xb4: {  	vm0 =	vgt.f32 v6, v21;
	v23 =	vmin.f32 v22, v6  }
0xb5: {  	v22 =	vsel vm0, v23, v22  }
0xb6: {  	vm0 =	vgt.f32 v7, v21;
	v23 =	vmin.f32 v22, v7  }
0xb7: {  	v22 =	vsel vm0, v23, v22  }
0xb8: {  	vm0 =	vgt.f32 v9, v21;
	v23 =	vmin.f32 v22, v9  }
0xb9: {  	v22 =	vsel vm0, v23, v22  }
0xba: {  	vm0 =	vgt.f32 v11, v21;
	v23 =	vmin.f32 v22, v11  }
0xbb: {  	v22 =	vsel vm0, v23, v22  }
0xbc: {  	vm0 =	vgt.f32 v13, v21;
	v23 =	vmin.f32 v22, v13  }
0xbd: {  	v22 =	vsel vm0, v23, v22  }
0xbe: {  	vm0 =	vgt.f32 v12, v21;
	v23 =	vmin.f32 v22, v12  }
0xbf: {  	v22 =	vsel vm0, v23, v22  }
0xc0: {  	vm0 =	vgt.f32 v14, v21;
	v23 =	vmin.f32 v22, v14  }
0xc1: {  	v22 =	vsel vm0, v23, v22  }
0xc2: {  	vm0 =	vgt.f32 v15, v21;
	v23 =	vmin.f32 v22, v15  }
0xc3: {  	v22 =	vsel vm0, v23, v22  }
0xc4: {  	vm0 =	vgt.f32 v16, v21;
	v23 =	vmin.f32 v22, v16  }
0xc5: {  	v22 =	vsel vm0, v23, v22  }
0xc6: {  	vm0 =	vgt.f32 v17, v21;
	v23 =	vmin.f32 v22, v17  }
0xc7: {  	v22 =	vsel vm0, v23, v22  }
0xc8: {  	vm0 =	vgt.f32 v18, v21;
	v23 =	vmin.f32 v22, v18  }
0xc9: {  	v22 =	vsel vm0, v23, v22  }
0xca: {  	vm0 =	vgt.f32 v63, v21;
	v23 =	vmin.f32 v22, v63  }
0xcb: {  	v22 =	vsel vm0, v23, v22  }
0xcc: {  	vm0 =	vgt.f32 v20, v21;
	v34 =	vmin.f32 v22, v20  }
0xcd: {  	v21 =	vsel vm0, v34, v22  }
0xce: {  	v22 =	vperm.xlane v21, v0;
	_ =	sdelay $0x1  }
0xcf: {  	v21 =	vmin.f32 v21, v22  }
0xd0: {  	v22 =	vperm.xlane v21, v1;
	_ =	sdelay $0x1  }
0xd1: {  	v21 =	vmin.f32 v21, v22  }
0xd2: {  	v22 =	vperm.xlane v21, v2;
	_ =	sdelay $0x1  }
0xd3: {  	v21 =	vmin.f32 v21, v22  }
0xd4: {  	v22 =	vperm.xlane v21, v3;
	_ =	sdelay $0x1  }
0xd5: {  	v21 =	vmin.f32 v21, v22  }
0xd6: {  	vm0 =	vgt.f32 v10, v21  }
0xd7: {  	v35 =	vnsel vm0, $0x7F800000, v10  }
0xd8: {  	vm0 =	vgt.f32 v5, v21;
	v36 =	vmin.f32 v5, v35  }
0xd9: {  	v22 =	vsel vm0, v36, v35  }
0xda: {  	vm0 =	vgt.f32 v8, v21;
	v23 =	vmin.f32 v22, v8  }
0xdb: {  	v22 =	vsel vm0, v23, v22  }
0xdc: {  	vm0 =	vgt.f32 v6, v21;
	v23 =	vmin.f32 v22, v6  }
0xdd: {  	v22 =	vsel vm0, v23, v22  }
0xde: {  	vm0 =	vgt.f32 v7, v21;
	v23 =	vmin.f32 v22, v7  }
0xdf: {  	v22 =	vsel vm0, v23, v22  }
0xe0: {  	vm0 =	vgt.f32 v9, v21;
	v23 =	vmin.f32 v22, v9  }
0xe1: {  	v22 =	vsel vm0, v23, v22  }
0xe2: {  	vm0 =	vgt.f32 v11, v21;
	v23 =	vmin.f32 v22, v11  }
0xe3: {  	v22 =	vsel vm0, v23, v22  }
0xe4: {  	vm0 =	vgt.f32 v13, v21;
	v23 =	vmin.f32 v22, v13  }
0xe5: {  	v22 =	vsel vm0, v23, v22  }
0xe6: {  	vm0 =	vgt.f32 v12, v21;
	v23 =	vmin.f32 v22, v12  }
0xe7: {  	v22 =	vsel vm0, v23, v22  }
0xe8: {  	vm0 =	vgt.f32 v14, v21;
	v23 =	vmin.f32 v22, v14  }
0xe9: {  	v22 =	vsel vm0, v23, v22  }
0xea: {  	vm0 =	vgt.f32 v15, v21;
	v23 =	vmin.f32 v22, v15  }
0xeb: {  	v22 =	vsel vm0, v23, v22  }
0xec: {  	vm0 =	vgt.f32 v16, v21;
	v23 =	vmin.f32 v22, v16  }
0xed: {  	v22 =	vsel vm0, v23, v22  }
0xee: {  	vm0 =	vgt.f32 v17, v21;
	v23 =	vmin.f32 v22, v17  }
0xef: {  	v22 =	vsel vm0, v23, v22  }
0xf0: {  	vm0 =	vgt.f32 v18, v21;
	v23 =	vmin.f32 v22, v18  }
0xf1: {  	v22 =	vsel vm0, v23, v22  }
0xf2: {  	vm0 =	vgt.f32 v63, v21;
	v23 =	vmin.f32 v22, v63  }
0xf3: {  	v22 =	vsel vm0, v23, v22  }
0xf4: {  	vm0 =	vgt.f32 v20, v21;
	v23 =	vmin.f32 v22, v20  }
0xf5: {  	v22 =	vsel vm0, v23, v22  }
0xf6: {  	v23 =	vperm.xlane v22, v0;
	_ =	sdelay $0x1  }
0xf7: {  	v22 =	vmin.f32 v22, v23  }
0xf8: {  	v23 =	vperm.xlane v22, v1;
	_ =	sdelay $0x1  }
0xf9: {  	v22 =	vmin.f32 v22, v23  }
0xfa: {  	v23 =	vperm.xlane v22, v2;
	_ =	sdelay $0x1  }
0xfb: {  	v22 =	vmin.f32 v22, v23  }
0xfc: {  	v23 =	vperm.xlane v22, v3;
	_ =	sdelay $0x1  }
0xfd: {  	v22 =	vmin.f32 v22, v23  }
0xfe: {  	vm0 =	vgt.f32 v10, v22  }
0xff: {  	v37 =	vnsel vm0, $0x7F800000, v10  }
0x100: {  	vm0 =	vgt.f32 v5, v22;
	v38 =	vmin.f32 v5, v37  }
0x101: {  	v23 =	vsel vm0, v38, v37  }
0x102: {  	vm0 =	vgt.f32 v8, v22;
	v24 =	vmin.f32 v23, v8  }
0x103: {  	v23 =	vsel vm0, v24, v23  }
0x104: {  	vm0 =	vgt.f32 v6, v22;
	v24 =	vmin.f32 v23, v6  }
0x105: {  	v23 =	vsel vm0, v24, v23  }
0x106: {  	vm0 =	vgt.f32 v7, v22;
	v24 =	vmin.f32 v23, v7  }
0x107: {  	v23 =	vsel vm0, v24, v23  }
0x108: {  	vm0 =	vgt.f32 v9, v22;
	v24 =	vmin.f32 v23, v9  }
0x109: {  	v23 =	vsel vm0, v24, v23  }
0x10a: {  	vm0 =	vgt.f32 v11, v22;
	v24 =	vmin.f32 v23, v11  }
0x10b: {  	v23 =	vsel vm0, v24, v23  }
0x10c: {  	vm0 =	vgt.f32 v13, v22;
	v24 =	vmin.f32 v23, v13  }
0x10d: {  	v23 =	vsel vm0, v24, v23  }
0x10e: {  	vm0 =	vgt.f32 v12, v22;
	v24 =	vmin.f32 v23, v12  }
0x10f: {  	v23 =	vsel vm0, v24, v23  }
0x110: {  	vm0 =	vgt.f32 v14, v22;
	v24 =	vmin.f32 v23, v14  }
0x111: {  	v23 =	vsel vm0, v24, v23  }
0x112: {  	vm0 =	vgt.f32 v15, v22;
	v24 =	vmin.f32 v23, v15  }
0x113: {  	v23 =	vsel vm0, v24, v23  }
0x114: {  	vm0 =	vgt.f32 v16, v22;
	v24 =	vmin.f32 v23, v16  }
0x115: {  	v23 =	vsel vm0, v24, v23  }
0x116: {  	vm0 =	vgt.f32 v17, v22;
	v24 =	vmin.f32 v23, v17  }
0x117: {  	v23 =	vsel vm0, v24, v23  }
0x118: {  	vm0 =	vgt.f32 v18, v22;
	v24 =	vmin.f32 v23, v18  }
0x119: {  	v23 =	vsel vm0, v24, v23  }
0x11a: {  	vm0 =	vgt.f32 v63, v22;
	v24 =	vmin.f32 v23, v63  }
0x11b: {  	v23 =	vsel vm0, v24, v23  }
0x11c: {  	vm0 =	vgt.f32 v20, v22;
	v24 =	vmin.f32 v23, v20  }
0x11d: {  	v23 =	vsel vm0, v24, v23  }
0x11e: {  	v24 =	vperm.xlane v23, v0;
	_ =	sdelay $0x1  }
0x11f: {  	v23 =	vmin.f32 v23, v24  }
0x120: {  	v24 =	vperm.xlane v23, v1;
	_ =	sdelay $0x1  }
0x121: {  	v23 =	vmin.f32 v23, v24  }
0x122: {  	v24 =	vperm.xlane v23, v2;
	_ =	sdelay $0x1  }
0x123: {  	v23 =	vmin.f32 v23, v24  }
0x124: {  	v24 =	vperm.xlane v23, v3;
	_ =	sdelay $0x1  }
0x125: {  	v23 =	vmin.f32 v23, v24  }
0x126: {  	vm0 =	vgt.f32 v10, v23  }
0x127: {  	v39 =	vnsel vm0, $0x7F800000, v10  }
0x128: {  	vm0 =	vgt.f32 v5, v23;
	v40 =	vmin.f32 v5, v39  }
0x129: {  	v24 =	vsel vm0, v40, v39  }
0x12a: {  	vm0 =	vgt.f32 v8, v23;
	v25 =	vmin.f32 v24, v8  }
0x12b: {  	v24 =	vsel vm0, v25, v24  }
0x12c: {  	vm0 =	vgt.f32 v6, v23;
	v25 =	vmin.f32 v24, v6  }
0x12d: {  	v24 =	vsel vm0, v25, v24  }
0x12e: {  	vm0 =	vgt.f32 v7, v23;
	v25 =	vmin.f32 v24, v7  }
0x12f: {  	v24 =	vsel vm0, v25, v24  }
0x130: {  	vm0 =	vgt.f32 v9, v23;
	v25 =	vmin.f32 v24, v9  }
0x131: {  	v24 =	vsel vm0, v25, v24  }
0x132: {  	vm0 =	vgt.f32 v11, v23;
	v25 =	vmin.f32 v24, v11  }
0x133: {  	v24 =	vsel vm0, v25, v24  }
0x134: {  	vm0 =	vgt.f32 v13, v23;
	v25 =	vmin.f32 v24, v13  }
0x135: {  	v24 =	vsel vm0, v25, v24  }
0x136: {  	vm0 =	vgt.f32 v12, v23;
	v25 =	vmin.f32 v24, v12  }
0x137: {  	v24 =	vsel vm0, v25, v24  }
0x138: {  	vm0 =	vgt.f32 v14, v23;
	v25 =	vmin.f32 v24, v14  }
0x139: {  	v24 =	vsel vm0, v25, v24  }
0x13a: {  	vm0 =	vgt.f32 v15, v23;
	v25 =	vmin.f32 v24, v15  }
0x13b: {  	v24 =	vsel vm0, v25, v24  }
0x13c: {  	vm0 =	vgt.f32 v16, v23;
	v25 =	vmin.f32 v24, v16  }
0x13d: {  	v24 =	vsel vm0, v25, v24  }
0x13e: {  	vm0 =	vgt.f32 v17, v23;
	v25 =	vmin.f32 v24, v17  }
0x13f: {  	v24 =	vsel vm0, v25, v24  }
0x140: {  	vm0 =	vgt.f32 v18, v23;
	v25 =	vmin.f32 v24, v18  }
0x141: {  	v24 =	vsel vm0, v25, v24  }
0x142: {  	vm0 =	vgt.f32 v63, v23;
	v25 =	vmin.f32 v24, v63  }
0x143: {  	v24 =	vsel vm0, v25, v24  }
0x144: {  	vm0 =	vgt.f32 v20, v23;
	v25 =	vmin.f32 v24, v20  }
0x145: {  	v24 =	vsel vm0, v25, v24  }
0x146: {  	v25 =	vperm.xlane v24, v0;
	_ =	sdelay $0x1  }
0x147: {  	v24 =	vmin.f32 v24, v25  }
0x148: {  	v25 =	vperm.xlane v24, v1;
	_ =	sdelay $0x1  }
0x149: {  	v24 =	vmin.f32 v24, v25  }
0x14a: {  	v25 =	vperm.xlane v24, v2;
	_ =	sdelay $0x1  }
0x14b: {  	v24 =	vmin.f32 v24, v25  }
0x14c: {  	v25 =	vperm.xlane v24, v3;
	_ =	sdelay $0x1  }
0x14d: {  	v24 =	vmin.f32 v24, v25  }
0x14e: {  	vm0 =	vgt.f32 v10, v24  }
0x14f: {  	v41 =	vnsel vm0, $0x7F800000, v10  }
0x150: {  	vm0 =	vgt.f32 v5, v24;
	v42 =	vmin.f32 v5, v41  }
0x151: {  	v25 =	vsel vm0, v42, v41  }
0x152: {  	vm0 =	vgt.f32 v8, v24;
	v26 =	vmin.f32 v25, v8  }
0x153: {  	v25 =	vsel vm0, v26, v25  }
0x154: {  	vm0 =	vgt.f32 v6, v24;
	v26 =	vmin.f32 v25, v6  }
0x155: {  	v25 =	vsel vm0, v26, v25  }
0x156: {  	vm0 =	vgt.f32 v7, v24;
	v26 =	vmin.f32 v25, v7  }
0x157: {  	v25 =	vsel vm0, v26, v25  }
0x158: {  	vm0 =	vgt.f32 v9, v24;
	v26 =	vmin.f32 v25, v9  }
0x159: {  	v25 =	vsel vm0, v26, v25  }
0x15a: {  	vm0 =	vgt.f32 v11, v24;
	v26 =	vmin.f32 v25, v11  }
0x15b: {  	v25 =	vsel vm0, v26, v25  }
0x15c: {  	vm0 =	vgt.f32 v13, v24;
	v26 =	vmin.f32 v25, v13  }
0x15d: {  	v25 =	vsel vm0, v26, v25  }
0x15e: {  	vm0 =	vgt.f32 v12, v24;
	v26 =	vmin.f32 v25, v12  }
0x15f: {  	v25 =	vsel vm0, v26, v25  }
0x160: {  	vm0 =	vgt.f32 v14, v24;
	v26 =	vmin.f32 v25, v14  }
0x161: {  	v25 =	vsel vm0, v26, v25  }
0x162: {  	vm0 =	vgt.f32 v15, v24;
	v26 =	vmin.f32 v25, v15  }
0x163: {  	v25 =	vsel vm0, v26, v25  }
0x164: {  	vm0 =	vgt.f32 v16, v24;
	v26 =	vmin.f32 v25, v16  }
0x165: {  	v25 =	vsel vm0, v26, v25  }
0x166: {  	vm0 =	vgt.f32 v17, v24;
	v26 =	vmin.f32 v25, v17  }
0x167: {  	v25 =	vsel vm0, v26, v25  }
0x168: {  	vm0 =	vgt.f32 v18, v24;
	v26 =	vmin.f32 v25, v18  }
0x169: {  	v25 =	vsel vm0, v26, v25  }
0x16a: {  	vm0 =	vgt.f32 v63, v24;
	v26 =	vmin.f32 v25, v63  }
0x16b: {  	v25 =	vsel vm0, v26, v25  }
0x16c: {  	vm0 =	vgt.f32 v20, v24;
	v26 =	vmin.f32 v25, v20  }
0x16d: {  	v25 =	vsel vm0, v26, v25  }
0x16e: {  	v26 =	vperm.xlane v25, v0;
	_ =	sdelay $0x1  }
0x16f: {  	v25 =	vmin.f32 v25, v26  }
0x170: {  	v26 =	vperm.xlane v25, v1;
	_ =	sdelay $0x1  }
0x171: {  	v25 =	vmin.f32 v25, v26  }
0x172: {  	v26 =	vperm.xlane v25, v2;
	_ =	sdelay $0x1  }
0x173: {  	v25 =	vmin.f32 v25, v26  }
0x174: {  	v26 =	vperm.xlane v25, v3;
	_ =	sdelay $0x1  }
0x175: {  	v25 =	vmin.f32 v25, v26  }
0x176: {  	vm0 =	vgt.f32 v10, v25  }
0x177: {  	v43 =	vnsel vm0, $0x7F800000, v10  }
0x178: {  	vm0 =	vgt.f32 v5, v25;
	v44 =	vmin.f32 v5, v43  }
0x179: {  	v26 =	vsel vm0, v44, v43  }
0x17a: {  	vm0 =	vgt.f32 v8, v25;
	v27 =	vmin.f32 v26, v8  }
0x17b: {  	v26 =	vsel vm0, v27, v26  }
0x17c: {  	vm0 =	vgt.f32 v6, v25;
	v27 =	vmin.f32 v26, v6  }
0x17d: {  	v26 =	vsel vm0, v27, v26  }
0x17e: {  	vm0 =	vgt.f32 v7, v25;
	v27 =	vmin.f32 v26, v7  }
0x17f: {  	v26 =	vsel vm0, v27, v26  }
0x180: {  	vm0 =	vgt.f32 v9, v25;
	v27 =	vmin.f32 v26, v9  }
0x181: {  	v26 =	vsel vm0, v27, v26  }
0x182: {  	vm0 =	vgt.f32 v11, v25;
	v27 =	vmin.f32 v26, v11  }
0x183: {  	v26 =	vsel vm0, v27, v26  }
0x184: {  	vm0 =	vgt.f32 v13, v25;
	v27 =	vmin.f32 v26, v13  }
0x185: {  	v26 =	vsel vm0, v27, v26  }
0x186: {  	vm0 =	vgt.f32 v12, v25;
	v27 =	vmin.f32 v26, v12  }
0x187: {  	v26 =	vsel vm0, v27, v26  }
0x188: {  	vm0 =	vgt.f32 v14, v25;
	v27 =	vmin.f32 v26, v14  }
0x189: {  	v26 =	vsel vm0, v27, v26  }
0x18a: {  	vm0 =	vgt.f32 v15, v25;
	v27 =	vmin.f32 v26, v15  }
0x18b: {  	v26 =	vsel vm0, v27, v26  }
0x18c: {  	vm0 =	vgt.f32 v16, v25;
	v27 =	vmin.f32 v26, v16  }
0x18d: {  	v26 =	vsel vm0, v27, v26  }
0x18e: {  	vm0 =	vgt.f32 v17, v25;
	v27 =	vmin.f32 v26, v17  }
0x18f: {  	v26 =	vsel vm0, v27, v26  }
0x190: {  	vm0 =	vgt.f32 v18, v25;
	v27 =	vmin.f32 v26, v18  }
0x191: {  	v26 =	vsel vm0, v27, v26  }
0x192: {  	vm0 =	vgt.f32 v63, v25;
	v27 =	vmin.f32 v26, v63  }
0x193: {  	v26 =	vsel vm0, v27, v26  }
0x194: {  	vm0 =	vgt.f32 v20, v25;
	v27 =	vmin.f32 v26, v20  }
0x195: {  	v26 =	vsel vm0, v27, v26  }
0x196: {  	v27 =	vperm.xlane v26, v0;
	_ =	sdelay $0x1  }
0x197: {  	v26 =	vmin.f32 v26, v27  }
0x198: {  	v27 =	vperm.xlane v26, v1;
	_ =	sdelay $0x1  }
0x199: {  	v26 =	vmin.f32 v26, v27  }
0x19a: {  	v27 =	vperm.xlane v26, v2;
	_ =	sdelay $0x1  }
0x19b: {  	v26 =	vmin.f32 v26, v27  }
0x19c: {  	v27 =	vperm.xlane v26, v3;
	_ =	sdelay $0x1  }
0x19d: {  	v26 =	vmin.f32 v26, v27  }
0x19e: {  	vm0 =	vgt.f32 v10, v26  }
0x19f: {  	v45 =	vnsel vm0, $0x7F800000, v10  }
0x1a0: {  	vm0 =	vgt.f32 v5, v26;
	v46 =	vmin.f32 v5, v45  }
0x1a1: {  	v27 =	vsel vm0, v46, v45  }
0x1a2: {  	vm0 =	vgt.f32 v8, v26;
	v28 =	vmin.f32 v27, v8  }
0x1a3: {  	v27 =	vsel vm0, v28, v27  }
0x1a4: {  	vm0 =	vgt.f32 v6, v26;
	v28 =	vmin.f32 v27, v6  }
0x1a5: {  	v27 =	vsel vm0, v28, v27  }
0x1a6: {  	vm0 =	vgt.f32 v7, v26;
	v28 =	vmin.f32 v27, v7  }
0x1a7: {  	v27 =	vsel vm0, v28, v27  }
0x1a8: {  	vm0 =	vgt.f32 v9, v26;
	v28 =	vmin.f32 v27, v9  }
0x1a9: {  	v27 =	vsel vm0, v28, v27  }
0x1aa: {  	vm0 =	vgt.f32 v11, v26;
	v28 =	vmin.f32 v27, v11  }
0x1ab: {  	v27 =	vsel vm0, v28, v27  }
0x1ac: {  	vm0 =	vgt.f32 v13, v26;
	v28 =	vmin.f32 v27, v13  }
0x1ad: {  	v27 =	vsel vm0, v28, v27  }
0x1ae: {  	vm0 =	vgt.f32 v12, v26;
	v28 =	vmin.f32 v27, v12  }
0x1af: {  	v27 =	vsel vm0, v28, v27  }
0x1b0: {  	vm0 =	vgt.f32 v14, v26;
	v28 =	vmin.f32 v27, v14  }
0x1b1: {  	v27 =	vsel vm0, v28, v27  }
0x1b2: {  	vm0 =	vgt.f32 v15, v26;
	v28 =	vmin.f32 v27, v15  }
0x1b3: {  	v27 =	vsel vm0, v28, v27  }
0x1b4: {  	vm0 =	vgt.f32 v16, v26;
	v28 =	vmin.f32 v27, v16  }
0x1b5: {  	v27 =	vsel vm0, v28, v27  }
0x1b6: {  	vm0 =	vgt.f32 v17, v26;
	v28 =	vmin.f32 v27, v17  }
0x1b7: {  	v27 =	vsel vm0, v28, v27  }
0x1b8: {  	vm0 =	vgt.f32 v18, v26;
	v28 =	vmin.f32 v27, v18  }
0x1b9: {  	v27 =	vsel vm0, v28, v27  }
0x1ba: {  	vm0 =	vgt.f32 v63, v26;
	v28 =	vmin.f32 v27, v63  }
0x1bb: {  	v27 =	vsel vm0, v28, v27  }
0x1bc: {  	vm0 =	vgt.f32 v20, v26;
	v28 =	vmin.f32 v27, v20  }
0x1bd: {  	v27 =	vsel vm0, v28, v27  }
0x1be: {  	v28 =	vperm.xlane v27, v0;
	_ =	sdelay $0x1  }
0x1bf: {  	v27 =	vmin.f32 v27, v28  }
0x1c0: {  	v28 =	vperm.xlane v27, v1;
	_ =	sdelay $0x1  }
0x1c1: {  	v27 =	vmin.f32 v27, v28  }
0x1c2: {  	v28 =	vperm.xlane v27, v2;
	_ =	sdelay $0x1  }
0x1c3: {  	v27 =	vmin.f32 v27, v28  }
0x1c4: {  	v28 =	vperm.xlane v27, v3;
	_ =	sdelay $0x1  }
0x1c5: {  	v27 =	vmin.f32 v27, v28  }
0x1c6: {  	vm0 =	vgt.f32 v10, v27  }
0x1c7: {  	v47 =	vnsel vm0, $0x7F800000, v10  }
0x1c8: {  	vm0 =	vgt.f32 v5, v27;
	v48 =	vmin.f32 v5, v47  }
0x1c9: {  	v28 =	vsel vm0, v48, v47  }
0x1ca: {  	vm0 =	vgt.f32 v8, v27;
	v29 =	vmin.f32 v28, v8  }
0x1cb: {  	v28 =	vsel vm0, v29, v28  }
0x1cc: {  	vm0 =	vgt.f32 v6, v27;
	v29 =	vmin.f32 v28, v6  }
0x1cd: {  	v28 =	vsel vm0, v29, v28  }
0x1ce: {  	vm0 =	vgt.f32 v7, v27;
	v29 =	vmin.f32 v28, v7  }
0x1cf: {  	v28 =	vsel vm0, v29, v28  }
0x1d0: {  	vm0 =	vgt.f32 v9, v27;
	v29 =	vmin.f32 v28, v9  }
0x1d1: {  	v28 =	vsel vm0, v29, v28  }
0x1d2: {  	vm0 =	vgt.f32 v11, v27;
	v29 =	vmin.f32 v28, v11  }
0x1d3: {  	v28 =	vsel vm0, v29, v28  }
0x1d4: {  	vm0 =	vgt.f32 v13, v27;
	v29 =	vmin.f32 v28, v13  }
0x1d5: {  	v28 =	vsel vm0, v29, v28  }
0x1d6: {  	vm0 =	vgt.f32 v12, v27;
	v29 =	vmin.f32 v28, v12  }
0x1d7: {  	v28 =	vsel vm0, v29, v28  }
0x1d8: {  	vm0 =	vgt.f32 v14, v27;
	v29 =	vmin.f32 v28, v14  }
0x1d9: {  	v28 =	vsel vm0, v29, v28  }
0x1da: {  	vm0 =	vgt.f32 v15, v27;
	v29 =	vmin.f32 v28, v15  }
0x1db: {  	v28 =	vsel vm0, v29, v28  }
0x1dc: {  	vm0 =	vgt.f32 v16, v27;
	v29 =	vmin.f32 v28, v16  }
0x1dd: {  	v28 =	vsel vm0, v29, v28  }
0x1de: {  	vm0 =	vgt.f32 v17, v27;
	v29 =	vmin.f32 v28, v17  }
0x1df: {  	v28 =	vsel vm0, v29, v28  }
0x1e0: {  	vm0 =	vgt.f32 v18, v27;
	v29 =	vmin.f32 v28, v18  }
0x1e1: {  	v28 =	vsel vm0, v29, v28  }
0x1e2: {  	vm0 =	vgt.f32 v63, v27;
	v29 =	vmin.f32 v28, v63  }
0x1e3: {  	v28 =	vsel vm0, v29, v28  }
0x1e4: {  	vm0 =	vgt.f32 v20, v27;
	v29 =	vmin.f32 v28, v20  }
0x1e5: {  	v28 =	vsel vm0, v29, v28  }
0x1e6: {  	v29 =	vperm.xlane v28, v0;
	_ =	sdelay $0x1  }
0x1e7: {  	v28 =	vmin.f32 v28, v29  }
0x1e8: {  	v29 =	vperm.xlane v28, v1;
	_ =	sdelay $0x1  }
0x1e9: {  	v28 =	vmin.f32 v28, v29  }
0x1ea: {  	v29 =	vperm.xlane v28, v2;
	_ =	sdelay $0x1  }
0x1eb: {  	v28 =	vmin.f32 v28, v29  }
0x1ec: {  	v29 =	vperm.xlane v28, v3;
	_ =	sdelay $0x1  }
0x1ed: {  	v28 =	vmin.f32 v28, v29  }
0x1ee: {  	vm0 =	vgt.f32 v10, v28  }
0x1ef: {  	v49 =	vnsel vm0, $0x7F800000, v10  }
0x1f0: {  	vm0 =	vgt.f32 v5, v28;
	v50 =	vmin.f32 v5, v49  }
0x1f1: {  	v29 =	vsel vm0, v50, v49  }
0x1f2: {  	vm0 =	vgt.f32 v8, v28;
	v30 =	vmin.f32 v29, v8  }
0x1f3: {  	v29 =	vsel vm0, v30, v29  }
0x1f4: {  	vm0 =	vgt.f32 v6, v28;
	v30 =	vmin.f32 v29, v6  }
0x1f5: {  	v29 =	vsel vm0, v30, v29  }
0x1f6: {  	vm0 =	vgt.f32 v7, v28;
	v30 =	vmin.f32 v29, v7  }
0x1f7: {  	v29 =	vsel vm0, v30, v29  }
0x1f8: {  	vm0 =	vgt.f32 v9, v28;
	v30 =	vmin.f32 v29, v9  }
0x1f9: {  	v29 =	vsel vm0, v30, v29  }
0x1fa: {  	vm0 =	vgt.f32 v11, v28;
	v30 =	vmin.f32 v29, v11  }
0x1fb: {  	v29 =	vsel vm0, v30, v29  }
0x1fc: {  	vm0 =	vgt.f32 v13, v28;
	v30 =	vmin.f32 v29, v13  }
0x1fd: {  	v29 =	vsel vm0, v30, v29  }
0x1fe: {  	vm0 =	vgt.f32 v12, v28;
	v30 =	vmin.f32 v29, v12  }
0x1ff: {  	v29 =	vsel vm0, v30, v29  }
0x200: {  	vm0 =	vgt.f32 v14, v28;
	v30 =	vmin.f32 v29, v14  }
0x201: {  	v29 =	vsel vm0, v30, v29  }
0x202: {  	vm0 =	vgt.f32 v15, v28;
	v30 =	vmin.f32 v29, v15  }
0x203: {  	v29 =	vsel vm0, v30, v29  }
0x204: {  	vm0 =	vgt.f32 v16, v28;
	v30 =	vmin.f32 v29, v16  }
0x205: {  	v29 =	vsel vm0, v30, v29  }
0x206: {  	vm0 =	vgt.f32 v17, v28;
	v30 =	vmin.f32 v29, v17  }
0x207: {  	v29 =	vsel vm0, v30, v29  }
0x208: {  	vm0 =	vgt.f32 v18, v28;
	v30 =	vmin.f32 v29, v18  }
0x209: {  	v29 =	vsel vm0, v30, v29  }
0x20a: {  	vm0 =	vgt.f32 v63, v28;
	v30 =	vmin.f32 v29, v63  }
0x20b: {  	v29 =	vsel vm0, v30, v29  }
0x20c: {  	vm0 =	vgt.f32 v20, v28;
	v30 =	vmin.f32 v29, v20  }
0x20d: {  	v29 =	vsel vm0, v30, v29  }
0x20e: {  	v30 =	vperm.xlane v29, v0;
	_ =	sdelay $0x1  }
0x20f: {  	v29 =	vmin.f32 v29, v30  }
0x210: {  	v30 =	vperm.xlane v29, v1;
	_ =	sdelay $0x1  }
0x211: {  	v29 =	vmin.f32 v29, v30  }
0x212: {  	v30 =	vperm.xlane v29, v2;
	_ =	sdelay $0x1  }
0x213: {  	v29 =	vmin.f32 v29, v30  }
0x214: {  	v30 =	vperm.xlane v29, v3;
	_ =	sdelay $0x1  }
0x215: {  	v29 =	vmin.f32 v29, v30  }
0x216: {  	vm0 =	vgt.f32 v10, v29  }
0x217: {  	v51 =	vnsel vm0, $0x7F800000, v10  }
0x218: {  	vm0 =	vgt.f32 v5, v29;
	v52 =	vmin.f32 v5, v51  }
0x219: {  	v30 =	vsel vm0, v52, v51  }
0x21a: {  	vm0 =	vgt.f32 v8, v29;
	v31 =	vmin.f32 v30, v8  }
0x21b: {  	v30 =	vsel vm0, v31, v30  }
0x21c: {  	vm0 =	vgt.f32 v6, v29;
	v31 =	vmin.f32 v30, v6  }
0x21d: {  	v30 =	vsel vm0, v31, v30  }
0x21e: {  	vm0 =	vgt.f32 v7, v29;
	v31 =	vmin.f32 v30, v7  }
0x21f: {  	v30 =	vsel vm0, v31, v30  }
0x220: {  	vm0 =	vgt.f32 v9, v29;
	v31 =	vmin.f32 v30, v9  }
0x221: {  	v30 =	vsel vm0, v31, v30  }
0x222: {  	vm0 =	vgt.f32 v11, v29;
	v31 =	vmin.f32 v30, v11  }
0x223: {  	v30 =	vsel vm0, v31, v30  }
0x224: {  	vm0 =	vgt.f32 v13, v29;
	v31 =	vmin.f32 v30, v13  }
0x225: {  	v30 =	vsel vm0, v31, v30  }
0x226: {  	vm0 =	vgt.f32 v12, v29;
	v31 =	vmin.f32 v30, v12  }
0x227: {  	v30 =	vsel vm0, v31, v30  }
0x228: {  	vm0 =	vgt.f32 v14, v29;
	v31 =	vmin.f32 v30, v14  }
0x229: {  	v30 =	vsel vm0, v31, v30  }
0x22a: {  	vm0 =	vgt.f32 v15, v29;
	v31 =	vmin.f32 v30, v15  }
0x22b: {  	v30 =	vsel vm0, v31, v30  }
0x22c: {  	vm0 =	vgt.f32 v16, v29;
	v31 =	vmin.f32 v30, v16  }
0x22d: {  	v30 =	vsel vm0, v31, v30  }
0x22e: {  	vm0 =	vgt.f32 v17, v29;
	v31 =	vmin.f32 v30, v17  }
0x22f: {  	v30 =	vsel vm0, v31, v30  }
0x230: {  	vm0 =	vgt.f32 v18, v29;
	v31 =	vmin.f32 v30, v18  }
0x231: {  	v30 =	vsel vm0, v31, v30  }
0x232: {  	vm0 =	vgt.f32 v63, v29;
	v31 =	vmin.f32 v30, v63  }
0x233: {  	v30 =	vsel vm0, v31, v30  }
0x234: {  	vm0 =	vgt.f32 v20, v29;
	v31 =	vmin.f32 v30, v20  }
0x235: {  	v30 =	vsel vm0, v31, v30  }
0x236: {  	v31 =	vperm.xlane v30, v0;
	_ =	sdelay $0x1  }
0x237: {  	v30 =	vmin.f32 v30, v31  }
0x238: {  	v31 =	vperm.xlane v30, v1;
	_ =	sdelay $0x1  }
0x239: {  	v30 =	vmin.f32 v30, v31  }
0x23a: {  	v31 =	vperm.xlane v30, v2;
	_ =	sdelay $0x1  }
0x23b: {  	v30 =	vmin.f32 v30, v31  }
0x23c: {  	v31 =	vperm.xlane v30, v3;
	_ =	sdelay $0x1  }
0x23d: {  	v30 =	vmin.f32 v30, v31  }
0x23e: {  	vm0 =	vgt.f32 v10, v30  }
0x23f: {  	v53 =	vnsel vm0, $0x7F800000, v10  }
0x240: {  	vm0 =	vgt.f32 v5, v30;
	v54 =	vmin.f32 v5, v53  }
0x241: {  	v31 =	vsel vm0, v54, v53  }
0x242: {  	vm0 =	vgt.f32 v8, v30;
	v32 =	vmin.f32 v31, v8  }
0x243: {  	v31 =	vsel vm0, v32, v31  }
0x244: {  	vm0 =	vgt.f32 v6, v30;
	v32 =	vmin.f32 v31, v6  }
0x245: {  	v31 =	vsel vm0, v32, v31  }
0x246: {  	vm0 =	vgt.f32 v7, v30;
	v32 =	vmin.f32 v31, v7  }
0x247: {  	v31 =	vsel vm0, v32, v31  }
0x248: {  	vm0 =	vgt.f32 v9, v30;
	v32 =	vmin.f32 v31, v9  }
0x249: {  	v31 =	vsel vm0, v32, v31  }
0x24a: {  	vm0 =	vgt.f32 v11, v30;
	v32 =	vmin.f32 v31, v11  }
0x24b: {  	v31 =	vsel vm0, v32, v31  }
0x24c: {  	vm0 =	vgt.f32 v13, v30;
	v32 =	vmin.f32 v31, v13  }
0x24d: {  	v31 =	vsel vm0, v32, v31  }
0x24e: {  	vm0 =	vgt.f32 v12, v30;
	v32 =	vmin.f32 v31, v12  }
0x24f: {  	v31 =	vsel vm0, v32, v31  }
0x250: {  	vm0 =	vgt.f32 v14, v30;
	v32 =	vmin.f32 v31, v14  }
0x251: {  	v31 =	vsel vm0, v32, v31  }
0x252: {  	vm0 =	vgt.f32 v15, v30;
	v32 =	vmin.f32 v31, v15  }
0x253: {  	v31 =	vsel vm0, v32, v31  }
0x254: {  	vm0 =	vgt.f32 v16, v30;
	v32 =	vmin.f32 v31, v16  }
0x255: {  	v31 =	vsel vm0, v32, v31  }
0x256: {  	vm0 =	vgt.f32 v17, v30;
	v32 =	vmin.f32 v31, v17  }
0x257: {  	v31 =	vsel vm0, v32, v31  }
0x258: {  	vm0 =	vgt.f32 v18, v30;
	v32 =	vmin.f32 v31, v18  }
0x259: {  	v31 =	vsel vm0, v32, v31  }
0x25a: {  	vm0 =	vgt.f32 v63, v30;
	v32 =	vmin.f32 v31, v63  }
0x25b: {  	v31 =	vsel vm0, v32, v31  }
0x25c: {  	vm0 =	vgt.f32 v20, v30;
	v32 =	vmin.f32 v31, v20  }
0x25d: {  	v31 =	vsel vm0, v32, v31  }
0x25e: {  	v32 =	vperm.xlane v31, v0;
	_ =	sdelay $0x1  }
0x25f: {  	v31 =	vmin.f32 v31, v32  }
0x260: {  	v32 =	vperm.xlane v31, v1;
	_ =	sdelay $0x1  }
0x261: {  	v31 =	vmin.f32 v31, v32  }
0x262: {  	v32 =	vperm.xlane v31, v2;
	_ =	sdelay $0x1  }
0x263: {  	v31 =	vmin.f32 v31, v32  }
0x264: {  	v32 =	vperm.xlane v31, v3;
	_ =	sdelay $0x1  }
0x265: {  	v31 =	vmin.f32 v31, v32  }
0x266: {  	vm0 =	vgt.f32 v10, v31  }
0x267: {  	v55 =	vnsel vm0, $0x7F800000, v10  }
0x268: {  	vm0 =	vgt.f32 v5, v31;
	v56 =	vmin.f32 v5, v55  }
0x269: {  	v32 =	vsel vm0, v56, v55  }
0x26a: {  	vm0 =	vgt.f32 v8, v31;
	v33 =	vmin.f32 v32, v8  }
0x26b: {  	v32 =	vsel vm0, v33, v32  }
0x26c: {  	vm0 =	vgt.f32 v6, v31;
	v33 =	vmin.f32 v32, v6  }
0x26d: {  	v32 =	vsel vm0, v33, v32  }
0x26e: {  	vm0 =	vgt.f32 v7, v31;
	v33 =	vmin.f32 v32, v7  }
0x26f: {  	v32 =	vsel vm0, v33, v32  }
0x270: {  	vm0 =	vgt.f32 v9, v31;
	v33 =	vmin.f32 v32, v9  }
0x271: {  	v32 =	vsel vm0, v33, v32  }
0x272: {  	vm0 =	vgt.f32 v11, v31;
	v33 =	vmin.f32 v32, v11  }
0x273: {  	v32 =	vsel vm0, v33, v32  }
0x274: {  	vm0 =	vgt.f32 v13, v31;
	v33 =	vmin.f32 v32, v13  }
0x275: {  	v32 =	vsel vm0, v33, v32  }
0x276: {  	vm0 =	vgt.f32 v12, v31;
	v33 =	vmin.f32 v32, v12  }
0x277: {  	v32 =	vsel vm0, v33, v32  }
0x278: {  	vm0 =	vgt.f32 v14, v31;
	v33 =	vmin.f32 v32, v14  }
0x279: {  	v32 =	vsel vm0, v33, v32  }
0x27a: {  	vm0 =	vgt.f32 v15, v31;
	v33 =	vmin.f32 v32, v15  }
0x27b: {  	v32 =	vsel vm0, v33, v32  }
0x27c: {  	vm0 =	vgt.f32 v16, v31;
	v33 =	vmin.f32 v32, v16  }
0x27d: {  	v32 =	vsel vm0, v33, v32  }
0x27e: {  	vm0 =	vgt.f32 v17, v31;
	v33 =	vmin.f32 v32, v17  }
0x27f: {  	v32 =	vsel vm0, v33, v32  }
0x280: {  	vm0 =	vgt.f32 v18, v31;
	v33 =	vmin.f32 v32, v18  }
0x281: {  	v32 =	vsel vm0, v33, v32  }
0x282: {  	vm0 =	vgt.f32 v63, v31;
	v33 =	vmin.f32 v32, v63  }
0x283: {  	v32 =	vsel vm0, v33, v32  }
0x284: {  	vm0 =	vgt.f32 v20, v31;
	v33 =	vmin.f32 v32, v20  }
0x285: {  	v32 =	vsel vm0, v33, v32  }
0x286: {  	v33 =	vperm.xlane v32, v0;
	_ =	sdelay $0x1  }
0x287: {  	v32 =	vmin.f32 v32, v33  }
0x288: {  	v33 =	vperm.xlane v32, v1;
	_ =	sdelay $0x1  }
0x289: {  	v32 =	vmin.f32 v32, v33  }
0x28a: {  	v33 =	vperm.xlane v32, v2;
	_ =	sdelay $0x1  }
0x28b: {  	v32 =	vmin.f32 v32, v33  }
0x28c: {  	v33 =	vperm.xlane v32, v3;
	_ =	sdelay $0x1  }
0x28d: {  	v32 =	vmin.f32 v32, v33  }
0x28e: {  	vm0 =	vgt.f32 v10, v32  }
0x28f: {  	v57 =	vnsel vm0, $0x7F800000, v10  }
0x290: {  	vm0 =	vgt.f32 v5, v32;
	v58 =	vmin.f32 v5, v57  }
0x291: {  	v33 =	vsel vm0, v58, v57  }
0x292: {  	vm0 =	vgt.f32 v8, v32;
	v34 =	vmin.f32 v33, v8  }
0x293: {  	v33 =	vsel vm0, v34, v33  }
0x294: {  	vm0 =	vgt.f32 v6, v32;
	v34 =	vmin.f32 v33, v6  }
0x295: {  	v33 =	vsel vm0, v34, v33  }
0x296: {  	vm0 =	vgt.f32 v7, v32;
	v34 =	vmin.f32 v33, v7  }
0x297: {  	v33 =	vsel vm0, v34, v33  }
0x298: {  	vm0 =	vgt.f32 v9, v32;
	v34 =	vmin.f32 v33, v9  }
0x299: {  	v33 =	vsel vm0, v34, v33  }
0x29a: {  	vm0 =	vgt.f32 v11, v32;
	v34 =	vmin.f32 v33, v11  }
0x29b: {  	v33 =	vsel vm0, v34, v33  }
0x29c: {  	vm0 =	vgt.f32 v13, v32;
	v34 =	vmin.f32 v33, v13  }
0x29d: {  	v33 =	vsel vm0, v34, v33  }
0x29e: {  	vm0 =	vgt.f32 v12, v32;
	v34 =	vmin.f32 v33, v12  }
0x29f: {  	v33 =	vsel vm0, v34, v33  }
0x2a0: {  	vm0 =	vgt.f32 v14, v32;
	v34 =	vmin.f32 v33, v14  }
0x2a1: {  	v33 =	vsel vm0, v34, v33  }
0x2a2: {  	vm0 =	vgt.f32 v15, v32;
	v34 =	vmin.f32 v33, v15  }
0x2a3: {  	v33 =	vsel vm0, v34, v33  }
0x2a4: {  	vm0 =	vgt.f32 v16, v32;
	v34 =	vmin.f32 v33, v16  }
0x2a5: {  	v33 =	vsel vm0, v34, v33  }
0x2a6: {  	vm0 =	vgt.f32 v17, v32;
	v34 =	vmin.f32 v33, v17  }
0x2a7: {  	v33 =	vsel vm0, v34, v33  }
0x2a8: {  	vm0 =	vgt.f32 v18, v32;
	v34 =	vmin.f32 v33, v18  }
0x2a9: {  	v33 =	vsel vm0, v34, v33  }
0x2aa: {  	vm0 =	vgt.f32 v63, v32;
	v34 =	vmin.f32 v33, v63  }
0x2ab: {  	v33 =	vsel vm0, v34, v33  }
0x2ac: {  	vm0 =	vgt.f32 v20, v32;
	v34 =	vmin.f32 v33, v20  }
0x2ad: {  	v33 =	vsel vm0, v34, v33  }
0x2ae: {  	v34 =	vperm.xlane v33, v0;
	_ =	sdelay $0x1  }
0x2af: {  	v33 =	vmin.f32 v33, v34  }
0x2b0: {  	v34 =	vperm.xlane v33, v1;
	_ =	sdelay $0x1  }
0x2b1: {  	v33 =	vmin.f32 v33, v34  }
0x2b2: {  	v34 =	vperm.xlane v33, v2;
	_ =	sdelay $0x1  }
0x2b3: {  	v33 =	vmin.f32 v33, v34  }
0x2b4: {  	v34 =	vperm.xlane v33, v3;
	_ =	sdelay $0x1  }
0x2b5: {  	v33 =	vmin.f32 v33, v34  }
0x2b6: {  	vm0 =	vgt.f32 v10, v33  }
0x2b7: {  	v59 =	vnsel vm0, $0x7F800000, v10  }
0x2b8: {  	vm0 =	vgt.f32 v5, v33;
	v60 =	vmin.f32 v5, v59  }
0x2b9: {  	v34 =	vsel vm0, v60, v59  }
0x2ba: {  	vm0 =	vgt.f32 v8, v33;
	v35 =	vmin.f32 v34, v8  }
0x2bb: {  	v34 =	vsel vm0, v35, v34  }
0x2bc: {  	vm0 =	vgt.f32 v6, v33;
	v35 =	vmin.f32 v34, v6  }
0x2bd: {  	v34 =	vsel vm0, v35, v34  }
0x2be: {  	vm0 =	vgt.f32 v7, v33;
	v35 =	vmin.f32 v34, v7  }
0x2bf: {  	v34 =	vsel vm0, v35, v34  }
0x2c0: {  	vm0 =	vgt.f32 v9, v33;
	v35 =	vmin.f32 v34, v9  }
0x2c1: {  	v34 =	vsel vm0, v35, v34  }
0x2c2: {  	vm0 =	vgt.f32 v11, v33;
	v35 =	vmin.f32 v34, v11  }
0x2c3: {  	v34 =	vsel vm0, v35, v34  }
0x2c4: {  	vm0 =	vgt.f32 v13, v33;
	v35 =	vmin.f32 v34, v13  }
0x2c5: {  	v34 =	vsel vm0, v35, v34  }
0x2c6: {  	vm0 =	vgt.f32 v12, v33;
	v35 =	vmin.f32 v34, v12  }
0x2c7: {  	v34 =	vsel vm0, v35, v34  }
0x2c8: {  	vm0 =	vgt.f32 v14, v33;
	v35 =	vmin.f32 v34, v14  }
0x2c9: {  	v34 =	vsel vm0, v35, v34  }
0x2ca: {  	vm0 =	vgt.f32 v15, v33;
	v35 =	vmin.f32 v34, v15  }
0x2cb: {  	v34 =	vsel vm0, v35, v34  }
0x2cc: {  	vm0 =	vgt.f32 v16, v33;
	v35 =	vmin.f32 v34, v16  }
0x2cd: {  	v34 =	vsel vm0, v35, v34  }
0x2ce: {  	vm0 =	vgt.f32 v17, v33;
	v35 =	vmin.f32 v34, v17  }
0x2cf: {  	v34 =	vsel vm0, v35, v34  }
0x2d0: {  	vm0 =	vgt.f32 v18, v33;
	v35 =	vmin.f32 v34, v18  }
0x2d1: {  	v34 =	vsel vm0, v35, v34  }
0x2d2: {  	vm0 =	vgt.f32 v63, v33;
	v35 =	vmin.f32 v34, v63  }
0x2d3: {  	v34 =	vsel vm0, v35, v34  }
0x2d4: {  	vm0 =	vgt.f32 v20, v33;
	v35 =	vmin.f32 v34, v20  }
0x2d5: {  	v34 =	vsel vm0, v35, v34  }
0x2d6: {  	v35 =	vperm.xlane v34, v0;
	_ =	sdelay $0x1  }
0x2d7: {  	v34 =	vmin.f32 v34, v35  }
0x2d8: {  	v35 =	vperm.xlane v34, v1;
	_ =	sdelay $0x1  }
0x2d9: {  	v34 =	vmin.f32 v34, v35  }
0x2da: {  	v35 =	vperm.xlane v34, v2;
	_ =	sdelay $0x1  }
0x2db: {  	v34 =	vmin.f32 v34, v35  }
0x2dc: {  	v35 =	vperm.xlane v34, v3;
	_ =	sdelay $0x1  }
0x2dd: {  	v34 =	vmin.f32 v34, v35  }
0x2de: {  	vm0 =	vgt.f32 v10, v34  }
0x2df: {  	v61 =	vnsel vm0, $0x7F800000, v10  }
0x2e0: {  	vm0 =	vgt.f32 v5, v34;
	v62 =	vmin.f32 v5, v61  }
0x2e1: {  	v35 =	vsel vm0, v62, v61  }
0x2e2: {  	vm0 =	vgt.f32 v8, v34;
	v36 =	vmin.f32 v35, v8  }
0x2e3: {  	v35 =	vsel vm0, v36, v35  }
0x2e4: {  	vm0 =	vgt.f32 v6, v34;
	v36 =	vmin.f32 v35, v6  }
0x2e5: {  	v35 =	vsel vm0, v36, v35  }
0x2e6: {  	vm0 =	vgt.f32 v7, v34;
	v36 =	vmin.f32 v35, v7  }
0x2e7: {  	v35 =	vsel vm0, v36, v35  }
0x2e8: {  	vm0 =	vgt.f32 v9, v34;
	v36 =	vmin.f32 v35, v9  }
0x2e9: {  	v35 =	vsel vm0, v36, v35  }
0x2ea: {  	vm0 =	vgt.f32 v11, v34;
	v36 =	vmin.f32 v35, v11  }
0x2eb: {  	v35 =	vsel vm0, v36, v35  }
0x2ec: {  	vm0 =	vgt.f32 v13, v34;
	v36 =	vmin.f32 v35, v13  }
0x2ed: {  	v35 =	vsel vm0, v36, v35  }
0x2ee: {  	vm0 =	vgt.f32 v12, v34;
	v36 =	vmin.f32 v35, v12  }
0x2ef: {  	v35 =	vsel vm0, v36, v35  }
0x2f0: {  	vm0 =	vgt.f32 v14, v34;
	v36 =	vmin.f32 v35, v14  }
0x2f1: {  	v35 =	vsel vm0, v36, v35  }
0x2f2: {  	vm0 =	vgt.f32 v15, v34;
	v36 =	vmin.f32 v35, v15  }
0x2f3: {  	v35 =	vsel vm0, v36, v35  }
0x2f4: {  	vm0 =	vgt.f32 v16, v34;
	v36 =	vmin.f32 v35, v16  }
0x2f5: {  	v35 =	vsel vm0, v36, v35  }
0x2f6: {  	vm0 =	vgt.f32 v17, v34;
	v36 =	vmin.f32 v35, v17  }
0x2f7: {  	v35 =	vsel vm0, v36, v35  }
0x2f8: {  	vm0 =	vgt.f32 v18, v34;
	v36 =	vmin.f32 v35, v18  }
0x2f9: {  	v35 =	vsel vm0, v36, v35  }
0x2fa: {  	vm0 =	vgt.f32 v63, v34;
	v36 =	vmin.f32 v35, v63  }
0x2fb: {  	v35 =	vsel vm0, v36, v35  }
0x2fc: {  	vm0 =	vgt.f32 v20, v34;
	v36 =	vmin.f32 v35, v20  }
0x2fd: {  	v35 =	vsel vm0, v36, v35  }
0x2fe: {  	v36 =	vperm.xlane v35, v0;
	_ =	sdelay $0x1  }
0x2ff: {  	v35 =	vmin.f32 v35, v36  }
0x300: {  	v36 =	vperm.xlane v35, v1;
	_ =	sdelay $0x1  }
0x301: {  	v35 =	vmin.f32 v35, v36  }
0x302: {  	v36 =	vperm.xlane v35, v2;
	_ =	sdelay $0x1  }
0x303: {  	v35 =	vmin.f32 v35, v36  }
0x304: {  	v36 =	vperm.xlane v35, v3;
	_ =	sdelay $0x1  }
0x305: {  	v35 =	vmin.f32 v35, v36  }
0x306: {  	vm0 =	vgt.f32 v10, v35  }
0x307: {  	v10 =	vnsel vm0, $0x7F800000, v10  }
0x308: {  	vm0 =	vgt.f32 v5, v35;
	v5 =	vmin.f32 v5, v10  }
0x309: {  	v5 =	vsel vm0, v5, v10  }
0x30a: {  	vm0 =	vgt.f32 v8, v35;
	v8 =	vmin.f32 v5, v8  }
0x30b: {  	v5 =	vsel vm0, v8, v5  }
0x30c: {  	vm0 =	vgt.f32 v6, v35;
	v6 =	vmin.f32 v5, v6  }
0x30d: {  	v5 =	vsel vm0, v6, v5  }
0x30e: {  	vm0 =	vgt.f32 v7, v35;
	v6 =	vmin.f32 v5, v7  }
0x30f: {  	v5 =	vsel vm0, v6, v5  }
0x310: {  	vm0 =	vgt.f32 v9, v35;
	v6 =	vmin.f32 v5, v9  }
0x311: {  	v5 =	vsel vm0, v6, v5  }
0x312: {  	vm0 =	vgt.f32 v11, v35;
	v6 =	vmin.f32 v5, v11  }
0x313: {  	v5 =	vsel vm0, v6, v5  }
0x314: {  	vm0 =	vgt.f32 v13, v35;
	v6 =	vmin.f32 v5, v13  }
0x315: {  	v5 =	vsel vm0, v6, v5  }
0x316: {  	vm0 =	vgt.f32 v12, v35;
	v6 =	vmin.f32 v5, v12  }
0x317: {  	v5 =	vsel vm0, v6, v5  }
0x318: {  	vm0 =	vgt.f32 v14, v35;
	v6 =	vmin.f32 v5, v14  }
0x319: {  	v5 =	vsel vm0, v6, v5  }
0x31a: {  	vm0 =	vgt.f32 v15, v35;
	v6 =	vmin.f32 v5, v15  }
0x31b: {  	v5 =	vsel vm0, v6, v5  }
0x31c: {  	vm0 =	vgt.f32 v16, v35;
	v6 =	vmin.f32 v5, v16  }
0x31d: {  	v5 =	vsel vm0, v6, v5  }
0x31e: {  	vm0 =	vgt.f32 v17, v35;
	v6 =	vmin.f32 v5, v17  }
0x31f: {  	v5 =	vsel vm0, v6, v5  }
0x320: {  	vm0 =	vgt.f32 v18, v35;
	v6 =	vmin.f32 v5, v18  }
0x321: {  	v5 =	vsel vm0, v6, v5  }
0x322: {  	vm0 =	vgt.f32 v63, v35;
	v6 =	vmin.f32 v5, v63  }
0x323: {  	v5 =	vsel vm0, v6, v5;
	v6 =	vld [tilespmem:$0x1FFF0];
	_ =	sdelay $0x4  }
0x324: {  	vm0 =	vnez.u8 v6  }
0x325: {  	v7 =	vmin.f32 v5, v20;
	v6 =	vsel vm0, v21, v22;
	vm0 =	vgt.f32 v20, v35  }
0x326: {  	v5 =	vsel vm0, v7, v5;
	v6 =	vsel vm1, v6, v23  }
0x327: {  	v6 =	vsel vm2, v6, v24;
	v7 =	vperm.xlane v5, v0  }
0x328: {  	v6 =	vsel vm3, v6, v25  }
0x329: {  	v6 =	vsel vm4, v6, v26;
	v5 =	vmin.f32 v5, v7  }
0x32a: {  	v6 =	vsel vm5, v6, v27;
	v7 =	vperm.xlane v5, v1  }
0x32b: {  	v6 =	vsel vm6, v6, v28  }
0x32c: {  	v6 =	vsel vm7, v6, v29;
	v5 =	vmin.f32 v5, v7  }
0x32d: {  	v6 =	vsel vm8, v6, v30;
	v7 =	vperm.xlane v5, v2  }
0x32e: {  	v6 =	vsel vm9, v6, v31  }
0x32f: {  	v6 =	vsel vm10, v6, v32;
	v5 =	vmin.f32 v5, v7  }
0x330: {  	v6 =	vsel vm11, v6, v33;
	v7 =	vperm.xlane v5, v3  }
0x331: {  	v6 =	vsel vm12, v6, v34  }
0x332: {  	v6 =	vsel vm13, v6, v35;
	v5 =	vmin.f32 v5, v7  }
0x333: {  	v5 =	vsel vm14, v6, v5  }
0x334: {  	v5 =	vadd.f32 $9.999999960e-13, v5;
	_ =	sdelay $0x1  }
0x335: {  	v6 =	vshra.s32 v5, $0x1;
	v7 =	vmul.f32 $5.000000000e-01, v5  }
0x336: {  	v6 =	vsub.s32 $0x5F3759DF, v6  }
0x337: {  	v63 =	vmul.f32 v6, v7;
	_ =	sdelay $0x1  }
0x338: {  	v8 =	vmul.f32 v6, v63;
	_ =	sdelay $0x1  }
0x339: {  	v8 =	vsub.f32 $1.500000000e+00, v8;
	_ =	sdelay $0x1  }
0x33a: {  	v6 =	vmul.f32 v6, v8;
	_ =	sdelay $0x1  }
0x33b: {  	v8 =	vmul.f32 v6, v7;
	_ =	sdelay $0x1  }
0x33c: {  	v8 =	vmul.f32 v8, v6;
	_ =	sdelay $0x1  }
0x33d: {  	v8 =	vsub.f32 $1.500000000e+00, v8;
	_ =	sdelay $0x1  }
0x33e: {  	v6 =	vmul.f32 v8, v6;
	_ =	sdelay $0x1  }
0x33f: {  	v7 =	vmul.f32 v6, v7;
	_ =	sdelay $0x1  }
0x340: {  	v7 =	vmul.f32 v7, v6;
	_ =	sdelay $0x1  }
0x341: {  	s11 =	sadd.s32 $0x1, s11;
	v7 =	vsub.f32 $1.500000000e+00, v7  }
0x342: {  	p0 =	sne.s32 s11, $0x60  }
.Ltmp1:
0x343: {  	v6 =	vmul.f32 v7, v6;
	(pc) =	sbr.rel @p0 .LBB2_2-.Ltmp1, $3  }
0x344: {  	_ = 	snop  }
0x345: {  	v5 =	vmul.f32 v6, v5;
	_ =	sdelay $0x1  }
0x346: {  	v4 =	vadd.f32 v5, v4  }
0x347: {  	s10 =	sadd.s32 $0x1, s10  }
0x348: {  	p0 =	sne.s32 s10, s6  }
.Ltmp2:
0x349: {  	[tilespmem:$0xD000] =	vst v4;
	(pc) =	sbr.rel @p0 .LBB2_1-.Ltmp2, $4  }
0x34a: {  	[hbm4b:s5+s2] =	stream.linear.scatter [tilespmem:s9], [sflag:$0x1], $0x80, $0x38;
	[tilespmem:$0xD080] =	vst v63  }
0x34b: {  	_ =	swait.ge [sflag:s7], $0x80  }
0x34c: {  	[sflag:s7] =	ssyncset.done $0x0  }
0x34d: {  	[sflag:s7] =	ssyncadd.s32 $0xFFFFFF80  }
0x34e: {  	_ =	sfence.sel $0x180000  }
0x34f: {  	[bflag:$0x0] =	sbarrier.arrive $0xFFFF  }
0x350: {  	p0 =	sne.s32 s0, $0x0;
	_ =	strace $0x90000047  }
0x351: {  	s0 =	sadd.s32 @!p0 $0x100000, s1;
	[bflag:$0x2] =	sbarrier.arrive $0xFFFF  }
0x352: {  	[sflag:s0] =	ssyncadd.tile.s32 @!p0 $0x1;
	_ =	shalt  }
.Lfunc_end2:
_tile_overlayer_lowered:
.L_overlay_start_2:
0x353: {  	(tag) =	ssettag $0x2  }
0x354: {  	s0 =	rddreg [dreg:$0x0];
	s2 =	stileid.u32  }
0x355: {  	s1 =	rddreg [dreg:$0x1];
	p0 =	sne.s32 s2, $0x0  }
0x356: {  	s3 =	rddreg [dreg:$0x2];
	[bflag:$0x3] =	sbarrier.arrive $0xFFFF;
	s2 =	simm.s32 @!p0 $0x1C01  }
0x357: {  	[timem:s3], [sflag:s2] =	dma.local @!p0 [hbm:s0], s1  }
0x358: {  	s0 =	simm.s32 @!p0 $0x1  }
0x359: {  	_ =	swait.ge @!p0 [sflag:s0], s1  }
0x35a: {  	s1 =	ssub.s32 @!p0 $0x0, s1;
	[sflag:s0] =	ssyncset.done @!p0 $0x0  }
0x35b: {  	[sflag:s0] =	ssyncadd.s32 @!p0 s1  }
0x35c: {  	[bflag:$0x3] =	sbarrier.arrive $0xFFFF  }
0x35d: {  	_ =	shalt  }

</sc_bundles>
